<compile_context>
chip_gen: v7x
topology: tpu7x:2x2x1
jax: 0.10.2.dev20260603
libtpu: 0.0.44.dev20260713+nightly
codegen_flags: <defaults>
</compile_context>

<pallas_src>
import functools

import jax
import jax.numpy as jnp
from jax import lax
from jax.experimental import pallas as pl
from jax.experimental.pallas import tpu as pltpu
from jax.experimental.pallas import tpu_sc as plsc

N = 10000
N_PAD = 10240
F = 128
E_PAD = 327680
EROWS = E_PAD // 128
NC, NS = 2, 16
ROWS_PER_TILE = N_PAD // NS


def _mesh():
    return plsc.VectorSubcoreMesh(core_axis_name="c", subcore_axis_name="s",
                                  num_cores=NC, num_subcores=NS)


def _deg_body(dst_hbm, ones_hbm, zeros_hbm, deg_out, dstv, onesv, zerosv,
              deg_sh, sem):
    c = lax.axis_index("c")
    s = lax.axis_index("s")
    nrows = EROWS // (NC * NS)
    row0 = (c * NS + s) * nrows

    pltpu.sync_copy(zeros_hbm.at[pl.ds(0, ROWS_PER_TILE)], zerosv)
    pltpu.sync_copy(zerosv, deg_sh.at[pl.ds(s * ROWS_PER_TILE, ROWS_PER_TILE)])
    pltpu.sync_copy(ones_hbm.at[pl.ds(0, 128)], onesv)
    pltpu.sync_copy(dst_hbm.at[pl.ds(row0, nrows)], dstv)
    pltpu.sync_copy(deg_sh.at[pl.ds(s * ROWS_PER_TILE + ROWS_PER_TILE - 128,
                                    128)], onesv)
    pltpu.sync_copy(ones_hbm.at[pl.ds(0, 128)], onesv)
    plsc.subcore_barrier()

    def step(g, carry):
        pltpu.sync_copy(onesv, deg_sh.at[dstv.at[g]], add=True)
        return carry

    lax.fori_loop(0, nrows, step, 0, unroll=False)
    plsc.subcore_barrier()
    pltpu.sync_copy(dst_hbm.at[pl.ds(row0, 8)], dstv.at[pl.ds(0, 8)])
    plsc.subcore_barrier()
    pltpu.sync_copy(deg_sh.at[pl.ds(s * ROWS_PER_TILE, ROWS_PER_TILE)],
                    deg_out.at[c, pl.ds(s * ROWS_PER_TILE, ROWS_PER_TILE)])


def _deg_kernel(dst2d, ones_hbm, zeros_hbm):
    return pl.kernel(
        _deg_body,
        out_type=jax.ShapeDtypeStruct((NC, N_PAD), jnp.float32),
        mesh=_mesh(),
        scratch_types=[
            pltpu.VMEM((EROWS // (NC * NS), 128), jnp.int32),
            pltpu.VMEM((128,), jnp.float32),
            pltpu.VMEM((ROWS_PER_TILE,), jnp.float32),
            pltpu.VMEM_SHARED((N_PAD,), jnp.float32),
            pltpu.SemaphoreType.DMA,
        ],
    )(dst2d, ones_hbm, zeros_hbm)


STAGE = 40


def _spmm_body(table_per_core, src_hbm, dst_hbm, h_hbm, out_hbm,
               srcv, dstv, rows_a, rows_b, acc_sh, gsem_a, gsem_b):
    c = lax.axis_index("c")
    s = lax.axis_index("s")
    if table_per_core:
        table = h_hbm.at[c]
        nrows = EROWS // NS
        row0 = s * nrows
    else:
        table = h_hbm
        nrows = EROWS // (NC * NS)
        row0 = (c * NS + s) * nrows

    tile_rows = pl.ds(s * ROWS_PER_TILE, ROWS_PER_TILE)
    pltpu.sync_copy(table.at[tile_rows], acc_sh.at[tile_rows])
    pltpu.sync_copy(
        acc_sh.at[pl.ds(s * ROWS_PER_TILE + ROWS_PER_TILE - 128, 128)],
        rows_a)
    plsc.subcore_barrier()

    def pair(p, carry):
        g0 = 2 * p
        pltpu.make_async_copy(table.at[srcv.at[g0]], rows_a, gsem_a).wait()
        pltpu.async_copy(table.at[srcv.at[g0 + 1]], rows_b, gsem_b)
        pltpu.sync_copy(rows_a, acc_sh.at[dstv.at[g0]], add=True)
        pltpu.make_async_copy(table.at[srcv.at[g0 + 1]], rows_b, gsem_b).wait()
        g2 = jnp.where(g0 + 2 < STAGE, g0 + 2, 0)
        pltpu.async_copy(table.at[srcv.at[g2]], rows_a, gsem_a)
        pltpu.sync_copy(rows_b, acc_sh.at[dstv.at[g0 + 1]], add=True)
        return carry

    for st in range(nrows // STAGE):
        pltpu.sync_copy(src_hbm.at[pl.ds(row0 + st * STAGE, STAGE)], srcv)
        pltpu.sync_copy(dst_hbm.at[pl.ds(row0 + st * STAGE, STAGE)], dstv)
        pltpu.async_copy(table.at[srcv.at[0]], rows_a, gsem_a)
        lax.fori_loop(0, STAGE // 2, pair, 0, unroll=False)
        pltpu.make_async_copy(table.at[srcv.at[0]], rows_a, gsem_a).wait()
    plsc.subcore_barrier()
    pltpu.sync_copy(table.at[pl.ds(0, 128)], rows_a)
    plsc.subcore_barrier()
    pltpu.sync_copy(acc_sh.at[tile_rows], out_hbm.at[c].at[tile_rows])


def _spmm(src2d, dst2d, table, table_per_core):
    return pl.kernel(
        functools.partial(_spmm_body, table_per_core),
        out_type=jax.ShapeDtypeStruct((NC, N_PAD, F), jnp.float32),
        mesh=_mesh(),
        scratch_types=[
            pltpu.VMEM((STAGE, 128), jnp.int32),
            pltpu.VMEM((STAGE, 128), jnp.int32),
            pltpu.VMEM((128, F), jnp.float32),
            pltpu.VMEM((128, F), jnp.float32),
            pltpu.VMEM_SHARED((N_PAD, F), jnp.float32),
            pltpu.SemaphoreType.DMA,
            pltpu.SemaphoreType.DMA,
        ],
    )(src2d, dst2d, table)


BN = 512
BN3 = 1024


def _k1_body(x_ref, w_ref, deg_ref, out_ref):
    dinv = lax.rsqrt(deg_ref[0, :] + deg_ref[1, :] + 1.0)[:, None]
    t = jnp.dot(x_ref[...], w_ref[...], preferred_element_type=jnp.float32)
    out_ref[0] = t[:, :F] * dinv
    out_ref[1] = t[:, F:] * dinv


def _k1(xp, W1, deg2):
    return pl.pallas_call(
        _k1_body,
        grid=(N_PAD // BN,),
        in_specs=[
            pl.BlockSpec((BN, 128), lambda i: (i, 0)),
            pl.BlockSpec((128, 2 * F), lambda i: (0, 0)),
            pl.BlockSpec((NC, BN), lambda i: (0, i)),
        ],
        out_specs=pl.BlockSpec((NC, BN, F), lambda i: (0, i, 0)),
        out_shape=jax.ShapeDtypeStruct((NC, N_PAD, F), jnp.float32),
    )(xp, W1, deg2)


def _k2_body(s1_ref, deg_ref, b1_ref, w2_ref, out_ref):
    dinv = lax.rsqrt(deg_ref[0, :] + deg_ref[1, :] + 1.0)[:, None]
    b1 = b1_ref[...]
    z0 = jnp.maximum(s1_ref[0] * dinv + b1[:F][None, :], 0.0)
    z1 = jnp.maximum(s1_ref[1] * dinv + b1[F:][None, :], 0.0)
    t = (jnp.dot(z0, w2_ref[:F], preferred_element_type=jnp.float32)
         + jnp.dot(z1, w2_ref[F:], preferred_element_type=jnp.float32))
    out_ref[...] = t * dinv


def _k2(s1, deg2, b1, W2):
    return pl.pallas_call(
        _k2_body,
        grid=(N_PAD // BN,),
        in_specs=[
            pl.BlockSpec((NC, BN, F), lambda i: (0, i, 0)),
            pl.BlockSpec((NC, BN), lambda i: (0, i)),
            pl.BlockSpec((2 * F,), lambda i: (0,)),
            pl.BlockSpec((2 * F, F), lambda i: (0, 0)),
        ],
        out_specs=pl.BlockSpec((BN, F), lambda i: (i, 0)),
        out_shape=jax.ShapeDtypeStruct((N_PAD, F), jnp.float32),
    )(s1, deg2, b1, W2)


def _k3_body(s2_ref, h2p_ref, deg_ref, b2_ref, out_ref):
    dinv = lax.rsqrt(deg_ref[0, :] + deg_ref[1, :] + 1.0)[:, None]
    agg = s2_ref[0] + s2_ref[1] - h2p_ref[...]
    out_ref[...] = agg * dinv + b2_ref[...][None, :]


def _k3(s2, h2p, deg2, b2):
    return pl.pallas_call(
        _k3_body,
        grid=(N_PAD // BN3,),
        in_specs=[
            pl.BlockSpec((NC, BN3, F), lambda i: (0, i, 0)),
            pl.BlockSpec((BN3, F), lambda i: (i, 0)),
            pl.BlockSpec((NC, BN3), lambda i: (0, i)),
            pl.BlockSpec((F,), lambda i: (0,)),
        ],
        out_specs=pl.BlockSpec((BN3, F), lambda i: (i, 0)),
        out_shape=jax.ShapeDtypeStruct((N, F), jnp.float32),
    )(s2, h2p, deg2, b2)


def kernel(x, edge_index, W1, b1, W2, b2):
    e = edge_index.astype(jnp.int32)
    ne = e.shape[1]
    pad_n = E_PAD - ne
    pad = jnp.arange(pad_n, dtype=jnp.int32)
    pad2d = jnp.stack([pad % 61, N + (pad % 64)]).reshape(2, pad_n // 128, 128)
    e3 = jnp.concatenate([e.reshape(2, ne // 128, 128), pad2d], axis=1)
    src2d = e3[0]
    dst2d = e3[1]
    xp = jnp.zeros((N_PAD, 128), jnp.float32).at[:N].set(x)
    ones_h = jnp.ones((128,), jnp.float32)
    zeros_h = jnp.zeros((ROWS_PER_TILE,), jnp.float32)

    deg2 = _deg_kernel(dst2d, ones_h, zeros_h)
    h1p = _k1(xp, W1, deg2)
    s1 = _spmm(src2d, dst2d, h1p, table_per_core=True)
    h2p = _k2(s1, deg2, b1, W2)
    s2 = _spmm(src2d, dst2d, h2p, table_per_core=False)
    return _k3(s2, h2p, deg2, b2)

# --- scband reference (transcript-rebuilt; emitter-appended) ---
"""Pipeline reference for scband-gcn-28200755265792 (READ-ONLY COPY).

The authoritative reference and input builder live on the scoring server;
editing this copy changes nothing except your own understanding.
"""

import jax, jax.numpy as jnp
import numpy as np

N_NODES = 10000


def gcn_conv(x, edge_index, W, b):
    n = x.shape[0]
    src = edge_index[0]
    dst = edge_index[1]
    # add self-loops (PyG GCNConv default)
    loops = jnp.arange(n, dtype=src.dtype)
    src = jnp.concatenate([src, loops])
    dst = jnp.concatenate([dst, loops])
    # linear transform
    h = x @ W
    # symmetric normalization deg^-1/2 * A_hat * deg^-1/2
    deg = jnp.zeros((n,), dtype=x.dtype).at[dst].add(1.0)
    deg_inv_sqrt = jnp.where(deg > 0, 1.0 / jnp.sqrt(deg), 0.0)
    norm = deg_inv_sqrt[src] * deg_inv_sqrt[dst]
    msg = h[src] * norm[:, None]
    out = jnp.zeros((n, W.shape[1]), dtype=x.dtype).at[dst].add(msg)
    return out + b


def setup_inputs(seed: int = 0) -> dict:
    key = jax.random.key(seed)
    k1, k2, k3, k4, k5, k6 = jax.random.split(key, 6)
    x = jax.random.normal(k1, (N_NODES, 128), dtype=jnp.float32)
    edge_index = jax.random.randint(k2, (2, 320000), 0, N_NODES, dtype=jnp.int64)
    # glorot-ish init for weights, zeros for bias (PyG defaults)
    W1 = jax.random.normal(k3, (128, 256), dtype=jnp.float32) * (1.0 / np.sqrt(128))
    b1 = jnp.zeros((256,), dtype=jnp.float32)
    W2 = jax.random.normal(k4, (256, 128), dtype=jnp.float32) * (1.0 / np.sqrt(256))
    b2 = jnp.zeros((128,), dtype=jnp.float32)
    return {"x": x, "edge_index": edge_index, "W1": W1, "b1": b1, "W2": W2, "b2": b2}


def reference(x, edge_index, W1, b1, W2, b2):
    h = gcn_conv(x, edge_index, W1, b1)
    h = jax.nn.relu(h)
    out = gcn_conv(h, edge_index, W2, b2)
    return out

if __name__ == "__main__":
    import jax
    _d = setup_inputs()
    print(jax.jit(kernel)(*tuple(_d.values())))

</pallas_src>

<mosaic_0001>
#map = affine_map<(d0, d1) -> (0, 0)>
#map1 = affine_map<(d0, d1) -> (0, 0, 0)>
module attributes {stable_mosaic.version = 14 : i64} {
  func.func @_spmm_body(%arg0: i32, %arg1: i32, %arg2: memref<2560x128xi32, #tpu.memory_space<hbm>>, %arg3: memref<2560x128xi32, #tpu.memory_space<hbm>>, %arg4: memref<10240x128xf32, #tpu.memory_space<hbm>>, %arg5: memref<2x10240x128xf32, #tpu.memory_space<hbm>>, %arg6: memref<40x128xi32, #tpu.memory_space<vmem>>, %arg7: memref<40x128xi32, #tpu.memory_space<vmem>>, %arg8: memref<128x128xf32, #tpu.memory_space<vmem>>, %arg9: memref<128x128xf32, #tpu.memory_space<vmem>>, %arg10: memref<10240x128xf32, #tpu.memory_space<vmem_shared>>, %arg11: memref<!tpu.dma_semaphore, #tpu.memory_space<semaphore_mem>>, %arg12: memref<!tpu.dma_semaphore, #tpu.memory_space<semaphore_mem>>) attributes {dimension_semantics = [#tpu.dimension_semantics<core_parallel>, #tpu.dimension_semantics<subcore_parallel>], iteration_bounds = array<i64: 2, 16>, scalar_prefetch = 0 : i64, scratch_operands = 7 : i64, tpu.core_type = #tpu.core_type<sc_vector_subcore>, window_params = [{transform_indices = #map}, {transform_indices = #map}, {transform_indices = #map}, {transform_indices = #map1}]} {
    %mul3A = arith.constant 16 : i32
    %mul3A_0 = arith.muli %arg0, %mul3A : i32
    %add3A = arith.addi %mul3A_0, %arg1 : i32
    %mul3A_1 = arith.constant 80 : i32
    %mul3A_2 = arith.muli %add3A, %mul3A_1 : i32
    %mul3A_3 = arith.constant 640 : i32
    %mul3A_4 = arith.muli %arg1, %mul3A_3 : i32
    "tpu.region"() ({
      %run_scoped3A = tpu.sem_alloc : memref<!tpu.dma_semaphore, #tpu.memory_space<semaphore_mem>>
      %dma_start3A_57 = arith.constant 0 : i32
      %dma_start3A_58 = tpu.memref_slice %arg10[%mul3A_4, %dma_start3A_57] : memref<10240x128xf32, #tpu.memory_space<vmem_shared>> -> memref<640x128xf32, #tpu.memory_space<vmem_shared>>
      %dma_start3A_59 = arith.constant 0 : i32
      %dma_start3A_60 = tpu.memref_slice %arg4[%mul3A_4, %dma_start3A_59] : memref<10240x128xf32, #tpu.memory_space<hbm>> -> memref<640x128xf32, #tpu.memory_space<hbm>>
      tpu.enqueue_dma source(%dma_start3A_60 : memref<640x128xf32, #tpu.memory_space<hbm>>) target(%dma_start3A_58 : memref<640x128xf32, #tpu.memory_space<vmem_shared>>) target_semaphore(%run_scoped3A : memref<!tpu.dma_semaphore, #tpu.memory_space<semaphore_mem>>)
      %dma_wait3A_61 = arith.constant 0 : i32
      %dma_wait3A_62 = tpu.memref_slice %arg10[%mul3A_4, %dma_wait3A_61] : memref<10240x128xf32, #tpu.memory_space<vmem_shared>> -> memref<640x128xf32, #tpu.memory_space<vmem_shared>>
      %dma_wait3A_63 = arith.constant 0 : i32
      %dma_wait3A_64 = tpu.memref_slice %arg4[%mul3A_4, %dma_wait3A_63] : memref<10240x128xf32, #tpu.memory_space<hbm>> -> memref<640x128xf32, #tpu.memory_space<hbm>>
      tpu.wait_dma2 semaphore(%run_scoped3A : memref<!tpu.dma_semaphore, #tpu.memory_space<semaphore_mem>>) src(%dma_wait3A_64 : memref<640x128xf32, #tpu.memory_space<hbm>>) dst(%dma_wait3A_62 : memref<640x128xf32, #tpu.memory_space<vmem_shared>>)
      tpu.yield
    }) : () -> ()
    %mul3A_5 = arith.constant 640 : i32
    %mul3A_6 = arith.muli %arg1, %mul3A_5 : i32
    %add3A_7 = arith.constant 640 : i32
    %add3A_8 = arith.addi %mul3A_6, %add3A_7 : i32
    %sub3A = arith.constant 128 : i32
    %sub3A_9 = arith.subi %add3A_8, %sub3A : i32
    "tpu.region"() ({
      %run_scoped3A = tpu.sem_alloc : memref<!tpu.dma_semaphore, #tpu.memory_space<semaphore_mem>>
      %dma_start3A_57 = arith.constant 0 : i32
      %dma_start3A_58 = tpu.memref_slice %arg10[%sub3A_9, %dma_start3A_57] : memref<10240x128xf32, #tpu.memory_space<vmem_shared>> -> memref<128x128xf32, #tpu.memory_space<vmem_shared>>
      %dma_start3A_59 = arith.constant 0 : i32
      %dma_start3A_60 = tpu.memref_slice %arg10[%sub3A_9, %dma_start3A_59] : memref<10240x128xf32, #tpu.memory_space<vmem_shared>> -> memref<128x128xf32, #tpu.memory_space<vmem_shared>>
      tpu.enqueue_dma source(%dma_start3A_60 : memref<128x128xf32, #tpu.memory_space<vmem_shared>>) target(%arg8 : memref<128x128xf32, #tpu.memory_space<vmem>>) target_semaphore(%run_scoped3A : memref<!tpu.dma_semaphore, #tpu.memory_space<semaphore_mem>>)
      %dma_wait3A_61 = arith.constant 0 : i32
      %dma_wait3A_62 = tpu.memref_slice %arg10[%sub3A_9, %dma_wait3A_61] : memref<10240x128xf32, #tpu.memory_space<vmem_shared>> -> memref<128x128xf32, #tpu.memory_space<vmem_shared>>
      %dma_wait3A_63 = arith.constant 0 : i32
      %dma_wait3A_64 = tpu.memref_slice %arg10[%sub3A_9, %dma_wait3A_63] : memref<10240x128xf32, #tpu.memory_space<vmem_shared>> -> memref<128x128xf32, #tpu.memory_space<vmem_shared>>
      tpu.wait_dma2 semaphore(%run_scoped3A : memref<!tpu.dma_semaphore, #tpu.memory_space<semaphore_mem>>) src(%dma_wait3A_64 : memref<128x128xf32, #tpu.memory_space<vmem_shared>>) dst(%arg8 : memref<128x128xf32, #tpu.memory_space<vmem>>)
      tpu.yield
    }) : () -> ()
    %barrier3A = arith.constant 0 : index
    tpu.barrier barrier_id(%barrier3A)
    %add3A_10 = arith.constant 0 : i32
    %add3A_11 = arith.addi %mul3A_2, %add3A_10 : i32
    "tpu.region"() ({
      %run_scoped3A = tpu.sem_alloc : memref<!tpu.dma_semaphore, #tpu.memory_space<semaphore_mem>>
      %dma_start3A_57 = arith.constant 0 : i32
      %dma_start3A_58 = tpu.memref_slice %arg2[%add3A_11, %dma_start3A_57] : memref<2560x128xi32, #tpu.memory_space<hbm>> -> memref<40x128xi32, #tpu.memory_space<hbm>>
      %dma_start3A_59 = arith.constant 0 : i32
      %dma_start3A_60 = tpu.memref_slice %arg2[%add3A_11, %dma_start3A_59] : memref<2560x128xi32, #tpu.memory_space<hbm>> -> memref<40x128xi32, #tpu.memory_space<hbm>>
      tpu.enqueue_dma source(%dma_start3A_60 : memref<40x128xi32, #tpu.memory_space<hbm>>) target(%arg6 : memref<40x128xi32, #tpu.memory_space<vmem>>) target_semaphore(%run_scoped3A : memref<!tpu.dma_semaphore, #tpu.memory_space<semaphore_mem>>)
      %dma_wait3A_61 = arith.constant 0 : i32
      %dma_wait3A_62 = tpu.memref_slice %arg2[%add3A_11, %dma_wait3A_61] : memref<2560x128xi32, #tpu.memory_space<hbm>> -> memref<40x128xi32, #tpu.memory_space<hbm>>
      %dma_wait3A_63 = arith.constant 0 : i32
      %dma_wait3A_64 = tpu.memref_slice %arg2[%add3A_11, %dma_wait3A_63] : memref<2560x128xi32, #tpu.memory_space<hbm>> -> memref<40x128xi32, #tpu.memory_space<hbm>>
      tpu.wait_dma2 semaphore(%run_scoped3A : memref<!tpu.dma_semaphore, #tpu.memory_space<semaphore_mem>>) src(%dma_wait3A_64 : memref<40x128xi32, #tpu.memory_space<hbm>>) dst(%arg6 : memref<40x128xi32, #tpu.memory_space<vmem>>)
      tpu.yield
    }) : () -> ()
    %add3A_12 = arith.constant 0 : i32
    %add3A_13 = arith.addi %mul3A_2, %add3A_12 : i32
    "tpu.region"() ({
      %run_scoped3A = tpu.sem_alloc : memref<!tpu.dma_semaphore, #tpu.memory_space<semaphore_mem>>
      %dma_start3A_57 = arith.constant 0 : i32
      %dma_start3A_58 = tpu.memref_slice %arg3[%add3A_13, %dma_start3A_57] : memref<2560x128xi32, #tpu.memory_space<hbm>> -> memref<40x128xi32, #tpu.memory_space<hbm>>
      %dma_start3A_59 = arith.constant 0 : i32
      %dma_start3A_60 = tpu.memref_slice %arg3[%add3A_13, %dma_start3A_59] : memref<2560x128xi32, #tpu.memory_space<hbm>> -> memref<40x128xi32, #tpu.memory_space<hbm>>
      tpu.enqueue_dma source(%dma_start3A_60 : memref<40x128xi32, #tpu.memory_space<hbm>>) target(%arg7 : memref<40x128xi32, #tpu.memory_space<vmem>>) target_semaphore(%run_scoped3A : memref<!tpu.dma_semaphore, #tpu.memory_space<semaphore_mem>>)
      %dma_wait3A_61 = arith.constant 0 : i32
      %dma_wait3A_62 = tpu.memref_slice %arg3[%add3A_13, %dma_wait3A_61] : memref<2560x128xi32, #tpu.memory_space<hbm>> -> memref<40x128xi32, #tpu.memory_space<hbm>>
      %dma_wait3A_63 = arith.constant 0 : i32
      %dma_wait3A_64 = tpu.memref_slice %arg3[%add3A_13, %dma_wait3A_63] : memref<2560x128xi32, #tpu.memory_space<hbm>> -> memref<40x128xi32, #tpu.memory_space<hbm>>
      tpu.wait_dma2 semaphore(%run_scoped3A : memref<!tpu.dma_semaphore, #tpu.memory_space<semaphore_mem>>) src(%dma_wait3A_64 : memref<40x128xi32, #tpu.memory_space<hbm>>) dst(%arg7 : memref<40x128xi32, #tpu.memory_space<vmem>>)
      tpu.yield
    }) : () -> ()
    %dma_start3A = arith.constant 0 : i32
    %dma_start3A_14 = arith.constant 0 : i32
    %dma_start3A_15 = tpu.memref_slice %arg6[%dma_start3A, %dma_start3A_14] : memref<40x128xi32, #tpu.memory_space<vmem>> -> memref<1x128xi32, #tpu.memory_space<vmem>>
    %dma_start3A_16 = tpu.memref_squeeze %dma_start3A_15 : memref<1x128xi32, #tpu.memory_space<vmem>> -> memref<128xi32, #tpu.memory_space<vmem>>
    %dma_start3A_17 = arith.constant 0 : i32
    %dma_start3A_18 = arith.constant 0 : i32
    %dma_start3A_19 = tpu.memref_slice %arg4[%dma_start3A_17, %dma_start3A_18] : memref<10240x128xf32, #tpu.memory_space<hbm>> -> memref<10240x128xf32, #tpu.memory_space<hbm>>
    tpu.enqueue_indirect_dma source(%dma_start3A_19 : memref<10240x128xf32, #tpu.memory_space<hbm>>) target(%arg8 : memref<128x128xf32, #tpu.memory_space<vmem>>) offsets(%dma_start3A_16 : memref<128xi32, #tpu.memory_space<vmem>>) semaphore(%arg11 : memref<!tpu.dma_semaphore, #tpu.memory_space<semaphore_mem>>)
    %scan3A = arith.constant 0 : i32
    %scan3A_20 = arith.constant 0 : i32
    %scan3A_21 = arith.constant 20 : i32
    %scan3A_22 = arith.addi %scan3A_20, %scan3A_21 : i32
    %scan3A_23 = arith.constant 1 : i32
    scf.for %scan3A_57 = %scan3A_20 to %scan3A_22 step %scan3A_23  : i32 {
      %mul3A_58 = arith.constant 2 : i32
      %mul3A_59 = arith.muli %mul3A_58, %scan3A_57 : i32
      %dma_wait3A_60 = arith.constant 0 : i32
      %dma_wait3A_61 = tpu.memref_slice %arg6[%mul3A_59, %dma_wait3A_60] : memref<40x128xi32, #tpu.memory_space<vmem>> -> memref<1x128xi32, #tpu.memory_space<vmem>>
      %dma_wait3A_62 = tpu.memref_squeeze %dma_wait3A_61 : memref<1x128xi32, #tpu.memory_space<vmem>> -> memref<128xi32, #tpu.memory_space<vmem>>
      %dma_wait3A_63 = arith.constant 0 : i32
      %dma_wait3A_64 = arith.constant 0 : i32
      %dma_wait3A_65 = tpu.memref_slice %arg4[%dma_wait3A_63, %dma_wait3A_64] : memref<10240x128xf32, #tpu.memory_space<hbm>> -> memref<10240x128xf32, #tpu.memory_space<hbm>>
      tpu.wait_indirect_dma semaphore(%arg11 : memref<!tpu.dma_semaphore, #tpu.memory_space<semaphore_mem>>) src(%dma_wait3A_65 : memref<10240x128xf32, #tpu.memory_space<hbm>>) dst(%arg8 : memref<128x128xf32, #tpu.memory_space<vmem>>)
      %add3A_66 = arith.constant 1 : i32
      %add3A_67 = arith.addi %mul3A_59, %add3A_66 : i32
      %dma_start3A_68 = arith.constant 0 : i32
      %dma_start3A_69 = tpu.memref_slice %arg6[%add3A_67, %dma_start3A_68] : memref<40x128xi32, #tpu.memory_space<vmem>> -> memref<1x128xi32, #tpu.memory_space<vmem>>
      %dma_start3A_70 = tpu.memref_squeeze %dma_start3A_69 : memref<1x128xi32, #tpu.memory_space<vmem>> -> memref<128xi32, #tpu.memory_space<vmem>>
      %dma_start3A_71 = arith.constant 0 : i32
      %dma_start3A_72 = arith.constant 0 : i32
      %dma_start3A_73 = tpu.memref_slice %arg4[%dma_start3A_71, %dma_start3A_72] : memref<10240x128xf32, #tpu.memory_space<hbm>> -> memref<10240x128xf32, #tpu.memory_space<hbm>>
      tpu.enqueue_indirect_dma source(%dma_start3A_73 : memref<10240x128xf32, #tpu.memory_space<hbm>>) target(%arg9 : memref<128x128xf32, #tpu.memory_space<vmem>>) offsets(%dma_start3A_70 : memref<128xi32, #tpu.memory_space<vmem>>) semaphore(%arg12 : memref<!tpu.dma_semaphore, #tpu.memory_space<semaphore_mem>>)
      "tpu.region"() ({
        %run_scoped3A = tpu.sem_alloc : memref<!tpu.dma_semaphore, #tpu.memory_space<semaphore_mem>>
        %dma_start3A_95 = arith.constant 0 : i32
        %dma_start3A_96 = tpu.memref_slice %arg7[%mul3A_59, %dma_start3A_95] : memref<40x128xi32, #tpu.memory_space<vmem>> -> memref<1x128xi32, #tpu.memory_space<vmem>>
        %dma_start3A_97 = tpu.memref_squeeze %dma_start3A_96 : memref<1x128xi32, #tpu.memory_space<vmem>> -> memref<128xi32, #tpu.memory_space<vmem>>
        %dma_start3A_98 = arith.constant 0 : i32
        %dma_start3A_99 = arith.constant 0 : i32
        %dma_start3A_100 = tpu.memref_slice %arg10[%dma_start3A_98, %dma_start3A_99] : memref<10240x128xf32, #tpu.memory_space<vmem_shared>> -> memref<10240x128xf32, #tpu.memory_space<vmem_shared>>
        tpu.enqueue_indirect_dma source(%arg8 : memref<128x128xf32, #tpu.memory_space<vmem>>) target(%dma_start3A_100 : memref<10240x128xf32, #tpu.memory_space<vmem_shared>>) offsets(%dma_start3A_97 : memref<128xi32, #tpu.memory_space<vmem>>) semaphore(%run_scoped3A : memref<!tpu.dma_semaphore, #tpu.memory_space<semaphore_mem>>) {add = true}
        %dma_wait3A_101 = arith.constant 0 : i32
        %dma_wait3A_102 = tpu.memref_slice %arg7[%mul3A_59, %dma_wait3A_101] : memref<40x128xi32, #tpu.memory_space<vmem>> -> memref<1x128xi32, #tpu.memory_space<vmem>>
        %dma_wait3A_103 = tpu.memref_squeeze %dma_wait3A_102 : memref<1x128xi32, #tpu.memory_space<vmem>> -> memref<128xi32, #tpu.memory_space<vmem>>
        %dma_wait3A_104 = arith.constant 0 : i32
        %dma_wait3A_105 = arith.constant 0 : i32
        %dma_wait3A_106 = tpu.memref_slice %arg10[%dma_wait3A_104, %dma_wait3A_105] : memref<10240x128xf32, #tpu.memory_space<vmem_shared>> -> memref<10240x128xf32, #tpu.memory_space<vmem_shared>>
        tpu.wait_indirect_dma semaphore(%run_scoped3A : memref<!tpu.dma_semaphore, #tpu.memory_space<semaphore_mem>>) src(%arg8 : memref<128x128xf32, #tpu.memory_space<vmem>>) dst(%dma_wait3A_106 : memref<10240x128xf32, #tpu.memory_space<vmem_shared>>)
        tpu.yield
      }) : () -> ()
      %add3A_74 = arith.constant 1 : i32
      %add3A_75 = arith.addi %mul3A_59, %add3A_74 : i32
      %dma_wait3A_76 = arith.constant 0 : i32
      %dma_wait3A_77 = tpu.memref_slice %arg6[%add3A_75, %dma_wait3A_76] : memref<40x128xi32, #tpu.memory_space<vmem>> -> memref<1x128xi32, #tpu.memory_space<vmem>>
      %dma_wait3A_78 = tpu.memref_squeeze %dma_wait3A_77 : memref<1x128xi32, #tpu.memory_space<vmem>> -> memref<128xi32, #tpu.memory_space<vmem>>
      %dma_wait3A_79 = arith.constant 0 : i32
      %dma_wait3A_80 = arith.constant 0 : i32
      %dma_wait3A_81 = tpu.memref_slice %arg4[%dma_wait3A_79, %dma_wait3A_80] : memref<10240x128xf32, #tpu.memory_space<hbm>> -> memref<10240x128xf32, #tpu.memory_space<hbm>>
      tpu.wait_indirect_dma semaphore(%arg12 : memref<!tpu.dma_semaphore, #tpu.memory_space<semaphore_mem>>) src(%dma_wait3A_81 : memref<10240x128xf32, #tpu.memory_space<hbm>>) dst(%arg9 : memref<128x128xf32, #tpu.memory_space<vmem>>)
      %add3A_82 = arith.constant 2 : i32
      %add3A_83 = arith.addi %mul3A_59, %add3A_82 : i32
      %lt3A = arith.constant 40 : i32
      %lt3A_84 = arith.cmpi slt, %add3A_83, %lt3A : i32
      %add3A_85 = arith.constant 2 : i32
      %add3A_86 = arith.addi %mul3A_59, %add3A_85 : i32
      %jit3A = arith.constant 0 : i32
      %select_n3A = arith.select %lt3A_84, %add3A_86, %jit3A : i32
      %dma_start3A_87 = arith.constant 0 : i32
      %dma_start3A_88 = tpu.memref_slice %arg6[%select_n3A, %dma_start3A_87] : memref<40x128xi32, #tpu.memory_space<vmem>> -> memref<1x128xi32, #tpu.memory_space<vmem>>
      %dma_start3A_89 = tpu.memref_squeeze %dma_start3A_88 : memref<1x128xi32, #tpu.memory_space<vmem>> -> memref<128xi32, #tpu.memory_space<vmem>>
      %dma_start3A_90 = arith.constant 0 : i32
      %dma_start3A_91 = arith.constant 0 : i32
      %dma_start3A_92 = tpu.memref_slice %arg4[%dma_start3A_90, %dma_start3A_91] : memref<10240x128xf32, #tpu.memory_space<hbm>> -> memref<10240x128xf32, #tpu.memory_space<hbm>>
      tpu.enqueue_indirect_dma source(%dma_start3A_92 : memref<10240x128xf32, #tpu.memory_space<hbm>>) target(%arg8 : memref<128x128xf32, #tpu.memory_space<vmem>>) offsets(%dma_start3A_89 : memref<128xi32, #tpu.memory_space<vmem>>) semaphore(%arg11 : memref<!tpu.dma_semaphore, #tpu.memory_space<semaphore_mem>>)
      %add3A_93 = arith.constant 1 : i32
      %add3A_94 = arith.addi %mul3A_59, %add3A_93 : i32
      "tpu.region"() ({
        %run_scoped3A = tpu.sem_alloc : memref<!tpu.dma_semaphore, #tpu.memory_space<semaphore_mem>>
        %dma_start3A_95 = arith.constant 0 : i32
        %dma_start3A_96 = tpu.memref_slice %arg7[%add3A_94, %dma_start3A_95] : memref<40x128xi32, #tpu.memory_space<vmem>> -> memref<1x128xi32, #tpu.memory_space<vmem>>
        %dma_start3A_97 = tpu.memref_squeeze %dma_start3A_96 : memref<1x128xi32, #tpu.memory_space<vmem>> -> memref<128xi32, #tpu.memory_space<vmem>>
        %dma_start3A_98 = arith.constant 0 : i32
        %dma_start3A_99 = arith.constant 0 : i32
        %dma_start3A_100 = tpu.memref_slice %arg10[%dma_start3A_98, %dma_start3A_99] : memref<10240x128xf32, #tpu.memory_space<vmem_shared>> -> memref<10240x128xf32, #tpu.memory_space<vmem_shared>>
        tpu.enqueue_indirect_dma source(%arg9 : memref<128x128xf32, #tpu.memory_space<vmem>>) target(%dma_start3A_100 : memref<10240x128xf32, #tpu.memory_space<vmem_shared>>) offsets(%dma_start3A_97 : memref<128xi32, #tpu.memory_space<vmem>>) semaphore(%run_scoped3A : memref<!tpu.dma_semaphore, #tpu.memory_space<semaphore_mem>>) {add = true}
        %dma_wait3A_101 = arith.constant 0 : i32
        %dma_wait3A_102 = tpu.memref_slice %arg7[%add3A_94, %dma_wait3A_101] : memref<40x128xi32, #tpu.memory_space<vmem>> -> memref<1x128xi32, #tpu.memory_space<vmem>>
        %dma_wait3A_103 = tpu.memref_squeeze %dma_wait3A_102 : memref<1x128xi32, #tpu.memory_space<vmem>> -> memref<128xi32, #tpu.memory_space<vmem>>
        %dma_wait3A_104 = arith.constant 0 : i32
        %dma_wait3A_105 = arith.constant 0 : i32
        %dma_wait3A_106 = tpu.memref_slice %arg10[%dma_wait3A_104, %dma_wait3A_105] : memref<10240x128xf32, #tpu.memory_space<vmem_shared>> -> memref<10240x128xf32, #tpu.memory_space<vmem_shared>>
        tpu.wait_indirect_dma semaphore(%run_scoped3A : memref<!tpu.dma_semaphore, #tpu.memory_space<semaphore_mem>>) src(%arg9 : memref<128x128xf32, #tpu.memory_space<vmem>>) dst(%dma_wait3A_106 : memref<10240x128xf32, #tpu.memory_space<vmem_shared>>)
        tpu.yield
      }) : () -> ()
    }
    %scan3A_24 = arith.constant 20 : i32
    %dma_wait3A = arith.constant 0 : i32
    %dma_wait3A_25 = arith.constant 0 : i32
    %dma_wait3A_26 = tpu.memref_slice %arg6[%dma_wait3A, %dma_wait3A_25] : memref<40x128xi32, #tpu.memory_space<vmem>> -> memref<1x128xi32, #tpu.memory_space<vmem>>
    %dma_wait3A_27 = tpu.memref_squeeze %dma_wait3A_26 : memref<1x128xi32, #tpu.memory_space<vmem>> -> memref<128xi32, #tpu.memory_space<vmem>>
    %dma_wait3A_28 = arith.constant 0 : i32
    %dma_wait3A_29 = arith.constant 0 : i32
    %dma_wait3A_30 = tpu.memref_slice %arg4[%dma_wait3A_28, %dma_wait3A_29] : memref<10240x128xf32, #tpu.memory_space<hbm>> -> memref<10240x128xf32, #tpu.memory_space<hbm>>
    tpu.wait_indirect_dma semaphore(%arg11 : memref<!tpu.dma_semaphore, #tpu.memory_space<semaphore_mem>>) src(%dma_wait3A_30 : memref<10240x128xf32, #tpu.memory_space<hbm>>) dst(%arg8 : memref<128x128xf32, #tpu.memory_space<vmem>>)
    %add3A_31 = arith.constant 40 : i32
    %add3A_32 = arith.addi %mul3A_2, %add3A_31 : i32
    "tpu.region"() ({
      %run_scoped3A = tpu.sem_alloc : memref<!tpu.dma_semaphore, #tpu.memory_space<semaphore_mem>>
      %dma_start3A_57 = arith.constant 0 : i32
      %dma_start3A_58 = tpu.memref_slice %arg2[%add3A_32, %dma_start3A_57] : memref<2560x128xi32, #tpu.memory_space<hbm>> -> memref<40x128xi32, #tpu.memory_space<hbm>>
      %dma_start3A_59 = arith.constant 0 : i32
      %dma_start3A_60 = tpu.memref_slice %arg2[%add3A_32, %dma_start3A_59] : memref<2560x128xi32, #tpu.memory_space<hbm>> -> memref<40x128xi32, #tpu.memory_space<hbm>>
      tpu.enqueue_dma source(%dma_start3A_60 : memref<40x128xi32, #tpu.memory_space<hbm>>) target(%arg6 : memref<40x128xi32, #tpu.memory_space<vmem>>) target_semaphore(%run_scoped3A : memref<!tpu.dma_semaphore, #tpu.memory_space<semaphore_mem>>)
      %dma_wait3A_61 = arith.constant 0 : i32
      %dma_wait3A_62 = tpu.memref_slice %arg2[%add3A_32, %dma_wait3A_61] : memref<2560x128xi32, #tpu.memory_space<hbm>> -> memref<40x128xi32, #tpu.memory_space<hbm>>
      %dma_wait3A_63 = arith.constant 0 : i32
      %dma_wait3A_64 = tpu.memref_slice %arg2[%add3A_32, %dma_wait3A_63] : memref<2560x128xi32, #tpu.memory_space<hbm>> -> memref<40x128xi32, #tpu.memory_space<hbm>>
      tpu.wait_dma2 semaphore(%run_scoped3A : memref<!tpu.dma_semaphore, #tpu.memory_space<semaphore_mem>>) src(%dma_wait3A_64 : memref<40x128xi32, #tpu.memory_space<hbm>>) dst(%arg6 : memref<40x128xi32, #tpu.memory_space<vmem>>)
      tpu.yield
    }) : () -> ()
    %add3A_33 = arith.constant 40 : i32
    %add3A_34 = arith.addi %mul3A_2, %add3A_33 : i32
    "tpu.region"() ({
      %run_scoped3A = tpu.sem_alloc : memref<!tpu.dma_semaphore, #tpu.memory_space<semaphore_mem>>
      %dma_start3A_57 = arith.constant 0 : i32
      %dma_start3A_58 = tpu.memref_slice %arg3[%add3A_34, %dma_start3A_57] : memref<2560x128xi32, #tpu.memory_space<hbm>> -> memref<40x128xi32, #tpu.memory_space<hbm>>
      %dma_start3A_59 = arith.constant 0 : i32
      %dma_start3A_60 = tpu.memref_slice %arg3[%add3A_34, %dma_start3A_59] : memref<2560x128xi32, #tpu.memory_space<hbm>> -> memref<40x128xi32, #tpu.memory_space<hbm>>
      tpu.enqueue_dma source(%dma_start3A_60 : memref<40x128xi32, #tpu.memory_space<hbm>>) target(%arg7 : memref<40x128xi32, #tpu.memory_space<vmem>>) target_semaphore(%run_scoped3A : memref<!tpu.dma_semaphore, #tpu.memory_space<semaphore_mem>>)
      %dma_wait3A_61 = arith.constant 0 : i32
      %dma_wait3A_62 = tpu.memref_slice %arg3[%add3A_34, %dma_wait3A_61] : memref<2560x128xi32, #tpu.memory_space<hbm>> -> memref<40x128xi32, #tpu.memory_space<hbm>>
      %dma_wait3A_63 = arith.constant 0 : i32
      %dma_wait3A_64 = tpu.memref_slice %arg3[%add3A_34, %dma_wait3A_63] : memref<2560x128xi32, #tpu.memory_space<hbm>> -> memref<40x128xi32, #tpu.memory_space<hbm>>
      tpu.wait_dma2 semaphore(%run_scoped3A : memref<!tpu.dma_semaphore, #tpu.memory_space<semaphore_mem>>) src(%dma_wait3A_64 : memref<40x128xi32, #tpu.memory_space<hbm>>) dst(%arg7 : memref<40x128xi32, #tpu.memory_space<vmem>>)
      tpu.yield
    }) : () -> ()
    %dma_start3A_35 = arith.constant 0 : i32
    %dma_start3A_36 = arith.constant 0 : i32
    %dma_start3A_37 = tpu.memref_slice %arg6[%dma_start3A_35, %dma_start3A_36] : memref<40x128xi32, #tpu.memory_space<vmem>> -> memref<1x128xi32, #tpu.memory_space<vmem>>
    %dma_start3A_38 = tpu.memref_squeeze %dma_start3A_37 : memref<1x128xi32, #tpu.memory_space<vmem>> -> memref<128xi32, #tpu.memory_space<vmem>>
    %dma_start3A_39 = arith.constant 0 : i32
    %dma_start3A_40 = arith.constant 0 : i32
    %dma_start3A_41 = tpu.memref_slice %arg4[%dma_start3A_39, %dma_start3A_40] : memref<10240x128xf32, #tpu.memory_space<hbm>> -> memref<10240x128xf32, #tpu.memory_space<hbm>>
    tpu.enqueue_indirect_dma source(%dma_start3A_41 : memref<10240x128xf32, #tpu.memory_space<hbm>>) target(%arg8 : memref<128x128xf32, #tpu.memory_space<vmem>>) offsets(%dma_start3A_38 : memref<128xi32, #tpu.memory_space<vmem>>) semaphore(%arg11 : memref<!tpu.dma_semaphore, #tpu.memory_space<semaphore_mem>>)
    %scan3A_42 = arith.constant 0 : i32
    %scan3A_43 = arith.constant 0 : i32
    %scan3A_44 = arith.constant 20 : i32
    %scan3A_45 = arith.addi %scan3A_43, %scan3A_44 : i32
    %scan3A_46 = arith.constant 1 : i32
    scf.for %scan3A_57 = %scan3A_43 to %scan3A_45 step %scan3A_46  : i32 {
      %mul3A_58 = arith.constant 2 : i32
      %mul3A_59 = arith.muli %mul3A_58, %scan3A_57 : i32
      %dma_wait3A_60 = arith.constant 0 : i32
      %dma_wait3A_61 = tpu.memref_slice %arg6[%mul3A_59, %dma_wait3A_60] : memref<40x128xi32, #tpu.memory_space<vmem>> -> memref<1x128xi32, #tpu.memory_space<vmem>>
      %dma_wait3A_62 = tpu.memref_squeeze %dma_wait3A_61 : memref<1x128xi32, #tpu.memory_space<vmem>> -> memref<128xi32, #tpu.memory_space<vmem>>
      %dma_wait3A_63 = arith.constant 0 : i32
      %dma_wait3A_64 = arith.constant 0 : i32
      %dma_wait3A_65 = tpu.memref_slice %arg4[%dma_wait3A_63, %dma_wait3A_64] : memref<10240x128xf32, #tpu.memory_space<hbm>> -> memref<10240x128xf32, #tpu.memory_space<hbm>>
      tpu.wait_indirect_dma semaphore(%arg11 : memref<!tpu.dma_semaphore, #tpu.memory_space<semaphore_mem>>) src(%dma_wait3A_65 : memref<10240x128xf32, #tpu.memory_space<hbm>>) dst(%arg8 : memref<128x128xf32, #tpu.memory_space<vmem>>)
      %add3A_66 = arith.constant 1 : i32
      %add3A_67 = arith.addi %mul3A_59, %add3A_66 : i32
      %dma_start3A_68 = arith.constant 0 : i32
      %dma_start3A_69 = tpu.memref_slice %arg6[%add3A_67, %dma_start3A_68] : memref<40x128xi32, #tpu.memory_space<vmem>> -> memref<1x128xi32, #tpu.memory_space<vmem>>
      %dma_start3A_70 = tpu.memref_squeeze %dma_start3A_69 : memref<1x128xi32, #tpu.memory_space<vmem>> -> memref<128xi32, #tpu.memory_space<vmem>>
      %dma_start3A_71 = arith.constant 0 : i32
      %dma_start3A_72 = arith.constant 0 : i32
      %dma_start3A_73 = tpu.memref_slice %arg4[%dma_start3A_71, %dma_start3A_72] : memref<10240x128xf32, #tpu.memory_space<hbm>> -> memref<10240x128xf32, #tpu.memory_space<hbm>>
      tpu.enqueue_indirect_dma source(%dma_start3A_73 : memref<10240x128xf32, #tpu.memory_space<hbm>>) target(%arg9 : memref<128x128xf32, #tpu.memory_space<vmem>>) offsets(%dma_start3A_70 : memref<128xi32, #tpu.memory_space<vmem>>) semaphore(%arg12 : memref<!tpu.dma_semaphore, #tpu.memory_space<semaphore_mem>>)
      "tpu.region"() ({
        %run_scoped3A = tpu.sem_alloc : memref<!tpu.dma_semaphore, #tpu.memory_space<semaphore_mem>>
        %dma_start3A_95 = arith.constant 0 : i32
        %dma_start3A_96 = tpu.memref_slice %arg7[%mul3A_59, %dma_start3A_95] : memref<40x128xi32, #tpu.memory_space<vmem>> -> memref<1x128xi32, #tpu.memory_space<vmem>>
        %dma_start3A_97 = tpu.memref_squeeze %dma_start3A_96 : memref<1x128xi32, #tpu.memory_space<vmem>> -> memref<128xi32, #tpu.memory_space<vmem>>
        %dma_start3A_98 = arith.constant 0 : i32
        %dma_start3A_99 = arith.constant 0 : i32
        %dma_start3A_100 = tpu.memref_slice %arg10[%dma_start3A_98, %dma_start3A_99] : memref<10240x128xf32, #tpu.memory_space<vmem_shared>> -> memref<10240x128xf32, #tpu.memory_space<vmem_shared>>
        tpu.enqueue_indirect_dma source(%arg8 : memref<128x128xf32, #tpu.memory_space<vmem>>) target(%dma_start3A_100 : memref<10240x128xf32, #tpu.memory_space<vmem_shared>>) offsets(%dma_start3A_97 : memref<128xi32, #tpu.memory_space<vmem>>) semaphore(%run_scoped3A : memref<!tpu.dma_semaphore, #tpu.memory_space<semaphore_mem>>) {add = true}
        %dma_wait3A_101 = arith.constant 0 : i32
        %dma_wait3A_102 = tpu.memref_slice %arg7[%mul3A_59, %dma_wait3A_101] : memref<40x128xi32, #tpu.memory_space<vmem>> -> memref<1x128xi32, #tpu.memory_space<vmem>>
        %dma_wait3A_103 = tpu.memref_squeeze %dma_wait3A_102 : memref<1x128xi32, #tpu.memory_space<vmem>> -> memref<128xi32, #tpu.memory_space<vmem>>
        %dma_wait3A_104 = arith.constant 0 : i32
        %dma_wait3A_105 = arith.constant 0 : i32
        %dma_wait3A_106 = tpu.memref_slice %arg10[%dma_wait3A_104, %dma_wait3A_105] : memref<10240x128xf32, #tpu.memory_space<vmem_shared>> -> memref<10240x128xf32, #tpu.memory_space<vmem_shared>>
        tpu.wait_indirect_dma semaphore(%run_scoped3A : memref<!tpu.dma_semaphore, #tpu.memory_space<semaphore_mem>>) src(%arg8 : memref<128x128xf32, #tpu.memory_space<vmem>>) dst(%dma_wait3A_106 : memref<10240x128xf32, #tpu.memory_space<vmem_shared>>)
        tpu.yield
      }) : () -> ()
      %add3A_74 = arith.constant 1 : i32
      %add3A_75 = arith.addi %mul3A_59, %add3A_74 : i32
      %dma_wait3A_76 = arith.constant 0 : i32
      %dma_wait3A_77 = tpu.memref_slice %arg6[%add3A_75, %dma_wait3A_76] : memref<40x128xi32, #tpu.memory_space<vmem>> -> memref<1x128xi32, #tpu.memory_space<vmem>>
      %dma_wait3A_78 = tpu.memref_squeeze %dma_wait3A_77 : memref<1x128xi32, #tpu.memory_space<vmem>> -> memref<128xi32, #tpu.memory_space<vmem>>
      %dma_wait3A_79 = arith.constant 0 : i32
      %dma_wait3A_80 = arith.constant 0 : i32
      %dma_wait3A_81 = tpu.memref_slice %arg4[%dma_wait3A_79, %dma_wait3A_80] : memref<10240x128xf32, #tpu.memory_space<hbm>> -> memref<10240x128xf32, #tpu.memory_space<hbm>>
      tpu.wait_indirect_dma semaphore(%arg12 : memref<!tpu.dma_semaphore, #tpu.memory_space<semaphore_mem>>) src(%dma_wait3A_81 : memref<10240x128xf32, #tpu.memory_space<hbm>>) dst(%arg9 : memref<128x128xf32, #tpu.memory_space<vmem>>)
      %add3A_82 = arith.constant 2 : i32
      %add3A_83 = arith.addi %mul3A_59, %add3A_82 : i32
      %lt3A = arith.constant 40 : i32
      %lt3A_84 = arith.cmpi slt, %add3A_83, %lt3A : i32
      %add3A_85 = arith.constant 2 : i32
      %add3A_86 = arith.addi %mul3A_59, %add3A_85 : i32
      %jit3A = arith.constant 0 : i32
      %select_n3A = arith.select %lt3A_84, %add3A_86, %jit3A : i32
      %dma_start3A_87 = arith.constant 0 : i32
      %dma_start3A_88 = tpu.memref_slice %arg6[%select_n3A, %dma_start3A_87] : memref<40x128xi32, #tpu.memory_space<vmem>> -> memref<1x128xi32, #tpu.memory_space<vmem>>
      %dma_start3A_89 = tpu.memref_squeeze %dma_start3A_88 : memref<1x128xi32, #tpu.memory_space<vmem>> -> memref<128xi32, #tpu.memory_space<vmem>>
      %dma_start3A_90 = arith.constant 0 : i32
      %dma_start3A_91 = arith.constant 0 : i32
      %dma_start3A_92 = tpu.memref_slice %arg4[%dma_start3A_90, %dma_start3A_91] : memref<10240x128xf32, #tpu.memory_space<hbm>> -> memref<10240x128xf32, #tpu.memory_space<hbm>>
      tpu.enqueue_indirect_dma source(%dma_start3A_92 : memref<10240x128xf32, #tpu.memory_space<hbm>>) target(%arg8 : memref<128x128xf32, #tpu.memory_space<vmem>>) offsets(%dma_start3A_89 : memref<128xi32, #tpu.memory_space<vmem>>) semaphore(%arg11 : memref<!tpu.dma_semaphore, #tpu.memory_space<semaphore_mem>>)
      %add3A_93 = arith.constant 1 : i32
      %add3A_94 = arith.addi %mul3A_59, %add3A_93 : i32
      "tpu.region"() ({
        %run_scoped3A = tpu.sem_alloc : memref<!tpu.dma_semaphore, #tpu.memory_space<semaphore_mem>>
        %dma_start3A_95 = arith.constant 0 : i32
        %dma_start3A_96 = tpu.memref_slice %arg7[%add3A_94, %dma_start3A_95] : memref<40x128xi32, #tpu.memory_space<vmem>> -> memref<1x128xi32, #tpu.memory_space<vmem>>
        %dma_start3A_97 = tpu.memref_squeeze %dma_start3A_96 : memref<1x128xi32, #tpu.memory_space<vmem>> -> memref<128xi32, #tpu.memory_space<vmem>>
        %dma_start3A_98 = arith.constant 0 : i32
        %dma_start3A_99 = arith.constant 0 : i32
        %dma_start3A_100 = tpu.memref_slice %arg10[%dma_start3A_98, %dma_start3A_99] : memref<10240x128xf32, #tpu.memory_space<vmem_shared>> -> memref<10240x128xf32, #tpu.memory_space<vmem_shared>>
        tpu.enqueue_indirect_dma source(%arg9 : memref<128x128xf32, #tpu.memory_space<vmem>>) target(%dma_start3A_100 : memref<10240x128xf32, #tpu.memory_space<vmem_shared>>) offsets(%dma_start3A_97 : memref<128xi32, #tpu.memory_space<vmem>>) semaphore(%run_scoped3A : memref<!tpu.dma_semaphore, #tpu.memory_space<semaphore_mem>>) {add = true}
        %dma_wait3A_101 = arith.constant 0 : i32
        %dma_wait3A_102 = tpu.memref_slice %arg7[%add3A_94, %dma_wait3A_101] : memref<40x128xi32, #tpu.memory_space<vmem>> -> memref<1x128xi32, #tpu.memory_space<vmem>>
        %dma_wait3A_103 = tpu.memref_squeeze %dma_wait3A_102 : memref<1x128xi32, #tpu.memory_space<vmem>> -> memref<128xi32, #tpu.memory_space<vmem>>
        %dma_wait3A_104 = arith.constant 0 : i32
        %dma_wait3A_105 = arith.constant 0 : i32
        %dma_wait3A_106 = tpu.memref_slice %arg10[%dma_wait3A_104, %dma_wait3A_105] : memref<10240x128xf32, #tpu.memory_space<vmem_shared>> -> memref<10240x128xf32, #tpu.memory_space<vmem_shared>>
        tpu.wait_indirect_dma semaphore(%run_scoped3A : memref<!tpu.dma_semaphore, #tpu.memory_space<semaphore_mem>>) src(%arg9 : memref<128x128xf32, #tpu.memory_space<vmem>>) dst(%dma_wait3A_106 : memref<10240x128xf32, #tpu.memory_space<vmem_shared>>)
        tpu.yield
      }) : () -> ()
    }
    %scan3A_47 = arith.constant 20 : i32
    %dma_wait3A_48 = arith.constant 0 : i32
    %dma_wait3A_49 = arith.constant 0 : i32
    %dma_wait3A_50 = tpu.memref_slice %arg6[%dma_wait3A_48, %dma_wait3A_49] : memref<40x128xi32, #tpu.memory_space<vmem>> -> memref<1x128xi32, #tpu.memory_space<vmem>>
    %dma_wait3A_51 = tpu.memref_squeeze %dma_wait3A_50 : memref<1x128xi32, #tpu.memory_space<vmem>> -> memref<128xi32, #tpu.memory_space<vmem>>
    %dma_wait3A_52 = arith.constant 0 : i32
    %dma_wait3A_53 = arith.constant 0 : i32
    %dma_wait3A_54 = tpu.memref_slice %arg4[%dma_wait3A_52, %dma_wait3A_53] : memref<10240x128xf32, #tpu.memory_space<hbm>> -> memref<10240x128xf32, #tpu.memory_space<hbm>>
    tpu.wait_indirect_dma semaphore(%arg11 : memref<!tpu.dma_semaphore, #tpu.memory_space<semaphore_mem>>) src(%dma_wait3A_54 : memref<10240x128xf32, #tpu.memory_space<hbm>>) dst(%arg8 : memref<128x128xf32, #tpu.memory_space<vmem>>)
    %barrier3A_55 = arith.constant 0 : index
    tpu.barrier barrier_id(%barrier3A_55)
    "tpu.region"() ({
      %run_scoped3A = tpu.sem_alloc : memref<!tpu.dma_semaphore, #tpu.memory_space<semaphore_mem>>
      %dma_start3A_57 = arith.constant 0 : i32
      %dma_start3A_58 = arith.constant 0 : i32
      %dma_start3A_59 = tpu.memref_slice %arg4[%dma_start3A_57, %dma_start3A_58] : memref<10240x128xf32, #tpu.memory_space<hbm>> -> memref<128x128xf32, #tpu.memory_space<hbm>>
      %dma_start3A_60 = arith.constant 0 : i32
      %dma_start3A_61 = arith.constant 0 : i32
      %dma_start3A_62 = tpu.memref_slice %arg4[%dma_start3A_60, %dma_start3A_61] : memref<10240x128xf32, #tpu.memory_space<hbm>> -> memref<128x128xf32, #tpu.memory_space<hbm>>
      tpu.enqueue_dma source(%dma_start3A_62 : memref<128x128xf32, #tpu.memory_space<hbm>>) target(%arg8 : memref<128x128xf32, #tpu.memory_space<vmem>>) target_semaphore(%run_scoped3A : memref<!tpu.dma_semaphore, #tpu.memory_space<semaphore_mem>>)
      %dma_wait3A_63 = arith.constant 0 : i32
      %dma_wait3A_64 = arith.constant 0 : i32
      %dma_wait3A_65 = tpu.memref_slice %arg4[%dma_wait3A_63, %dma_wait3A_64] : memref<10240x128xf32, #tpu.memory_space<hbm>> -> memref<128x128xf32, #tpu.memory_space<hbm>>
      %dma_wait3A_66 = arith.constant 0 : i32
      %dma_wait3A_67 = arith.constant 0 : i32
      %dma_wait3A_68 = tpu.memref_slice %arg4[%dma_wait3A_66, %dma_wait3A_67] : memref<10240x128xf32, #tpu.memory_space<hbm>> -> memref<128x128xf32, #tpu.memory_space<hbm>>
      tpu.wait_dma2 semaphore(%run_scoped3A : memref<!tpu.dma_semaphore, #tpu.memory_space<semaphore_mem>>) src(%dma_wait3A_68 : memref<128x128xf32, #tpu.memory_space<hbm>>) dst(%arg8 : memref<128x128xf32, #tpu.memory_space<vmem>>)
      tpu.yield
    }) : () -> ()
    %barrier3A_56 = arith.constant 0 : index
    tpu.barrier barrier_id(%barrier3A_56)
    "tpu.region"() ({
      %run_scoped3A = tpu.sem_alloc : memref<!tpu.dma_semaphore, #tpu.memory_space<semaphore_mem>>
      %dma_start3A_57 = arith.constant 0 : i32
      %dma_start3A_58 = arith.constant 0 : i32
      %dma_start3A_59 = tpu.memref_slice %arg5[%arg0, %dma_start3A_57, %dma_start3A_58] : memref<2x10240x128xf32, #tpu.memory_space<hbm>> -> memref<1x10240x128xf32, #tpu.memory_space<hbm>>
      %dma_start3A_60 = tpu.memref_squeeze %dma_start3A_59 : memref<1x10240x128xf32, #tpu.memory_space<hbm>> -> memref<10240x128xf32, #tpu.memory_space<hbm>>
      %dma_start3A_61 = arith.constant 0 : i32
      %dma_start3A_62 = tpu.memref_slice %dma_start3A_60[%mul3A_4, %dma_start3A_61] : memref<10240x128xf32, #tpu.memory_space<hbm>> -> memref<640x128xf32, #tpu.memory_space<hbm>>
      %dma_start3A_63 = arith.constant 0 : i32
      %dma_start3A_64 = tpu.memref_slice %arg10[%mul3A_4, %dma_start3A_63] : memref<10240x128xf32, #tpu.memory_space<vmem_shared>> -> memref<640x128xf32, #tpu.memory_space<vmem_shared>>
      tpu.enqueue_dma source(%dma_start3A_64 : memref<640x128xf32, #tpu.memory_space<vmem_shared>>) target(%dma_start3A_62 : memref<640x128xf32, #tpu.memory_space<hbm>>) target_semaphore(%run_scoped3A : memref<!tpu.dma_semaphore, #tpu.memory_space<semaphore_mem>>)
      %dma_wait3A_65 = arith.constant 0 : i32
      %dma_wait3A_66 = arith.constant 0 : i32
      %dma_wait3A_67 = tpu.memref_slice %arg5[%arg0, %dma_wait3A_65, %dma_wait3A_66] : memref<2x10240x128xf32, #tpu.memory_space<hbm>> -> memref<1x10240x128xf32, #tpu.memory_space<hbm>>
      %dma_wait3A_68 = tpu.memref_squeeze %dma_wait3A_67 : memref<1x10240x128xf32, #tpu.memory_space<hbm>> -> memref<10240x128xf32, #tpu.memory_space<hbm>>
      %dma_wait3A_69 = arith.constant 0 : i32
      %dma_wait3A_70 = tpu.memref_slice %dma_wait3A_68[%mul3A_4, %dma_wait3A_69] : memref<10240x128xf32, #tpu.memory_space<hbm>> -> memref<640x128xf32, #tpu.memory_space<hbm>>
      %dma_wait3A_71 = arith.constant 0 : i32
      %dma_wait3A_72 = tpu.memref_slice %arg10[%mul3A_4, %dma_wait3A_71] : memref<10240x128xf32, #tpu.memory_space<vmem_shared>> -> memref<640x128xf32, #tpu.memory_space<vmem_shared>>
      tpu.wait_dma2 semaphore(%run_scoped3A : memref<!tpu.dma_semaphore, #tpu.memory_space<semaphore_mem>>) src(%dma_wait3A_72 : memref<640x128xf32, #tpu.memory_space<vmem_shared>>) dst(%dma_wait3A_70 : memref<640x128xf32, #tpu.memory_space<hbm>>)
      tpu.yield
    }) : () -> ()
    return
  }
}

#map = affine_map<(d0, d1) -> (0, 0)>
#map1 = affine_map<(d0, d1) -> (0)>
module attributes {stable_mosaic.version = 14 : i64} {
  func.func @_deg_body(%arg0: i32, %arg1: i32, %arg2: memref<2560x128xi32, #tpu.memory_space<hbm>>, %arg3: memref<128xf32, #tpu.memory_space<hbm>>, %arg4: memref<640xf32, #tpu.memory_space<hbm>>, %arg5: memref<2x10240xf32, #tpu.memory_space<hbm>>, %arg6: memref<80x128xi32, #tpu.memory_space<vmem>>, %arg7: memref<128xf32, #tpu.memory_space<vmem>>, %arg8: memref<640xf32, #tpu.memory_space<vmem>>, %arg9: memref<10240xf32, #tpu.memory_space<vmem_shared>>, %arg10: memref<!tpu.dma_semaphore, #tpu.memory_space<semaphore_mem>>) attributes {dimension_semantics = [#tpu.dimension_semantics<core_parallel>, #tpu.dimension_semantics<subcore_parallel>], iteration_bounds = array<i64: 2, 16>, scalar_prefetch = 0 : i64, scratch_operands = 5 : i64, tpu.core_type = #tpu.core_type<sc_vector_subcore>, window_params = [{transform_indices = #map}, {transform_indices = #map1}, {transform_indices = #map1}, {transform_indices = #map}]} {
    %mul3A = arith.constant 16 : i32
    %mul3A_0 = arith.muli %arg0, %mul3A : i32
    %add3A = arith.addi %mul3A_0, %arg1 : i32
    %mul3A_1 = arith.constant 80 : i32
    %mul3A_2 = arith.muli %add3A, %mul3A_1 : i32
    "tpu.region"() ({
      %run_scoped3A = tpu.sem_alloc : memref<!tpu.dma_semaphore, #tpu.memory_space<semaphore_mem>>
      %dma_start3A = arith.constant 0 : i32
      %dma_start3A_21 = tpu.memref_slice %arg4[%dma_start3A] : memref<640xf32, #tpu.memory_space<hbm>> -> memref<640xf32, #tpu.memory_space<hbm>>
      %dma_start3A_22 = arith.constant 0 : i32
      %dma_start3A_23 = tpu.memref_slice %arg4[%dma_start3A_22] : memref<640xf32, #tpu.memory_space<hbm>> -> memref<640xf32, #tpu.memory_space<hbm>>
      tpu.enqueue_dma source(%dma_start3A_23 : memref<640xf32, #tpu.memory_space<hbm>>) target(%arg8 : memref<640xf32, #tpu.memory_space<vmem>>) target_semaphore(%run_scoped3A : memref<!tpu.dma_semaphore, #tpu.memory_space<semaphore_mem>>)
      %dma_wait3A = arith.constant 0 : i32
      %dma_wait3A_24 = tpu.memref_slice %arg4[%dma_wait3A] : memref<640xf32, #tpu.memory_space<hbm>> -> memref<640xf32, #tpu.memory_space<hbm>>
      %dma_wait3A_25 = arith.constant 0 : i32
      %dma_wait3A_26 = tpu.memref_slice %arg4[%dma_wait3A_25] : memref<640xf32, #tpu.memory_space<hbm>> -> memref<640xf32, #tpu.memory_space<hbm>>
      tpu.wait_dma2 semaphore(%run_scoped3A : memref<!tpu.dma_semaphore, #tpu.memory_space<semaphore_mem>>) src(%dma_wait3A_26 : memref<640xf32, #tpu.memory_space<hbm>>) dst(%arg8 : memref<640xf32, #tpu.memory_space<vmem>>)
      tpu.yield
    }) : () -> ()
    %mul3A_3 = arith.constant 640 : i32
    %mul3A_4 = arith.muli %arg1, %mul3A_3 : i32
    "tpu.region"() ({
      %run_scoped3A = tpu.sem_alloc : memref<!tpu.dma_semaphore, #tpu.memory_space<semaphore_mem>>
      %dma_start3A = tpu.memref_slice %arg9[%mul3A_4] : memref<10240xf32, #tpu.memory_space<vmem_shared>> -> memref<640xf32, #tpu.memory_space<vmem_shared>>
      %dma_start3A_21 = tpu.memref_slice %arg9[%mul3A_4] : memref<10240xf32, #tpu.memory_space<vmem_shared>> -> memref<640xf32, #tpu.memory_space<vmem_shared>>
      tpu.enqueue_dma source(%arg8 : memref<640xf32, #tpu.memory_space<vmem>>) target(%dma_start3A_21 : memref<640xf32, #tpu.memory_space<vmem_shared>>) target_semaphore(%run_scoped3A : memref<!tpu.dma_semaphore, #tpu.memory_space<semaphore_mem>>)
      %dma_wait3A = tpu.memref_slice %arg9[%mul3A_4] : memref<10240xf32, #tpu.memory_space<vmem_shared>> -> memref<640xf32, #tpu.memory_space<vmem_shared>>
      %dma_wait3A_22 = tpu.memref_slice %arg9[%mul3A_4] : memref<10240xf32, #tpu.memory_space<vmem_shared>> -> memref<640xf32, #tpu.memory_space<vmem_shared>>
      tpu.wait_dma2 semaphore(%run_scoped3A : memref<!tpu.dma_semaphore, #tpu.memory_space<semaphore_mem>>) src(%arg8 : memref<640xf32, #tpu.memory_space<vmem>>) dst(%dma_wait3A_22 : memref<640xf32, #tpu.memory_space<vmem_shared>>)
      tpu.yield
    }) : () -> ()
    "tpu.region"() ({
      %run_scoped3A = tpu.sem_alloc : memref<!tpu.dma_semaphore, #tpu.memory_space<semaphore_mem>>
      %dma_start3A = arith.constant 0 : i32
      %dma_start3A_21 = tpu.memref_slice %arg3[%dma_start3A] : memref<128xf32, #tpu.memory_space<hbm>> -> memref<128xf32, #tpu.memory_space<hbm>>
      %dma_start3A_22 = arith.constant 0 : i32
      %dma_start3A_23 = tpu.memref_slice %arg3[%dma_start3A_22] : memref<128xf32, #tpu.memory_space<hbm>> -> memref<128xf32, #tpu.memory_space<hbm>>
      tpu.enqueue_dma source(%dma_start3A_23 : memref<128xf32, #tpu.memory_space<hbm>>) target(%arg7 : memref<128xf32, #tpu.memory_space<vmem>>) target_semaphore(%run_scoped3A : memref<!tpu.dma_semaphore, #tpu.memory_space<semaphore_mem>>)
      %dma_wait3A = arith.constant 0 : i32
      %dma_wait3A_24 = tpu.memref_slice %arg3[%dma_wait3A] : memref<128xf32, #tpu.memory_space<hbm>> -> memref<128xf32, #tpu.memory_space<hbm>>
      %dma_wait3A_25 = arith.constant 0 : i32
      %dma_wait3A_26 = tpu.memref_slice %arg3[%dma_wait3A_25] : memref<128xf32, #tpu.memory_space<hbm>> -> memref<128xf32, #tpu.memory_space<hbm>>
      tpu.wait_dma2 semaphore(%run_scoped3A : memref<!tpu.dma_semaphore, #tpu.memory_space<semaphore_mem>>) src(%dma_wait3A_26 : memref<128xf32, #tpu.memory_space<hbm>>) dst(%arg7 : memref<128xf32, #tpu.memory_space<vmem>>)
      tpu.yield
    }) : () -> ()
    "tpu.region"() ({
      %run_scoped3A = tpu.sem_alloc : memref<!tpu.dma_semaphore, #tpu.memory_space<semaphore_mem>>
      %dma_start3A = arith.constant 0 : i32
      %dma_start3A_21 = tpu.memref_slice %arg2[%mul3A_2, %dma_start3A] : memref<2560x128xi32, #tpu.memory_space<hbm>> -> memref<80x128xi32, #tpu.memory_space<hbm>>
      %dma_start3A_22 = arith.constant 0 : i32
      %dma_start3A_23 = tpu.memref_slice %arg2[%mul3A_2, %dma_start3A_22] : memref<2560x128xi32, #tpu.memory_space<hbm>> -> memref<80x128xi32, #tpu.memory_space<hbm>>
      tpu.enqueue_dma source(%dma_start3A_23 : memref<80x128xi32, #tpu.memory_space<hbm>>) target(%arg6 : memref<80x128xi32, #tpu.memory_space<vmem>>) target_semaphore(%run_scoped3A : memref<!tpu.dma_semaphore, #tpu.memory_space<semaphore_mem>>)
      %dma_wait3A = arith.constant 0 : i32
      %dma_wait3A_24 = tpu.memref_slice %arg2[%mul3A_2, %dma_wait3A] : memref<2560x128xi32, #tpu.memory_space<hbm>> -> memref<80x128xi32, #tpu.memory_space<hbm>>
      %dma_wait3A_25 = arith.constant 0 : i32
      %dma_wait3A_26 = tpu.memref_slice %arg2[%mul3A_2, %dma_wait3A_25] : memref<2560x128xi32, #tpu.memory_space<hbm>> -> memref<80x128xi32, #tpu.memory_space<hbm>>
      tpu.wait_dma2 semaphore(%run_scoped3A : memref<!tpu.dma_semaphore, #tpu.memory_space<semaphore_mem>>) src(%dma_wait3A_26 : memref<80x128xi32, #tpu.memory_space<hbm>>) dst(%arg6 : memref<80x128xi32, #tpu.memory_space<vmem>>)
      tpu.yield
    }) : () -> ()
    %mul3A_5 = arith.constant 640 : i32
    %mul3A_6 = arith.muli %arg1, %mul3A_5 : i32
    %add3A_7 = arith.constant 640 : i32
    %add3A_8 = arith.addi %mul3A_6, %add3A_7 : i32
    %sub3A = arith.constant 128 : i32
    %sub3A_9 = arith.subi %add3A_8, %sub3A : i32
    "tpu.region"() ({
      %run_scoped3A = tpu.sem_alloc : memref<!tpu.dma_semaphore, #tpu.memory_space<semaphore_mem>>
      %dma_start3A = tpu.memref_slice %arg9[%sub3A_9] : memref<10240xf32, #tpu.memory_space<vmem_shared>> -> memref<128xf32, #tpu.memory_space<vmem_shared>>
      %dma_start3A_21 = tpu.memref_slice %arg9[%sub3A_9] : memref<10240xf32, #tpu.memory_space<vmem_shared>> -> memref<128xf32, #tpu.memory_space<vmem_shared>>
      tpu.enqueue_dma source(%dma_start3A_21 : memref<128xf32, #tpu.memory_space<vmem_shared>>) target(%arg7 : memref<128xf32, #tpu.memory_space<vmem>>) target_semaphore(%run_scoped3A : memref<!tpu.dma_semaphore, #tpu.memory_space<semaphore_mem>>)
      %dma_wait3A = tpu.memref_slice %arg9[%sub3A_9] : memref<10240xf32, #tpu.memory_space<vmem_shared>> -> memref<128xf32, #tpu.memory_space<vmem_shared>>
      %dma_wait3A_22 = tpu.memref_slice %arg9[%sub3A_9] : memref<10240xf32, #tpu.memory_space<vmem_shared>> -> memref<128xf32, #tpu.memory_space<vmem_shared>>
      tpu.wait_dma2 semaphore(%run_scoped3A : memref<!tpu.dma_semaphore, #tpu.memory_space<semaphore_mem>>) src(%dma_wait3A_22 : memref<128xf32, #tpu.memory_space<vmem_shared>>) dst(%arg7 : memref<128xf32, #tpu.memory_space<vmem>>)
      tpu.yield
    }) : () -> ()
    "tpu.region"() ({
      %run_scoped3A = tpu.sem_alloc : memref<!tpu.dma_semaphore, #tpu.memory_space<semaphore_mem>>
      %dma_start3A = arith.constant 0 : i32
      %dma_start3A_21 = tpu.memref_slice %arg3[%dma_start3A] : memref<128xf32, #tpu.memory_space<hbm>> -> memref<128xf32, #tpu.memory_space<hbm>>
      %dma_start3A_22 = arith.constant 0 : i32
      %dma_start3A_23 = tpu.memref_slice %arg3[%dma_start3A_22] : memref<128xf32, #tpu.memory_space<hbm>> -> memref<128xf32, #tpu.memory_space<hbm>>
      tpu.enqueue_dma source(%dma_start3A_23 : memref<128xf32, #tpu.memory_space<hbm>>) target(%arg7 : memref<128xf32, #tpu.memory_space<vmem>>) target_semaphore(%run_scoped3A : memref<!tpu.dma_semaphore, #tpu.memory_space<semaphore_mem>>)
      %dma_wait3A = arith.constant 0 : i32
      %dma_wait3A_24 = tpu.memref_slice %arg3[%dma_wait3A] : memref<128xf32, #tpu.memory_space<hbm>> -> memref<128xf32, #tpu.memory_space<hbm>>
      %dma_wait3A_25 = arith.constant 0 : i32
      %dma_wait3A_26 = tpu.memref_slice %arg3[%dma_wait3A_25] : memref<128xf32, #tpu.memory_space<hbm>> -> memref<128xf32, #tpu.memory_space<hbm>>
      tpu.wait_dma2 semaphore(%run_scoped3A : memref<!tpu.dma_semaphore, #tpu.memory_space<semaphore_mem>>) src(%dma_wait3A_26 : memref<128xf32, #tpu.memory_space<hbm>>) dst(%arg7 : memref<128xf32, #tpu.memory_space<vmem>>)
      tpu.yield
    }) : () -> ()
    %barrier3A = arith.constant 0 : index
    tpu.barrier barrier_id(%barrier3A)
    %scan3A = arith.constant 0 : i32
    %scan3A_10 = arith.constant 0 : i32
    %scan3A_11 = arith.constant 80 : i32
    %scan3A_12 = arith.addi %scan3A_10, %scan3A_11 : i32
    %scan3A_13 = arith.constant 1 : i32
    scf.for %scan3A_21 = %scan3A_10 to %scan3A_12 step %scan3A_13  : i32 {
      "tpu.region"() ({
        %run_scoped3A = tpu.sem_alloc : memref<!tpu.dma_semaphore, #tpu.memory_space<semaphore_mem>>
        %dma_start3A = arith.constant 0 : i32
        %dma_start3A_22 = tpu.memref_slice %arg6[%scan3A_21, %dma_start3A] : memref<80x128xi32, #tpu.memory_space<vmem>> -> memref<1x128xi32, #tpu.memory_space<vmem>>
        %dma_start3A_23 = tpu.memref_squeeze %dma_start3A_22 : memref<1x128xi32, #tpu.memory_space<vmem>> -> memref<128xi32, #tpu.memory_space<vmem>>
        %dma_start3A_24 = arith.constant 0 : i32
        %dma_start3A_25 = tpu.memref_slice %arg9[%dma_start3A_24] : memref<10240xf32, #tpu.memory_space<vmem_shared>> -> memref<10240xf32, #tpu.memory_space<vmem_shared>>
        tpu.enqueue_indirect_dma source(%arg7 : memref<128xf32, #tpu.memory_space<vmem>>) target(%dma_start3A_25 : memref<10240xf32, #tpu.memory_space<vmem_shared>>) offsets(%dma_start3A_23 : memref<128xi32, #tpu.memory_space<vmem>>) semaphore(%run_scoped3A : memref<!tpu.dma_semaphore, #tpu.memory_space<semaphore_mem>>) {add = true}
        %dma_wait3A = arith.constant 0 : i32
        %dma_wait3A_26 = tpu.memref_slice %arg6[%scan3A_21, %dma_wait3A] : memref<80x128xi32, #tpu.memory_space<vmem>> -> memref<1x128xi32, #tpu.memory_space<vmem>>
        %dma_wait3A_27 = tpu.memref_squeeze %dma_wait3A_26 : memref<1x128xi32, #tpu.memory_space<vmem>> -> memref<128xi32, #tpu.memory_space<vmem>>
        %dma_wait3A_28 = arith.constant 0 : i32
        %dma_wait3A_29 = tpu.memref_slice %arg9[%dma_wait3A_28] : memref<10240xf32, #tpu.memory_space<vmem_shared>> -> memref<10240xf32, #tpu.memory_space<vmem_shared>>
        tpu.wait_indirect_dma semaphore(%run_scoped3A : memref<!tpu.dma_semaphore, #tpu.memory_space<semaphore_mem>>) src(%arg7 : memref<128xf32, #tpu.memory_space<vmem>>) dst(%dma_wait3A_29 : memref<10240xf32, #tpu.memory_space<vmem_shared>>)
        tpu.yield
      }) : () -> ()
    }
    %scan3A_14 = arith.constant 80 : i32
    %barrier3A_15 = arith.constant 0 : index
    tpu.barrier barrier_id(%barrier3A_15)
    "tpu.region"() ({
      %run_scoped3A = tpu.sem_alloc : memref<!tpu.dma_semaphore, #tpu.memory_space<semaphore_mem>>
      %dma_start3A = arith.constant 0 : i32
      %dma_start3A_21 = arith.constant 0 : i32
      %dma_start3A_22 = tpu.memref_slice %arg6[%dma_start3A, %dma_start3A_21] : memref<80x128xi32, #tpu.memory_space<vmem>> -> memref<8x128xi32, #tpu.memory_space<vmem>>
      %dma_start3A_23 = arith.constant 0 : i32
      %dma_start3A_24 = tpu.memref_slice %arg2[%mul3A_2, %dma_start3A_23] : memref<2560x128xi32, #tpu.memory_space<hbm>> -> memref<8x128xi32, #tpu.memory_space<hbm>>
      %dma_start3A_25 = arith.constant 0 : i32
      %dma_start3A_26 = arith.constant 0 : i32
      %dma_start3A_27 = tpu.memref_slice %arg6[%dma_start3A_25, %dma_start3A_26] : memref<80x128xi32, #tpu.memory_space<vmem>> -> memref<8x128xi32, #tpu.memory_space<vmem>>
      %dma_start3A_28 = arith.constant 0 : i32
      %dma_start3A_29 = tpu.memref_slice %arg2[%mul3A_2, %dma_start3A_28] : memref<2560x128xi32, #tpu.memory_space<hbm>> -> memref<8x128xi32, #tpu.memory_space<hbm>>
      tpu.enqueue_dma source(%dma_start3A_29 : memref<8x128xi32, #tpu.memory_space<hbm>>) target(%dma_start3A_27 : memref<8x128xi32, #tpu.memory_space<vmem>>) target_semaphore(%run_scoped3A : memref<!tpu.dma_semaphore, #tpu.memory_space<semaphore_mem>>)
      %dma_wait3A = arith.constant 0 : i32
      %dma_wait3A_30 = arith.constant 0 : i32
      %dma_wait3A_31 = tpu.memref_slice %arg6[%dma_wait3A, %dma_wait3A_30] : memref<80x128xi32, #tpu.memory_space<vmem>> -> memref<8x128xi32, #tpu.memory_space<vmem>>
      %dma_wait3A_32 = arith.constant 0 : i32
      %dma_wait3A_33 = tpu.memref_slice %arg2[%mul3A_2, %dma_wait3A_32] : memref<2560x128xi32, #tpu.memory_space<hbm>> -> memref<8x128xi32, #tpu.memory_space<hbm>>
      %dma_wait3A_34 = arith.constant 0 : i32
      %dma_wait3A_35 = arith.constant 0 : i32
      %dma_wait3A_36 = tpu.memref_slice %arg6[%dma_wait3A_34, %dma_wait3A_35] : memref<80x128xi32, #tpu.memory_space<vmem>> -> memref<8x128xi32, #tpu.memory_space<vmem>>
      %dma_wait3A_37 = arith.constant 0 : i32
      %dma_wait3A_38 = tpu.memref_slice %arg2[%mul3A_2, %dma_wait3A_37] : memref<2560x128xi32, #tpu.memory_space<hbm>> -> memref<8x128xi32, #tpu.memory_space<hbm>>
      tpu.wait_dma2 semaphore(%run_scoped3A : memref<!tpu.dma_semaphore, #tpu.memory_space<semaphore_mem>>) src(%dma_wait3A_38 : memref<8x128xi32, #tpu.memory_space<hbm>>) dst(%dma_wait3A_36 : memref<8x128xi32, #tpu.memory_space<vmem>>)
      tpu.yield
    }) : () -> ()
    %barrier3A_16 = arith.constant 0 : index
    tpu.barrier barrier_id(%barrier3A_16)
    %mul3A_17 = arith.constant 640 : i32
    %mul3A_18 = arith.muli %arg1, %mul3A_17 : i32
    %mul3A_19 = arith.constant 640 : i32
    %mul3A_20 = arith.muli %arg1, %mul3A_19 : i32
    "tpu.region"() ({
      %run_scoped3A = tpu.sem_alloc : memref<!tpu.dma_semaphore, #tpu.memory_space<semaphore_mem>>
      %dma_start3A = tpu.memref_slice %arg5[%arg0, %mul3A_20] : memref<2x10240xf32, #tpu.memory_space<hbm>> -> memref<1x640xf32, #tpu.memory_space<hbm>>
      %dma_start3A_21 = tpu.memref_squeeze %dma_start3A : memref<1x640xf32, #tpu.memory_space<hbm>> -> memref<640xf32, #tpu.memory_space<hbm>>
      %dma_start3A_22 = tpu.memref_slice %arg9[%mul3A_18] : memref<10240xf32, #tpu.memory_space<vmem_shared>> -> memref<640xf32, #tpu.memory_space<vmem_shared>>
      tpu.enqueue_dma source(%dma_start3A_22 : memref<640xf32, #tpu.memory_space<vmem_shared>>) target(%dma_start3A_21 : memref<640xf32, #tpu.memory_space<hbm>>) target_semaphore(%run_scoped3A : memref<!tpu.dma_semaphore, #tpu.memory_space<semaphore_mem>>)
      %dma_wait3A = tpu.memref_slice %arg5[%arg0, %mul3A_20] : memref<2x10240xf32, #tpu.memory_space<hbm>> -> memref<1x640xf32, #tpu.memory_space<hbm>>
      %dma_wait3A_23 = tpu.memref_squeeze %dma_wait3A : memref<1x640xf32, #tpu.memory_space<hbm>> -> memref<640xf32, #tpu.memory_space<hbm>>
      %dma_wait3A_24 = tpu.memref_slice %arg9[%mul3A_18] : memref<10240xf32, #tpu.memory_space<vmem_shared>> -> memref<640xf32, #tpu.memory_space<vmem_shared>>
      tpu.wait_dma2 semaphore(%run_scoped3A : memref<!tpu.dma_semaphore, #tpu.memory_space<semaphore_mem>>) src(%dma_wait3A_24 : memref<640xf32, #tpu.memory_space<vmem_shared>>) dst(%dma_wait3A_23 : memref<640xf32, #tpu.memory_space<hbm>>)
      tpu.yield
    }) : () -> ()
    return
  }
}

#map = affine_map<(d0, d1) -> (0, 0)>
#map1 = affine_map<(d0, d1) -> (0, 0, 0)>
module attributes {stable_mosaic.version = 14 : i64} {
  func.func @_spmm_body(%arg0: i32, %arg1: i32, %arg2: memref<2560x128xi32, #tpu.memory_space<hbm>>, %arg3: memref<2560x128xi32, #tpu.memory_space<hbm>>, %arg4: memref<2x10240x128xf32, #tpu.memory_space<hbm>>, %arg5: memref<2x10240x128xf32, #tpu.memory_space<hbm>>, %arg6: memref<40x128xi32, #tpu.memory_space<vmem>>, %arg7: memref<40x128xi32, #tpu.memory_space<vmem>>, %arg8: memref<128x128xf32, #tpu.memory_space<vmem>>, %arg9: memref<128x128xf32, #tpu.memory_space<vmem>>, %arg10: memref<10240x128xf32, #tpu.memory_space<vmem_shared>>, %arg11: memref<!tpu.dma_semaphore, #tpu.memory_space<semaphore_mem>>, %arg12: memref<!tpu.dma_semaphore, #tpu.memory_space<semaphore_mem>>) attributes {dimension_semantics = [#tpu.dimension_semantics<core_parallel>, #tpu.dimension_semantics<subcore_parallel>], iteration_bounds = array<i64: 2, 16>, scalar_prefetch = 0 : i64, scratch_operands = 7 : i64, tpu.core_type = #tpu.core_type<sc_vector_subcore>, window_params = [{transform_indices = #map}, {transform_indices = #map}, {transform_indices = #map1}, {transform_indices = #map1}]} {
    %mul3A = arith.constant 160 : i32
    %mul3A_0 = arith.muli %arg1, %mul3A : i32
    %mul3A_1 = arith.constant 640 : i32
    %mul3A_2 = arith.muli %arg1, %mul3A_1 : i32
    "tpu.region"() ({
      %run_scoped3A = tpu.sem_alloc : memref<!tpu.dma_semaphore, #tpu.memory_space<semaphore_mem>>
      %dma_start3A_134 = arith.constant 0 : i32
      %dma_start3A_135 = tpu.memref_slice %arg10[%mul3A_2, %dma_start3A_134] : memref<10240x128xf32, #tpu.memory_space<vmem_shared>> -> memref<640x128xf32, #tpu.memory_space<vmem_shared>>
      %dma_start3A_136 = arith.constant 0 : i32
      %dma_start3A_137 = arith.constant 0 : i32
      %dma_start3A_138 = tpu.memref_slice %arg4[%arg0, %dma_start3A_136, %dma_start3A_137] : memref<2x10240x128xf32, #tpu.memory_space<hbm>> -> memref<1x10240x128xf32, #tpu.memory_space<hbm>>
      %dma_start3A_139 = tpu.memref_squeeze %dma_start3A_138 : memref<1x10240x128xf32, #tpu.memory_space<hbm>> -> memref<10240x128xf32, #tpu.memory_space<hbm>>
      %dma_start3A_140 = arith.constant 0 : i32
      %dma_start3A_141 = tpu.memref_slice %dma_start3A_139[%mul3A_2, %dma_start3A_140] : memref<10240x128xf32, #tpu.memory_space<hbm>> -> memref<640x128xf32, #tpu.memory_space<hbm>>
      tpu.enqueue_dma source(%dma_start3A_141 : memref<640x128xf32, #tpu.memory_space<hbm>>) target(%dma_start3A_135 : memref<640x128xf32, #tpu.memory_space<vmem_shared>>) target_semaphore(%run_scoped3A : memref<!tpu.dma_semaphore, #tpu.memory_space<semaphore_mem>>)
      %dma_wait3A_142 = arith.constant 0 : i32
      %dma_wait3A_143 = tpu.memref_slice %arg10[%mul3A_2, %dma_wait3A_142] : memref<10240x128xf32, #tpu.memory_space<vmem_shared>> -> memref<640x128xf32, #tpu.memory_space<vmem_shared>>
      %dma_wait3A_144 = arith.constant 0 : i32
      %dma_wait3A_145 = arith.constant 0 : i32
      %dma_wait3A_146 = tpu.memref_slice %arg4[%arg0, %dma_wait3A_144, %dma_wait3A_145] : memref<2x10240x128xf32, #tpu.memory_space<hbm>> -> memref<1x10240x128xf32, #tpu.memory_space<hbm>>
      %dma_wait3A_147 = tpu.memref_squeeze %dma_wait3A_146 : memref<1x10240x128xf32, #tpu.memory_space<hbm>> -> memref<10240x128xf32, #tpu.memory_space<hbm>>
      %dma_wait3A_148 = arith.constant 0 : i32
      %dma_wait3A_149 = tpu.memref_slice %dma_wait3A_147[%mul3A_2, %dma_wait3A_148] : memref<10240x128xf32, #tpu.memory_space<hbm>> -> memref<640x128xf32, #tpu.memory_space<hbm>>
      tpu.wait_dma2 semaphore(%run_scoped3A : memref<!tpu.dma_semaphore, #tpu.memory_space<semaphore_mem>>) src(%dma_wait3A_149 : memref<640x128xf32, #tpu.memory_space<hbm>>) dst(%dma_wait3A_143 : memref<640x128xf32, #tpu.memory_space<vmem_shared>>)
      tpu.yield
    }) : () -> ()
    %mul3A_3 = arith.constant 640 : i32
    %mul3A_4 = arith.muli %arg1, %mul3A_3 : i32
    %add3A = arith.constant 640 : i32
    %add3A_5 = arith.addi %mul3A_4, %add3A : i32
    %sub3A = arith.constant 128 : i32
    %sub3A_6 = arith.subi %add3A_5, %sub3A : i32
    "tpu.region"() ({
      %run_scoped3A = tpu.sem_alloc : memref<!tpu.dma_semaphore, #tpu.memory_space<semaphore_mem>>
      %dma_start3A_134 = arith.constant 0 : i32
      %dma_start3A_135 = tpu.memref_slice %arg10[%sub3A_6, %dma_start3A_134] : memref<10240x128xf32, #tpu.memory_space<vmem_shared>> -> memref<128x128xf32, #tpu.memory_space<vmem_shared>>
      %dma_start3A_136 = arith.constant 0 : i32
      %dma_start3A_137 = tpu.memref_slice %arg10[%sub3A_6, %dma_start3A_136] : memref<10240x128xf32, #tpu.memory_space<vmem_shared>> -> memref<128x128xf32, #tpu.memory_space<vmem_shared>>
      tpu.enqueue_dma source(%dma_start3A_137 : memref<128x128xf32, #tpu.memory_space<vmem_shared>>) target(%arg8 : memref<128x128xf32, #tpu.memory_space<vmem>>) target_semaphore(%run_scoped3A : memref<!tpu.dma_semaphore, #tpu.memory_space<semaphore_mem>>)
      %dma_wait3A_138 = arith.constant 0 : i32
      %dma_wait3A_139 = tpu.memref_slice %arg10[%sub3A_6, %dma_wait3A_138] : memref<10240x128xf32, #tpu.memory_space<vmem_shared>> -> memref<128x128xf32, #tpu.memory_space<vmem_shared>>
      %dma_wait3A_140 = arith.constant 0 : i32
      %dma_wait3A_141 = tpu.memref_slice %arg10[%sub3A_6, %dma_wait3A_140] : memref<10240x128xf32, #tpu.memory_space<vmem_shared>> -> memref<128x128xf32, #tpu.memory_space<vmem_shared>>
      tpu.wait_dma2 semaphore(%run_scoped3A : memref<!tpu.dma_semaphore, #tpu.memory_space<semaphore_mem>>) src(%dma_wait3A_141 : memref<128x128xf32, #tpu.memory_space<vmem_shared>>) dst(%arg8 : memref<128x128xf32, #tpu.memory_space<vmem>>)
      tpu.yield
    }) : () -> ()
    %barrier3A = arith.constant 0 : index
    tpu.barrier barrier_id(%barrier3A)
    %add3A_7 = arith.constant 0 : i32
    %add3A_8 = arith.addi %mul3A_0, %add3A_7 : i32
    "tpu.region"() ({
      %run_scoped3A = tpu.sem_alloc : memref<!tpu.dma_semaphore, #tpu.memory_space<semaphore_mem>>
      %dma_start3A_134 = arith.constant 0 : i32
      %dma_start3A_135 = tpu.memref_slice %arg2[%add3A_8, %dma_start3A_134] : memref<2560x128xi32, #tpu.memory_space<hbm>> -> memref<40x128xi32, #tpu.memory_space<hbm>>
      %dma_start3A_136 = arith.constant 0 : i32
      %dma_start3A_137 = tpu.memref_slice %arg2[%add3A_8, %dma_start3A_136] : memref<2560x128xi32, #tpu.memory_space<hbm>> -> memref<40x128xi32, #tpu.memory_space<hbm>>
      tpu.enqueue_dma source(%dma_start3A_137 : memref<40x128xi32, #tpu.memory_space<hbm>>) target(%arg6 : memref<40x128xi32, #tpu.memory_space<vmem>>) target_semaphore(%run_scoped3A : memref<!tpu.dma_semaphore, #tpu.memory_space<semaphore_mem>>)
      %dma_wait3A_138 = arith.constant 0 : i32
      %dma_wait3A_139 = tpu.memref_slice %arg2[%add3A_8, %dma_wait3A_138] : memref<2560x128xi32, #tpu.memory_space<hbm>> -> memref<40x128xi32, #tpu.memory_space<hbm>>
      %dma_wait3A_140 = arith.constant 0 : i32
      %dma_wait3A_141 = tpu.memref_slice %arg2[%add3A_8, %dma_wait3A_140] : memref<2560x128xi32, #tpu.memory_space<hbm>> -> memref<40x128xi32, #tpu.memory_space<hbm>>
      tpu.wait_dma2 semaphore(%run_scoped3A : memref<!tpu.dma_semaphore, #tpu.memory_space<semaphore_mem>>) src(%dma_wait3A_141 : memref<40x128xi32, #tpu.memory_space<hbm>>) dst(%arg6 : memref<40x128xi32, #tpu.memory_space<vmem>>)
      tpu.yield
    }) : () -> ()
    %add3A_9 = arith.constant 0 : i32
    %add3A_10 = arith.addi %mul3A_0, %add3A_9 : i32
    "tpu.region"() ({
      %run_scoped3A = tpu.sem_alloc : memref<!tpu.dma_semaphore, #tpu.memory_space<semaphore_mem>>
      %dma_start3A_134 = arith.constant 0 : i32
      %dma_start3A_135 = tpu.memref_slice %arg3[%add3A_10, %dma_start3A_134] : memref<2560x128xi32, #tpu.memory_space<hbm>> -> memref<40x128xi32, #tpu.memory_space<hbm>>
      %dma_start3A_136 = arith.constant 0 : i32
      %dma_start3A_137 = tpu.memref_slice %arg3[%add3A_10, %dma_start3A_136] : memref<2560x128xi32, #tpu.memory_space<hbm>> -> memref<40x128xi32, #tpu.memory_space<hbm>>
      tpu.enqueue_dma source(%dma_start3A_137 : memref<40x128xi32, #tpu.memory_space<hbm>>) target(%arg7 : memref<40x128xi32, #tpu.memory_space<vmem>>) target_semaphore(%run_scoped3A : memref<!tpu.dma_semaphore, #tpu.memory_space<semaphore_mem>>)
      %dma_wait3A_138 = arith.constant 0 : i32
      %dma_wait3A_139 = tpu.memref_slice %arg3[%add3A_10, %dma_wait3A_138] : memref<2560x128xi32, #tpu.memory_space<hbm>> -> memref<40x128xi32, #tpu.memory_space<hbm>>
      %dma_wait3A_140 = arith.constant 0 : i32
      %dma_wait3A_141 = tpu.memref_slice %arg3[%add3A_10, %dma_wait3A_140] : memref<2560x128xi32, #tpu.memory_space<hbm>> -> memref<40x128xi32, #tpu.memory_space<hbm>>
      tpu.wait_dma2 semaphore(%run_scoped3A : memref<!tpu.dma_semaphore, #tpu.memory_space<semaphore_mem>>) src(%dma_wait3A_141 : memref<40x128xi32, #tpu.memory_space<hbm>>) dst(%arg7 : memref<40x128xi32, #tpu.memory_space<vmem>>)
      tpu.yield
    }) : () -> ()
    %dma_start3A = arith.constant 0 : i32
    %dma_start3A_11 = arith.constant 0 : i32
    %dma_start3A_12 = tpu.memref_slice %arg6[%dma_start3A, %dma_start3A_11] : memref<40x128xi32, #tpu.memory_space<vmem>> -> memref<1x128xi32, #tpu.memory_space<vmem>>
    %dma_start3A_13 = tpu.memref_squeeze %dma_start3A_12 : memref<1x128xi32, #tpu.memory_space<vmem>> -> memref<128xi32, #tpu.memory_space<vmem>>
    %dma_start3A_14 = arith.constant 0 : i32
    %dma_start3A_15 = arith.constant 0 : i32
    %dma_start3A_16 = tpu.memref_slice %arg4[%arg0, %dma_start3A_14, %dma_start3A_15] : memref<2x10240x128xf32, #tpu.memory_space<hbm>> -> memref<1x10240x128xf32, #tpu.memory_space<hbm>>
    %dma_start3A_17 = tpu.memref_squeeze %dma_start3A_16 : memref<1x10240x128xf32, #tpu.memory_space<hbm>> -> memref<10240x128xf32, #tpu.memory_space<hbm>>
    %dma_start3A_18 = arith.constant 0 : i32
    %dma_start3A_19 = arith.constant 0 : i32
    %dma_start3A_20 = tpu.memref_slice %dma_start3A_17[%dma_start3A_18, %dma_start3A_19] : memref<10240x128xf32, #tpu.memory_space<hbm>> -> memref<10240x128xf32, #tpu.memory_space<hbm>>
    tpu.enqueue_indirect_dma source(%dma_start3A_20 : memref<10240x128xf32, #tpu.memory_space<hbm>>) target(%arg8 : memref<128x128xf32, #tpu.memory_space<vmem>>) offsets(%dma_start3A_13 : memref<128xi32, #tpu.memory_space<vmem>>) semaphore(%arg11 : memref<!tpu.dma_semaphore, #tpu.memory_space<semaphore_mem>>)
    %scan3A = arith.constant 0 : i32
    %scan3A_21 = arith.constant 0 : i32
    %scan3A_22 = arith.constant 20 : i32
    %scan3A_23 = arith.addi %scan3A_21, %scan3A_22 : i32
    %scan3A_24 = arith.constant 1 : i32
    scf.for %scan3A_134 = %scan3A_21 to %scan3A_23 step %scan3A_24  : i32 {
      %mul3A_135 = arith.constant 2 : i32
      %mul3A_136 = arith.muli %mul3A_135, %scan3A_134 : i32
      %dma_wait3A_137 = arith.constant 0 : i32
      %dma_wait3A_138 = tpu.memref_slice %arg6[%mul3A_136, %dma_wait3A_137] : memref<40x128xi32, #tpu.memory_space<vmem>> -> memref<1x128xi32, #tpu.memory_space<vmem>>
      %dma_wait3A_139 = tpu.memref_squeeze %dma_wait3A_138 : memref<1x128xi32, #tpu.memory_space<vmem>> -> memref<128xi32, #tpu.memory_space<vmem>>
      %dma_wait3A_140 = arith.constant 0 : i32
      %dma_wait3A_141 = arith.constant 0 : i32
      %dma_wait3A_142 = tpu.memref_slice %arg4[%arg0, %dma_wait3A_140, %dma_wait3A_141] : memref<2x10240x128xf32, #tpu.memory_space<hbm>> -> memref<1x10240x128xf32, #tpu.memory_space<hbm>>
      %dma_wait3A_143 = tpu.memref_squeeze %dma_wait3A_142 : memref<1x10240x128xf32, #tpu.memory_space<hbm>> -> memref<10240x128xf32, #tpu.memory_space<hbm>>
      %dma_wait3A_144 = arith.constant 0 : i32
      %dma_wait3A_145 = arith.constant 0 : i32
      %dma_wait3A_146 = tpu.memref_slice %dma_wait3A_143[%dma_wait3A_144, %dma_wait3A_145] : memref<10240x128xf32, #tpu.memory_space<hbm>> -> memref<10240x128xf32, #tpu.memory_space<hbm>>
      tpu.wait_indirect_dma semaphore(%arg11 : memref<!tpu.dma_semaphore, #tpu.memory_space<semaphore_mem>>) src(%dma_wait3A_146 : memref<10240x128xf32, #tpu.memory_space<hbm>>) dst(%arg8 : memref<128x128xf32, #tpu.memory_space<vmem>>)
      %add3A_147 = arith.constant 1 : i32
      %add3A_148 = arith.addi %mul3A_136, %add3A_147 : i32
      %dma_start3A_149 = arith.constant 0 : i32
      %dma_start3A_150 = tpu.memref_slice %arg6[%add3A_148, %dma_start3A_149] : memref<40x128xi32, #tpu.memory_space<vmem>> -> memref<1x128xi32, #tpu.memory_space<vmem>>
      %dma_start3A_151 = tpu.memref_squeeze %dma_start3A_150 : memref<1x128xi32, #tpu.memory_space<vmem>> -> memref<128xi32, #tpu.memory_space<vmem>>
      %dma_start3A_152 = arith.constant 0 : i32
      %dma_start3A_153 = arith.constant 0 : i32
      %dma_start3A_154 = tpu.memref_slice %arg4[%arg0, %dma_start3A_152, %dma_start3A_153] : memref<2x10240x128xf32, #tpu.memory_space<hbm>> -> memref<1x10240x128xf32, #tpu.memory_space<hbm>>
      %dma_start3A_155 = tpu.memref_squeeze %dma_start3A_154 : memref<1x10240x128xf32, #tpu.memory_space<hbm>> -> memref<10240x128xf32, #tpu.memory_space<hbm>>
      %dma_start3A_156 = arith.constant 0 : i32
      %dma_start3A_157 = arith.constant 0 : i32
      %dma_start3A_158 = tpu.memref_slice %dma_start3A_155[%dma_start3A_156, %dma_start3A_157] : memref<10240x128xf32, #tpu.memory_space<hbm>> -> memref<10240x128xf32, #tpu.memory_space<hbm>>
      tpu.enqueue_indirect_dma source(%dma_start3A_158 : memref<10240x128xf32, #tpu.memory_space<hbm>>) target(%arg9 : memref<128x128xf32, #tpu.memory_space<vmem>>) offsets(%dma_start3A_151 : memref<128xi32, #tpu.memory_space<vmem>>) semaphore(%arg12 : memref<!tpu.dma_semaphore, #tpu.memory_space<semaphore_mem>>)
      "tpu.region"() ({
        %run_scoped3A = tpu.sem_alloc : memref<!tpu.dma_semaphore, #tpu.memory_space<semaphore_mem>>
        %dma_start3A_188 = arith.constant 0 : i32
        %dma_start3A_189 = tpu.memref_slice %arg7[%mul3A_136, %dma_start3A_188] : memref<40x128xi32, #tpu.memory_space<vmem>> -> memref<1x128xi32, #tpu.memory_space<vmem>>
        %dma_start3A_190 = tpu.memref_squeeze %dma_start3A_189 : memref<1x128xi32, #tpu.memory_space<vmem>> -> memref<128xi32, #tpu.memory_space<vmem>>
        %dma_start3A_191 = arith.constant 0 : i32
        %dma_start3A_192 = arith.constant 0 : i32
        %dma_start3A_193 = tpu.memref_slice %arg10[%dma_start3A_191, %dma_start3A_192] : memref<10240x128xf32, #tpu.memory_space<vmem_shared>> -> memref<10240x128xf32, #tpu.memory_space<vmem_shared>>
        tpu.enqueue_indirect_dma source(%arg8 : memref<128x128xf32, #tpu.memory_space<vmem>>) target(%dma_start3A_193 : memref<10240x128xf32, #tpu.memory_space<vmem_shared>>) offsets(%dma_start3A_190 : memref<128xi32, #tpu.memory_space<vmem>>) semaphore(%run_scoped3A : memref<!tpu.dma_semaphore, #tpu.memory_space<semaphore_mem>>) {add = true}
        %dma_wait3A_194 = arith.constant 0 : i32
        %dma_wait3A_195 = tpu.memref_slice %arg7[%mul3A_136, %dma_wait3A_194] : memref<40x128xi32, #tpu.memory_space<vmem>> -> memref<1x128xi32, #tpu.memory_space<vmem>>
        %dma_wait3A_196 = tpu.memref_squeeze %dma_wait3A_195 : memref<1x128xi32, #tpu.memory_space<vmem>> -> memref<128xi32, #tpu.memory_space<vmem>>
        %dma_wait3A_197 = arith.constant 0 : i32
        %dma_wait3A_198 = arith.constant 0 : i32
        %dma_wait3A_199 = tpu.memref_slice %arg10[%dma_wait3A_197, %dma_wait3A_198] : memref<10240x128xf32, #tpu.memory_space<vmem_shared>> -> memref<10240x128xf32, #tpu.memory_space<vmem_shared>>
        tpu.wait_indirect_dma semaphore(%run_scoped3A : memref<!tpu.dma_semaphore, #tpu.memory_space<semaphore_mem>>) src(%arg8 : memref<128x128xf32, #tpu.memory_space<vmem>>) dst(%dma_wait3A_199 : memref<10240x128xf32, #tpu.memory_space<vmem_shared>>)
        tpu.yield
      }) : () -> ()
      %add3A_159 = arith.constant 1 : i32
      %add3A_160 = arith.addi %mul3A_136, %add3A_159 : i32
      %dma_wait3A_161 = arith.constant 0 : i32
      %dma_wait3A_162 = tpu.memref_slice %arg6[%add3A_160, %dma_wait3A_161] : memref<40x128xi32, #tpu.memory_space<vmem>> -> memref<1x128xi32, #tpu.memory_space<vmem>>
      %dma_wait3A_163 = tpu.memref_squeeze %dma_wait3A_162 : memref<1x128xi32, #tpu.memory_space<vmem>> -> memref<128xi32, #tpu.memory_space<vmem>>
      %dma_wait3A_164 = arith.constant 0 : i32
      %dma_wait3A_165 = arith.constant 0 : i32
      %dma_wait3A_166 = tpu.memref_slice %arg4[%arg0, %dma_wait3A_164, %dma_wait3A_165] : memref<2x10240x128xf32, #tpu.memory_space<hbm>> -> memref<1x10240x128xf32, #tpu.memory_space<hbm>>
      %dma_wait3A_167 = tpu.memref_squeeze %dma_wait3A_166 : memref<1x10240x128xf32, #tpu.memory_space<hbm>> -> memref<10240x128xf32, #tpu.memory_space<hbm>>
      %dma_wait3A_168 = arith.constant 0 : i32
      %dma_wait3A_169 = arith.constant 0 : i32
      %dma_wait3A_170 = tpu.memref_slice %dma_wait3A_167[%dma_wait3A_168, %dma_wait3A_169] : memref<10240x128xf32, #tpu.memory_space<hbm>> -> memref<10240x128xf32, #tpu.memory_space<hbm>>
      tpu.wait_indirect_dma semaphore(%arg12 : memref<!tpu.dma_semaphore, #tpu.memory_space<semaphore_mem>>) src(%dma_wait3A_170 : memref<10240x128xf32, #tpu.memory_space<hbm>>) dst(%arg9 : memref<128x128xf32, #tpu.memory_space<vmem>>)
      %add3A_171 = arith.constant 2 : i32
      %add3A_172 = arith.addi %mul3A_136, %add3A_171 : i32
      %lt3A = arith.constant 40 : i32
      %lt3A_173 = arith.cmpi slt, %add3A_172, %lt3A : i32
      %add3A_174 = arith.constant 2 : i32
      %add3A_175 = arith.addi %mul3A_136, %add3A_174 : i32
      %jit3A = arith.constant 0 : i32
      %select_n3A = arith.select %lt3A_173, %add3A_175, %jit3A : i32
      %dma_start3A_176 = arith.constant 0 : i32
      %dma_start3A_177 = tpu.memref_slice %arg6[%select_n3A, %dma_start3A_176] : memref<40x128xi32, #tpu.memory_space<vmem>> -> memref<1x128xi32, #tpu.memory_space<vmem>>
      %dma_start3A_178 = tpu.memref_squeeze %dma_start3A_177 : memref<1x128xi32, #tpu.memory_space<vmem>> -> memref<128xi32, #tpu.memory_space<vmem>>
      %dma_start3A_179 = arith.constant 0 : i32
      %dma_start3A_180 = arith.constant 0 : i32
      %dma_start3A_181 = tpu.memref_slice %arg4[%arg0, %dma_start3A_179, %dma_start3A_180] : memref<2x10240x128xf32, #tpu.memory_space<hbm>> -> memref<1x10240x128xf32, #tpu.memory_space<hbm>>
      %dma_start3A_182 = tpu.memref_squeeze %dma_start3A_181 : memref<1x10240x128xf32, #tpu.memory_space<hbm>> -> memref<10240x128xf32, #tpu.memory_space<hbm>>
      %dma_start3A_183 = arith.constant 0 : i32
      %dma_start3A_184 = arith.constant 0 : i32
      %dma_start3A_185 = tpu.memref_slice %dma_start3A_182[%dma_start3A_183, %dma_start3A_184] : memref<10240x128xf32, #tpu.memory_space<hbm>> -> memref<10240x128xf32, #tpu.memory_space<hbm>>
      tpu.enqueue_indirect_dma source(%dma_start3A_185 : memref<10240x128xf32, #tpu.memory_space<hbm>>) target(%arg8 : memref<128x128xf32, #tpu.memory_space<vmem>>) offsets(%dma_start3A_178 : memref<128xi32, #tpu.memory_space<vmem>>) semaphore(%arg11 : memref<!tpu.dma_semaphore, #tpu.memory_space<semaphore_mem>>)
      %add3A_186 = arith.constant 1 : i32
      %add3A_187 = arith.addi %mul3A_136, %add3A_186 : i32
      "tpu.region"() ({
        %run_scoped3A = tpu.sem_alloc : memref<!tpu.dma_semaphore, #tpu.memory_space<semaphore_mem>>
        %dma_start3A_188 = arith.constant 0 : i32
        %dma_start3A_189 = tpu.memref_slice %arg7[%add3A_187, %dma_start3A_188] : memref<40x128xi32, #tpu.memory_space<vmem>> -> memref<1x128xi32, #tpu.memory_space<vmem>>
        %dma_start3A_190 = tpu.memref_squeeze %dma_start3A_189 : memref<1x128xi32, #tpu.memory_space<vmem>> -> memref<128xi32, #tpu.memory_space<vmem>>
        %dma_start3A_191 = arith.constant 0 : i32
        %dma_start3A_192 = arith.constant 0 : i32
        %dma_start3A_193 = tpu.memref_slice %arg10[%dma_start3A_191, %dma_start3A_192] : memref<10240x128xf32, #tpu.memory_space<vmem_shared>> -> memref<10240x128xf32, #tpu.memory_space<vmem_shared>>
        tpu.enqueue_indirect_dma source(%arg9 : memref<128x128xf32, #tpu.memory_space<vmem>>) target(%dma_start3A_193 : memref<10240x128xf32, #tpu.memory_space<vmem_shared>>) offsets(%dma_start3A_190 : memref<128xi32, #tpu.memory_space<vmem>>) semaphore(%run_scoped3A : memref<!tpu.dma_semaphore, #tpu.memory_space<semaphore_mem>>) {add = true}
        %dma_wait3A_194 = arith.constant 0 : i32
        %dma_wait3A_195 = tpu.memref_slice %arg7[%add3A_187, %dma_wait3A_194] : memref<40x128xi32, #tpu.memory_space<vmem>> -> memref<1x128xi32, #tpu.memory_space<vmem>>
        %dma_wait3A_196 = tpu.memref_squeeze %dma_wait3A_195 : memref<1x128xi32, #tpu.memory_space<vmem>> -> memref<128xi32, #tpu.memory_space<vmem>>
        %dma_wait3A_197 = arith.constant 0 : i32
        %dma_wait3A_198 = arith.constant 0 : i32
        %dma_wait3A_199 = tpu.memref_slice %arg10[%dma_wait3A_197, %dma_wait3A_198] : memref<10240x128xf32, #tpu.memory_space<vmem_shared>> -> memref<10240x128xf32, #tpu.memory_space<vmem_shared>>
        tpu.wait_indirect_dma semaphore(%run_scoped3A : memref<!tpu.dma_semaphore, #tpu.memory_space<semaphore_mem>>) src(%arg9 : memref<128x128xf32, #tpu.memory_space<vmem>>) dst(%dma_wait3A_199 : memref<10240x128xf32, #tpu.memory_space<vmem_shared>>)
        tpu.yield
      }) : () -> ()
    }
    %scan3A_25 = arith.constant 20 : i32
    %dma_wait3A = arith.constant 0 : i32
    %dma_wait3A_26 = arith.constant 0 : i32
    %dma_wait3A_27 = tpu.memref_slice %arg6[%dma_wait3A, %dma_wait3A_26] : memref<40x128xi32, #tpu.memory_space<vmem>> -> memref<1x128xi32, #tpu.memory_space<vmem>>
    %dma_wait3A_28 = tpu.memref_squeeze %dma_wait3A_27 : memref<1x128xi32, #tpu.memory_space<vmem>> -> memref<128xi32, #tpu.memory_space<vmem>>
    %dma_wait3A_29 = arith.constant 0 : i32
    %dma_wait3A_30 = arith.constant 0 : i32
    %dma_wait3A_31 = tpu.memref_slice %arg4[%arg0, %dma_wait3A_29, %dma_wait3A_30] : memref<2x10240x128xf32, #tpu.memory_space<hbm>> -> memref<1x10240x128xf32, #tpu.memory_space<hbm>>
    %dma_wait3A_32 = tpu.memref_squeeze %dma_wait3A_31 : memref<1x10240x128xf32, #tpu.memory_space<hbm>> -> memref<10240x128xf32, #tpu.memory_space<hbm>>
    %dma_wait3A_33 = arith.constant 0 : i32
    %dma_wait3A_34 = arith.constant 0 : i32
    %dma_wait3A_35 = tpu.memref_slice %dma_wait3A_32[%dma_wait3A_33, %dma_wait3A_34] : memref<10240x128xf32, #tpu.memory_space<hbm>> -> memref<10240x128xf32, #tpu.memory_space<hbm>>
    tpu.wait_indirect_dma semaphore(%arg11 : memref<!tpu.dma_semaphore, #tpu.memory_space<semaphore_mem>>) src(%dma_wait3A_35 : memref<10240x128xf32, #tpu.memory_space<hbm>>) dst(%arg8 : memref<128x128xf32, #tpu.memory_space<vmem>>)
    %add3A_36 = arith.constant 40 : i32
    %add3A_37 = arith.addi %mul3A_0, %add3A_36 : i32
    "tpu.region"() ({
      %run_scoped3A = tpu.sem_alloc : memref<!tpu.dma_semaphore, #tpu.memory_space<semaphore_mem>>
      %dma_start3A_134 = arith.constant 0 : i32
      %dma_start3A_135 = tpu.memref_slice %arg2[%add3A_37, %dma_start3A_134] : memref<2560x128xi32, #tpu.memory_space<hbm>> -> memref<40x128xi32, #tpu.memory_space<hbm>>
      %dma_start3A_136 = arith.constant 0 : i32
      %dma_start3A_137 = tpu.memref_slice %arg2[%add3A_37, %dma_start3A_136] : memref<2560x128xi32, #tpu.memory_space<hbm>> -> memref<40x128xi32, #tpu.memory_space<hbm>>
      tpu.enqueue_dma source(%dma_start3A_137 : memref<40x128xi32, #tpu.memory_space<hbm>>) target(%arg6 : memref<40x128xi32, #tpu.memory_space<vmem>>) target_semaphore(%run_scoped3A : memref<!tpu.dma_semaphore, #tpu.memory_space<semaphore_mem>>)
      %dma_wait3A_138 = arith.constant 0 : i32
      %dma_wait3A_139 = tpu.memref_slice %arg2[%add3A_37, %dma_wait3A_138] : memref<2560x128xi32, #tpu.memory_space<hbm>> -> memref<40x128xi32, #tpu.memory_space<hbm>>
      %dma_wait3A_140 = arith.constant 0 : i32
      %dma_wait3A_141 = tpu.memref_slice %arg2[%add3A_37, %dma_wait3A_140] : memref<2560x128xi32, #tpu.memory_space<hbm>> -> memref<40x128xi32, #tpu.memory_space<hbm>>
      tpu.wait_dma2 semaphore(%run_scoped3A : memref<!tpu.dma_semaphore, #tpu.memory_space<semaphore_mem>>) src(%dma_wait3A_141 : memref<40x128xi32, #tpu.memory_space<hbm>>) dst(%arg6 : memref<40x128xi32, #tpu.memory_space<vmem>>)
      tpu.yield
    }) : () -> ()
    %add3A_38 = arith.constant 40 : i32
    %add3A_39 = arith.addi %mul3A_0, %add3A_38 : i32
    "tpu.region"() ({
      %run_scoped3A = tpu.sem_alloc : memref<!tpu.dma_semaphore, #tpu.memory_space<semaphore_mem>>
      %dma_start3A_134 = arith.constant 0 : i32
      %dma_start3A_135 = tpu.memref_slice %arg3[%add3A_39, %dma_start3A_134] : memref<2560x128xi32, #tpu.memory_space<hbm>> -> memref<40x128xi32, #tpu.memory_space<hbm>>
      %dma_start3A_136 = arith.constant 0 : i32
      %dma_start3A_137 = tpu.memref_slice %arg3[%add3A_39, %dma_start3A_136] : memref<2560x128xi32, #tpu.memory_space<hbm>> -> memref<40x128xi32, #tpu.memory_space<hbm>>
      tpu.enqueue_dma source(%dma_start3A_137 : memref<40x128xi32, #tpu.memory_space<hbm>>) target(%arg7 : memref<40x128xi32, #tpu.memory_space<vmem>>) target_semaphore(%run_scoped3A : memref<!tpu.dma_semaphore, #tpu.memory_space<semaphore_mem>>)
      %dma_wait3A_138 = arith.constant 0 : i32
      %dma_wait3A_139 = tpu.memref_slice %arg3[%add3A_39, %dma_wait3A_138] : memref<2560x128xi32, #tpu.memory_space<hbm>> -> memref<40x128xi32, #tpu.memory_space<hbm>>
      %dma_wait3A_140 = arith.constant 0 : i32
      %dma_wait3A_141 = tpu.memref_slice %arg3[%add3A_39, %dma_wait3A_140] : memref<2560x128xi32, #tpu.memory_space<hbm>> -> memref<40x128xi32, #tpu.memory_space<hbm>>
      tpu.wait_dma2 semaphore(%run_scoped3A : memref<!tpu.dma_semaphore, #tpu.memory_space<semaphore_mem>>) src(%dma_wait3A_141 : memref<40x128xi32, #tpu.memory_space<hbm>>) dst(%arg7 : memref<40x128xi32, #tpu.memory_space<vmem>>)
      tpu.yield
    }) : () -> ()
    %dma_start3A_40 = arith.constant 0 : i32
    %dma_start3A_41 = arith.constant 0 : i32
    %dma_start3A_42 = tpu.memref_slice %arg6[%dma_start3A_40, %dma_start3A_41] : memref<40x128xi32, #tpu.memory_space<vmem>> -> memref<1x128xi32, #tpu.memory_space<vmem>>
    %dma_start3A_43 = tpu.memref_squeeze %dma_start3A_42 : memref<1x128xi32, #tpu.memory_space<vmem>> -> memref<128xi32, #tpu.memory_space<vmem>>
    %dma_start3A_44 = arith.constant 0 : i32
    %dma_start3A_45 = arith.constant 0 : i32
    %dma_start3A_46 = tpu.memref_slice %arg4[%arg0, %dma_start3A_44, %dma_start3A_45] : memref<2x10240x128xf32, #tpu.memory_space<hbm>> -> memref<1x10240x128xf32, #tpu.memory_space<hbm>>
    %dma_start3A_47 = tpu.memref_squeeze %dma_start3A_46 : memref<1x10240x128xf32, #tpu.memory_space<hbm>> -> memref<10240x128xf32, #tpu.memory_space<hbm>>
    %dma_start3A_48 = arith.constant 0 : i32
    %dma_start3A_49 = arith.constant 0 : i32
    %dma_start3A_50 = tpu.memref_slice %dma_start3A_47[%dma_start3A_48, %dma_start3A_49] : memref<10240x128xf32, #tpu.memory_space<hbm>> -> memref<10240x128xf32, #tpu.memory_space<hbm>>
    tpu.enqueue_indirect_dma source(%dma_start3A_50 : memref<10240x128xf32, #tpu.memory_space<hbm>>) target(%arg8 : memref<128x128xf32, #tpu.memory_space<vmem>>) offsets(%dma_start3A_43 : memref<128xi32, #tpu.memory_space<vmem>>) semaphore(%arg11 : memref<!tpu.dma_semaphore, #tpu.memory_space<semaphore_mem>>)
    %scan3A_51 = arith.constant 0 : i32
    %scan3A_52 = arith.constant 0 : i32
    %scan3A_53 = arith.constant 20 : i32
    %scan3A_54 = arith.addi %scan3A_52, %scan3A_53 : i32
    %scan3A_55 = arith.constant 1 : i32
    scf.for %scan3A_134 = %scan3A_52 to %scan3A_54 step %scan3A_55  : i32 {
      %mul3A_135 = arith.constant 2 : i32
      %mul3A_136 = arith.muli %mul3A_135, %scan3A_134 : i32
      %dma_wait3A_137 = arith.constant 0 : i32
      %dma_wait3A_138 = tpu.memref_slice %arg6[%mul3A_136, %dma_wait3A_137] : memref<40x128xi32, #tpu.memory_space<vmem>> -> memref<1x128xi32, #tpu.memory_space<vmem>>
      %dma_wait3A_139 = tpu.memref_squeeze %dma_wait3A_138 : memref<1x128xi32, #tpu.memory_space<vmem>> -> memref<128xi32, #tpu.memory_space<vmem>>
      %dma_wait3A_140 = arith.constant 0 : i32
      %dma_wait3A_141 = arith.constant 0 : i32
      %dma_wait3A_142 = tpu.memref_slice %arg4[%arg0, %dma_wait3A_140, %dma_wait3A_141] : memref<2x10240x128xf32, #tpu.memory_space<hbm>> -> memref<1x10240x128xf32, #tpu.memory_space<hbm>>
      %dma_wait3A_143 = tpu.memref_squeeze %dma_wait3A_142 : memref<1x10240x128xf32, #tpu.memory_space<hbm>> -> memref<10240x128xf32, #tpu.memory_space<hbm>>
      %dma_wait3A_144 = arith.constant 0 : i32
      %dma_wait3A_145 = arith.constant 0 : i32
      %dma_wait3A_146 = tpu.memref_slice %dma_wait3A_143[%dma_wait3A_144, %dma_wait3A_145] : memref<10240x128xf32, #tpu.memory_space<hbm>> -> memref<10240x128xf32, #tpu.memory_space<hbm>>
      tpu.wait_indirect_dma semaphore(%arg11 : memref<!tpu.dma_semaphore, #tpu.memory_space<semaphore_mem>>) src(%dma_wait3A_146 : memref<10240x128xf32, #tpu.memory_space<hbm>>) dst(%arg8 : memref<128x128xf32, #tpu.memory_space<vmem>>)
      %add3A_147 = arith.constant 1 : i32
      %add3A_148 = arith.addi %mul3A_136, %add3A_147 : i32
      %dma_start3A_149 = arith.constant 0 : i32
      %dma_start3A_150 = tpu.memref_slice %arg6[%add3A_148, %dma_start3A_149] : memref<40x128xi32, #tpu.memory_space<vmem>> -> memref<1x128xi32, #tpu.memory_space<vmem>>
      %dma_start3A_151 = tpu.memref_squeeze %dma_start3A_150 : memref<1x128xi32, #tpu.memory_space<vmem>> -> memref<128xi32, #tpu.memory_space<vmem>>
      %dma_start3A_152 = arith.constant 0 : i32
      %dma_start3A_153 = arith.constant 0 : i32
      %dma_start3A_154 = tpu.memref_slice %arg4[%arg0, %dma_start3A_152, %dma_start3A_153] : memref<2x10240x128xf32, #tpu.memory_space<hbm>> -> memref<1x10240x128xf32, #tpu.memory_space<hbm>>
      %dma_start3A_155 = tpu.memref_squeeze %dma_start3A_154 : memref<1x10240x128xf32, #tpu.memory_space<hbm>> -> memref<10240x128xf32, #tpu.memory_space<hbm>>
      %dma_start3A_156 = arith.constant 0 : i32
      %dma_start3A_157 = arith.constant 0 : i32
      %dma_start3A_158 = tpu.memref_slice %dma_start3A_155[%dma_start3A_156, %dma_start3A_157] : memref<10240x128xf32, #tpu.memory_space<hbm>> -> memref<10240x128xf32, #tpu.memory_space<hbm>>
      tpu.enqueue_indirect_dma source(%dma_start3A_158 : memref<10240x128xf32, #tpu.memory_space<hbm>>) target(%arg9 : memref<128x128xf32, #tpu.memory_space<vmem>>) offsets(%dma_start3A_151 : memref<128xi32, #tpu.memory_space<vmem>>) semaphore(%arg12 : memref<!tpu.dma_semaphore, #tpu.memory_space<semaphore_mem>>)
      "tpu.region"() ({
        %run_scoped3A = tpu.sem_alloc : memref<!tpu.dma_semaphore, #tpu.memory_space<semaphore_mem>>
        %dma_start3A_188 = arith.constant 0 : i32
        %dma_start3A_189 = tpu.memref_slice %arg7[%mul3A_136, %dma_start3A_188] : memref<40x128xi32, #tpu.memory_space<vmem>> -> memref<1x128xi32, #tpu.memory_space<vmem>>
        %dma_start3A_190 = tpu.memref_squeeze %dma_start3A_189 : memref<1x128xi32, #tpu.memory_space<vmem>> -> memref<128xi32, #tpu.memory_space<vmem>>
        %dma_start3A_191 = arith.constant 0 : i32
        %dma_start3A_192 = arith.constant 0 : i32
        %dma_start3A_193 = tpu.memref_slice %arg10[%dma_start3A_191, %dma_start3A_192] : memref<10240x128xf32, #tpu.memory_space<vmem_shared>> -> memref<10240x128xf32, #tpu.memory_space<vmem_shared>>
        tpu.enqueue_indirect_dma source(%arg8 : memref<128x128xf32, #tpu.memory_space<vmem>>) target(%dma_start3A_193 : memref<10240x128xf32, #tpu.memory_space<vmem_shared>>) offsets(%dma_start3A_190 : memref<128xi32, #tpu.memory_space<vmem>>) semaphore(%run_scoped3A : memref<!tpu.dma_semaphore, #tpu.memory_space<semaphore_mem>>) {add = true}
        %dma_wait3A_194 = arith.constant 0 : i32
        %dma_wait3A_195 = tpu.memref_slice %arg7[%mul3A_136, %dma_wait3A_194] : memref<40x128xi32, #tpu.memory_space<vmem>> -> memref<1x128xi32, #tpu.memory_space<vmem>>
        %dma_wait3A_196 = tpu.memref_squeeze %dma_wait3A_195 : memref<1x128xi32, #tpu.memory_space<vmem>> -> memref<128xi32, #tpu.memory_space<vmem>>
        %dma_wait3A_197 = arith.constant 0 : i32
        %dma_wait3A_198 = arith.constant 0 : i32
        %dma_wait3A_199 = tpu.memref_slice %arg10[%dma_wait3A_197, %dma_wait3A_198] : memref<10240x128xf32, #tpu.memory_space<vmem_shared>> -> memref<10240x128xf32, #tpu.memory_space<vmem_shared>>
        tpu.wait_indirect_dma semaphore(%run_scoped3A : memref<!tpu.dma_semaphore, #tpu.memory_space<semaphore_mem>>) src(%arg8 : memref<128x128xf32, #tpu.memory_space<vmem>>) dst(%dma_wait3A_199 : memref<10240x128xf32, #tpu.memory_space<vmem_shared>>)
        tpu.yield
      }) : () -> ()
      %add3A_159 = arith.constant 1 : i32
      %add3A_160 = arith.addi %mul3A_136, %add3A_159 : i32
      %dma_wait3A_161 = arith.constant 0 : i32
      %dma_wait3A_162 = tpu.memref_slice %arg6[%add3A_160, %dma_wait3A_161] : memref<40x128xi32, #tpu.memory_space<vmem>> -> memref<1x128xi32, #tpu.memory_space<vmem>>
      %dma_wait3A_163 = tpu.memref_squeeze %dma_wait3A_162 : memref<1x128xi32, #tpu.memory_space<vmem>> -> memref<128xi32, #tpu.memory_space<vmem>>
      %dma_wait3A_164 = arith.constant 0 : i32
      %dma_wait3A_165 = arith.constant 0 : i32
      %dma_wait3A_166 = tpu.memref_slice %arg4[%arg0, %dma_wait3A_164, %dma_wait3A_165] : memref<2x10240x128xf32, #tpu.memory_space<hbm>> -> memref<1x10240x128xf32, #tpu.memory_space<hbm>>
      %dma_wait3A_167 = tpu.memref_squeeze %dma_wait3A_166 : memref<1x10240x128xf32, #tpu.memory_space<hbm>> -> memref<10240x128xf32, #tpu.memory_space<hbm>>
      %dma_wait3A_168 = arith.constant 0 : i32
      %dma_wait3A_169 = arith.constant 0 : i32
      %dma_wait3A_170 = tpu.memref_slice %dma_wait3A_167[%dma_wait3A_168, %dma_wait3A_169] : memref<10240x128xf32, #tpu.memory_space<hbm>> -> memref<10240x128xf32, #tpu.memory_space<hbm>>
      tpu.wait_indirect_dma semaphore(%arg12 : memref<!tpu.dma_semaphore, #tpu.memory_space<semaphore_mem>>) src(%dma_wait3A_170 : memref<10240x128xf32, #tpu.memory_space<hbm>>) dst(%arg9 : memref<128x128xf32, #tpu.memory_space<vmem>>)
      %add3A_171 = arith.constant 2 : i32
      %add3A_172 = arith.addi %mul3A_136, %add3A_171 : i32
      %lt3A = arith.constant 40 : i32
      %lt3A_173 = arith.cmpi slt, %add3A_172, %lt3A : i32
      %add3A_174 = arith.constant 2 : i32
      %add3A_175 = arith.addi %mul3A_136, %add3A_174 : i32
      %jit3A = arith.constant 0 : i32
      %select_n3A = arith.select %lt3A_173, %add3A_175, %jit3A : i32
      %dma_start3A_176 = arith.constant 0 : i32
      %dma_start3A_177 = tpu.memref_slice %arg6[%select_n3A, %dma_start3A_176] : memref<40x128xi32, #tpu.memory_space<vmem>> -> memref<1x128xi32, #tpu.memory_space<vmem>>
      %dma_start3A_178 = tpu.memref_squeeze %dma_start3A_177 : memref<1x128xi32, #tpu.memory_space<vmem>> -> memref<128xi32, #tpu.memory_space<vmem>>
      %dma_start3A_179 = arith.constant 0 : i32
      %dma_start3A_180 = arith.constant 0 : i32
      %dma_start3A_181 = tpu.memref_slice %arg4[%arg0, %dma_start3A_179, %dma_start3A_180] : memref<2x10240x128xf32, #tpu.memory_space<hbm>> -> memref<1x10240x128xf32, #tpu.memory_space<hbm>>
      %dma_start3A_182 = tpu.memref_squeeze %dma_start3A_181 : memref<1x10240x128xf32, #tpu.memory_space<hbm>> -> memref<10240x128xf32, #tpu.memory_space<hbm>>
      %dma_start3A_183 = arith.constant 0 : i32
      %dma_start3A_184 = arith.constant 0 : i32
      %dma_start3A_185 = tpu.memref_slice %dma_start3A_182[%dma_start3A_183, %dma_start3A_184] : memref<10240x128xf32, #tpu.memory_space<hbm>> -> memref<10240x128xf32, #tpu.memory_space<hbm>>
      tpu.enqueue_indirect_dma source(%dma_start3A_185 : memref<10240x128xf32, #tpu.memory_space<hbm>>) target(%arg8 : memref<128x128xf32, #tpu.memory_space<vmem>>) offsets(%dma_start3A_178 : memref<128xi32, #tpu.memory_space<vmem>>) semaphore(%arg11 : memref<!tpu.dma_semaphore, #tpu.memory_space<semaphore_mem>>)
      %add3A_186 = arith.constant 1 : i32
      %add3A_187 = arith.addi %mul3A_136, %add3A_186 : i32
      "tpu.region"() ({
        %run_scoped3A = tpu.sem_alloc : memref<!tpu.dma_semaphore, #tpu.memory_space<semaphore_mem>>
        %dma_start3A_188 = arith.constant 0 : i32
        %dma_start3A_189 = tpu.memref_slice %arg7[%add3A_187, %dma_start3A_188] : memref<40x128xi32, #tpu.memory_space<vmem>> -> memref<1x128xi32, #tpu.memory_space<vmem>>
        %dma_start3A_190 = tpu.memref_squeeze %dma_start3A_189 : memref<1x128xi32, #tpu.memory_space<vmem>> -> memref<128xi32, #tpu.memory_space<vmem>>
        %dma_start3A_191 = arith.constant 0 : i32
        %dma_start3A_192 = arith.constant 0 : i32
        %dma_start3A_193 = tpu.memref_slice %arg10[%dma_start3A_191, %dma_start3A_192] : memref<10240x128xf32, #tpu.memory_space<vmem_shared>> -> memref<10240x128xf32, #tpu.memory_space<vmem_shared>>
        tpu.enqueue_indirect_dma source(%arg9 : memref<128x128xf32, #tpu.memory_space<vmem>>) target(%dma_start3A_193 : memref<10240x128xf32, #tpu.memory_space<vmem_shared>>) offsets(%dma_start3A_190 : memref<128xi32, #tpu.memory_space<vmem>>) semaphore(%run_scoped3A : memref<!tpu.dma_semaphore, #tpu.memory_space<semaphore_mem>>) {add = true}
        %dma_wait3A_194 = arith.constant 0 : i32
        %dma_wait3A_195 = tpu.memref_slice %arg7[%add3A_187, %dma_wait3A_194] : memref<40x128xi32, #tpu.memory_space<vmem>> -> memref<1x128xi32, #tpu.memory_space<vmem>>
        %dma_wait3A_196 = tpu.memref_squeeze %dma_wait3A_195 : memref<1x128xi32, #tpu.memory_space<vmem>> -> memref<128xi32, #tpu.memory_space<vmem>>
        %dma_wait3A_197 = arith.constant 0 : i32
        %dma_wait3A_198 = arith.constant 0 : i32
        %dma_wait3A_199 = tpu.memref_slice %arg10[%dma_wait3A_197, %dma_wait3A_198] : memref<10240x128xf32, #tpu.memory_space<vmem_shared>> -> memref<10240x128xf32, #tpu.memory_space<vmem_shared>>
        tpu.wait_indirect_dma semaphore(%run_scoped3A : memref<!tpu.dma_semaphore, #tpu.memory_space<semaphore_mem>>) src(%arg9 : memref<128x128xf32, #tpu.memory_space<vmem>>) dst(%dma_wait3A_199 : memref<10240x128xf32, #tpu.memory_space<vmem_shared>>)
        tpu.yield
      }) : () -> ()
    }
    %scan3A_56 = arith.constant 20 : i32
    %dma_wait3A_57 = arith.constant 0 : i32
    %dma_wait3A_58 = arith.constant 0 : i32
    %dma_wait3A_59 = tpu.memref_slice %arg6[%dma_wait3A_57, %dma_wait3A_58] : memref<40x128xi32, #tpu.memory_space<vmem>> -> memref<1x128xi32, #tpu.memory_space<vmem>>
    %dma_wait3A_60 = tpu.memref_squeeze %dma_wait3A_59 : memref<1x128xi32, #tpu.memory_space<vmem>> -> memref<128xi32, #tpu.memory_space<vmem>>
    %dma_wait3A_61 = arith.constant 0 : i32
    %dma_wait3A_62 = arith.constant 0 : i32
    %dma_wait3A_63 = tpu.memref_slice %arg4[%arg0, %dma_wait3A_61, %dma_wait3A_62] : memref<2x10240x128xf32, #tpu.memory_space<hbm>> -> memref<1x10240x128xf32, #tpu.memory_space<hbm>>
    %dma_wait3A_64 = tpu.memref_squeeze %dma_wait3A_63 : memref<1x10240x128xf32, #tpu.memory_space<hbm>> -> memref<10240x128xf32, #tpu.memory_space<hbm>>
    %dma_wait3A_65 = arith.constant 0 : i32
    %dma_wait3A_66 = arith.constant 0 : i32
    %dma_wait3A_67 = tpu.memref_slice %dma_wait3A_64[%dma_wait3A_65, %dma_wait3A_66] : memref<10240x128xf32, #tpu.memory_space<hbm>> -> memref<10240x128xf32, #tpu.memory_space<hbm>>
    tpu.wait_indirect_dma semaphore(%arg11 : memref<!tpu.dma_semaphore, #tpu.memory_space<semaphore_mem>>) src(%dma_wait3A_67 : memref<10240x128xf32, #tpu.memory_space<hbm>>) dst(%arg8 : memref<128x128xf32, #tpu.memory_space<vmem>>)
    %add3A_68 = arith.constant 80 : i32
    %add3A_69 = arith.addi %mul3A_0, %add3A_68 : i32
    "tpu.region"() ({
      %run_scoped3A = tpu.sem_alloc : memref<!tpu.dma_semaphore, #tpu.memory_space<semaphore_mem>>
      %dma_start3A_134 = arith.constant 0 : i32
      %dma_start3A_135 = tpu.memref_slice %arg2[%add3A_69, %dma_start3A_134] : memref<2560x128xi32, #tpu.memory_space<hbm>> -> memref<40x128xi32, #tpu.memory_space<hbm>>
      %dma_start3A_136 = arith.constant 0 : i32
      %dma_start3A_137 = tpu.memref_slice %arg2[%add3A_69, %dma_start3A_136] : memref<2560x128xi32, #tpu.memory_space<hbm>> -> memref<40x128xi32, #tpu.memory_space<hbm>>
      tpu.enqueue_dma source(%dma_start3A_137 : memref<40x128xi32, #tpu.memory_space<hbm>>) target(%arg6 : memref<40x128xi32, #tpu.memory_space<vmem>>) target_semaphore(%run_scoped3A : memref<!tpu.dma_semaphore, #tpu.memory_space<semaphore_mem>>)
      %dma_wait3A_138 = arith.constant 0 : i32
      %dma_wait3A_139 = tpu.memref_slice %arg2[%add3A_69, %dma_wait3A_138] : memref<2560x128xi32, #tpu.memory_space<hbm>> -> memref<40x128xi32, #tpu.memory_space<hbm>>
      %dma_wait3A_140 = arith.constant 0 : i32
      %dma_wait3A_141 = tpu.memref_slice %arg2[%add3A_69, %dma_wait3A_140] : memref<2560x128xi32, #tpu.memory_space<hbm>> -> memref<40x128xi32, #tpu.memory_space<hbm>>
      tpu.wait_dma2 semaphore(%run_scoped3A : memref<!tpu.dma_semaphore, #tpu.memory_space<semaphore_mem>>) src(%dma_wait3A_141 : memref<40x128xi32, #tpu.memory_space<hbm>>) dst(%arg6 : memref<40x128xi32, #tpu.memory_space<vmem>>)
      tpu.yield
    }) : () -> ()
    %add3A_70 = arith.constant 80 : i32
    %add3A_71 = arith.addi %mul3A_0, %add3A_70 : i32
    "tpu.region"() ({
      %run_scoped3A = tpu.sem_alloc : memref<!tpu.dma_semaphore, #tpu.memory_space<semaphore_mem>>
      %dma_start3A_134 = arith.constant 0 : i32
      %dma_start3A_135 = tpu.memref_slice %arg3[%add3A_71, %dma_start3A_134] : memref<2560x128xi32, #tpu.memory_space<hbm>> -> memref<40x128xi32, #tpu.memory_space<hbm>>
      %dma_start3A_136 = arith.constant 0 : i32
      %dma_start3A_137 = tpu.memref_slice %arg3[%add3A_71, %dma_start3A_136] : memref<2560x128xi32, #tpu.memory_space<hbm>> -> memref<40x128xi32, #tpu.memory_space<hbm>>
      tpu.enqueue_dma source(%dma_start3A_137 : memref<40x128xi32, #tpu.memory_space<hbm>>) target(%arg7 : memref<40x128xi32, #tpu.memory_space<vmem>>) target_semaphore(%run_scoped3A : memref<!tpu.dma_semaphore, #tpu.memory_space<semaphore_mem>>)
      %dma_wait3A_138 = arith.constant 0 : i32
      %dma_wait3A_139 = tpu.memref_slice %arg3[%add3A_71, %dma_wait3A_138] : memref<2560x128xi32, #tpu.memory_space<hbm>> -> memref<40x128xi32, #tpu.memory_space<hbm>>
      %dma_wait3A_140 = arith.constant 0 : i32
      %dma_wait3A_141 = tpu.memref_slice %arg3[%add3A_71, %dma_wait3A_140] : memref<2560x128xi32, #tpu.memory_space<hbm>> -> memref<40x128xi32, #tpu.memory_space<hbm>>
      tpu.wait_dma2 semaphore(%run_scoped3A : memref<!tpu.dma_semaphore, #tpu.memory_space<semaphore_mem>>) src(%dma_wait3A_141 : memref<40x128xi32, #tpu.memory_space<hbm>>) dst(%arg7 : memref<40x128xi32, #tpu.memory_space<vmem>>)
      tpu.yield
    }) : () -> ()
    %dma_start3A_72 = arith.constant 0 : i32
    %dma_start3A_73 = arith.constant 0 : i32
    %dma_start3A_74 = tpu.memref_slice %arg6[%dma_start3A_72, %dma_start3A_73] : memref<40x128xi32, #tpu.memory_space<vmem>> -> memref<1x128xi32, #tpu.memory_space<vmem>>
    %dma_start3A_75 = tpu.memref_squeeze %dma_start3A_74 : memref<1x128xi32, #tpu.memory_space<vmem>> -> memref<128xi32, #tpu.memory_space<vmem>>
    %dma_start3A_76 = arith.constant 0 : i32
    %dma_start3A_77 = arith.constant 0 : i32
    %dma_start3A_78 = tpu.memref_slice %arg4[%arg0, %dma_start3A_76, %dma_start3A_77] : memref<2x10240x128xf32, #tpu.memory_space<hbm>> -> memref<1x10240x128xf32, #tpu.memory_space<hbm>>
    %dma_start3A_79 = tpu.memref_squeeze %dma_start3A_78 : memref<1x10240x128xf32, #tpu.memory_space<hbm>> -> memref<10240x128xf32, #tpu.memory_space<hbm>>
    %dma_start3A_80 = arith.constant 0 : i32
    %dma_start3A_81 = arith.constant 0 : i32
    %dma_start3A_82 = tpu.memref_slice %dma_start3A_79[%dma_start3A_80, %dma_start3A_81] : memref<10240x128xf32, #tpu.memory_space<hbm>> -> memref<10240x128xf32, #tpu.memory_space<hbm>>
    tpu.enqueue_indirect_dma source(%dma_start3A_82 : memref<10240x128xf32, #tpu.memory_space<hbm>>) target(%arg8 : memref<128x128xf32, #tpu.memory_space<vmem>>) offsets(%dma_start3A_75 : memref<128xi32, #tpu.memory_space<vmem>>) semaphore(%arg11 : memref<!tpu.dma_semaphore, #tpu.memory_space<semaphore_mem>>)
    %scan3A_83 = arith.constant 0 : i32
    %scan3A_84 = arith.constant 0 : i32
    %scan3A_85 = arith.constant 20 : i32
    %scan3A_86 = arith.addi %scan3A_84, %scan3A_85 : i32
    %scan3A_87 = arith.constant 1 : i32
    scf.for %scan3A_134 = %scan3A_84 to %scan3A_86 step %scan3A_87  : i32 {
      %mul3A_135 = arith.constant 2 : i32
      %mul3A_136 = arith.muli %mul3A_135, %scan3A_134 : i32
      %dma_wait3A_137 = arith.constant 0 : i32
      %dma_wait3A_138 = tpu.memref_slice %arg6[%mul3A_136, %dma_wait3A_137] : memref<40x128xi32, #tpu.memory_space<vmem>> -> memref<1x128xi32, #tpu.memory_space<vmem>>
      %dma_wait3A_139 = tpu.memref_squeeze %dma_wait3A_138 : memref<1x128xi32, #tpu.memory_space<vmem>> -> memref<128xi32, #tpu.memory_space<vmem>>
      %dma_wait3A_140 = arith.constant 0 : i32
      %dma_wait3A_141 = arith.constant 0 : i32
      %dma_wait3A_142 = tpu.memref_slice %arg4[%arg0, %dma_wait3A_140, %dma_wait3A_141] : memref<2x10240x128xf32, #tpu.memory_space<hbm>> -> memref<1x10240x128xf32, #tpu.memory_space<hbm>>
      %dma_wait3A_143 = tpu.memref_squeeze %dma_wait3A_142 : memref<1x10240x128xf32, #tpu.memory_space<hbm>> -> memref<10240x128xf32, #tpu.memory_space<hbm>>
      %dma_wait3A_144 = arith.constant 0 : i32
      %dma_wait3A_145 = arith.constant 0 : i32
      %dma_wait3A_146 = tpu.memref_slice %dma_wait3A_143[%dma_wait3A_144, %dma_wait3A_145] : memref<10240x128xf32, #tpu.memory_space<hbm>> -> memref<10240x128xf32, #tpu.memory_space<hbm>>
      tpu.wait_indirect_dma semaphore(%arg11 : memref<!tpu.dma_semaphore, #tpu.memory_space<semaphore_mem>>) src(%dma_wait3A_146 : memref<10240x128xf32, #tpu.memory_space<hbm>>) dst(%arg8 : memref<128x128xf32, #tpu.memory_space<vmem>>)
      %add3A_147 = arith.constant 1 : i32
      %add3A_148 = arith.addi %mul3A_136, %add3A_147 : i32
      %dma_start3A_149 = arith.constant 0 : i32
      %dma_start3A_150 = tpu.memref_slice %arg6[%add3A_148, %dma_start3A_149] : memref<40x128xi32, #tpu.memory_space<vmem>> -> memref<1x128xi32, #tpu.memory_space<vmem>>
      %dma_start3A_151 = tpu.memref_squeeze %dma_start3A_150 : memref<1x128xi32, #tpu.memory_space<vmem>> -> memref<128xi32, #tpu.memory_space<vmem>>
      %dma_start3A_152 = arith.constant 0 : i32
      %dma_start3A_153 = arith.constant 0 : i32
      %dma_start3A_154 = tpu.memref_slice %arg4[%arg0, %dma_start3A_152, %dma_start3A_153] : memref<2x10240x128xf32, #tpu.memory_space<hbm>> -> memref<1x10240x128xf32, #tpu.memory_space<hbm>>
      %dma_start3A_155 = tpu.memref_squeeze %dma_start3A_154 : memref<1x10240x128xf32, #tpu.memory_space<hbm>> -> memref<10240x128xf32, #tpu.memory_space<hbm>>
      %dma_start3A_156 = arith.constant 0 : i32
      %dma_start3A_157 = arith.constant 0 : i32
      %dma_start3A_158 = tpu.memref_slice %dma_start3A_155[%dma_start3A_156, %dma_start3A_157] : memref<10240x128xf32, #tpu.memory_space<hbm>> -> memref<10240x128xf32, #tpu.memory_space<hbm>>
      tpu.enqueue_indirect_dma source(%dma_start3A_158 : memref<10240x128xf32, #tpu.memory_space<hbm>>) target(%arg9 : memref<128x128xf32, #tpu.memory_space<vmem>>) offsets(%dma_start3A_151 : memref<128xi32, #tpu.memory_space<vmem>>) semaphore(%arg12 : memref<!tpu.dma_semaphore, #tpu.memory_space<semaphore_mem>>)
      "tpu.region"() ({
        %run_scoped3A = tpu.sem_alloc : memref<!tpu.dma_semaphore, #tpu.memory_space<semaphore_mem>>
        %dma_start3A_188 = arith.constant 0 : i32
        %dma_start3A_189 = tpu.memref_slice %arg7[%mul3A_136, %dma_start3A_188] : memref<40x128xi32, #tpu.memory_space<vmem>> -> memref<1x128xi32, #tpu.memory_space<vmem>>
        %dma_start3A_190 = tpu.memref_squeeze %dma_start3A_189 : memref<1x128xi32, #tpu.memory_space<vmem>> -> memref<128xi32, #tpu.memory_space<vmem>>
        %dma_start3A_191 = arith.constant 0 : i32
        %dma_start3A_192 = arith.constant 0 : i32
        %dma_start3A_193 = tpu.memref_slice %arg10[%dma_start3A_191, %dma_start3A_192] : memref<10240x128xf32, #tpu.memory_space<vmem_shared>> -> memref<10240x128xf32, #tpu.memory_space<vmem_shared>>
        tpu.enqueue_indirect_dma source(%arg8 : memref<128x128xf32, #tpu.memory_space<vmem>>) target(%dma_start3A_193 : memref<10240x128xf32, #tpu.memory_space<vmem_shared>>) offsets(%dma_start3A_190 : memref<128xi32, #tpu.memory_space<vmem>>) semaphore(%run_scoped3A : memref<!tpu.dma_semaphore, #tpu.memory_space<semaphore_mem>>) {add = true}
        %dma_wait3A_194 = arith.constant 0 : i32
        %dma_wait3A_195 = tpu.memref_slice %arg7[%mul3A_136, %dma_wait3A_194] : memref<40x128xi32, #tpu.memory_space<vmem>> -> memref<1x128xi32, #tpu.memory_space<vmem>>
        %dma_wait3A_196 = tpu.memref_squeeze %dma_wait3A_195 : memref<1x128xi32, #tpu.memory_space<vmem>> -> memref<128xi32, #tpu.memory_space<vmem>>
        %dma_wait3A_197 = arith.constant 0 : i32
        %dma_wait3A_198 = arith.constant 0 : i32
        %dma_wait3A_199 = tpu.memref_slice %arg10[%dma_wait3A_197, %dma_wait3A_198] : memref<10240x128xf32, #tpu.memory_space<vmem_shared>> -> memref<10240x128xf32, #tpu.memory_space<vmem_shared>>
        tpu.wait_indirect_dma semaphore(%run_scoped3A : memref<!tpu.dma_semaphore, #tpu.memory_space<semaphore_mem>>) src(%arg8 : memref<128x128xf32, #tpu.memory_space<vmem>>) dst(%dma_wait3A_199 : memref<10240x128xf32, #tpu.memory_space<vmem_shared>>)
        tpu.yield
      }) : () -> ()
      %add3A_159 = arith.constant 1 : i32
      %add3A_160 = arith.addi %mul3A_136, %add3A_159 : i32
      %dma_wait3A_161 = arith.constant 0 : i32
      %dma_wait3A_162 = tpu.memref_slice %arg6[%add3A_160, %dma_wait3A_161] : memref<40x128xi32, #tpu.memory_space<vmem>> -> memref<1x128xi32, #tpu.memory_space<vmem>>
      %dma_wait3A_163 = tpu.memref_squeeze %dma_wait3A_162 : memref<1x128xi32, #tpu.memory_space<vmem>> -> memref<128xi32, #tpu.memory_space<vmem>>
      %dma_wait3A_164 = arith.constant 0 : i32
      %dma_wait3A_165 = arith.constant 0 : i32
      %dma_wait3A_166 = tpu.memref_slice %arg4[%arg0, %dma_wait3A_164, %dma_wait3A_165] : memref<2x10240x128xf32, #tpu.memory_space<hbm>> -> memref<1x10240x128xf32, #tpu.memory_space<hbm>>
      %dma_wait3A_167 = tpu.memref_squeeze %dma_wait3A_166 : memref<1x10240x128xf32, #tpu.memory_space<hbm>> -> memref<10240x128xf32, #tpu.memory_space<hbm>>
      %dma_wait3A_168 = arith.constant 0 : i32
      %dma_wait3A_169 = arith.constant 0 : i32
      %dma_wait3A_170 = tpu.memref_slice %dma_wait3A_167[%dma_wait3A_168, %dma_wait3A_169] : memref<10240x128xf32, #tpu.memory_space<hbm>> -> memref<10240x128xf32, #tpu.memory_space<hbm>>
      tpu.wait_indirect_dma semaphore(%arg12 : memref<!tpu.dma_semaphore, #tpu.memory_space<semaphore_mem>>) src(%dma_wait3A_170 : memref<10240x128xf32, #tpu.memory_space<hbm>>) dst(%arg9 : memref<128x128xf32, #tpu.memory_space<vmem>>)
      %add3A_171 = arith.constant 2 : i32
      %add3A_172 = arith.addi %mul3A_136, %add3A_171 : i32
      %lt3A = arith.constant 40 : i32
      %lt3A_173 = arith.cmpi slt, %add3A_172, %lt3A : i32
      %add3A_174 = arith.constant 2 : i32
      %add3A_175 = arith.addi %mul3A_136, %add3A_174 : i32
      %jit3A = arith.constant 0 : i32
      %select_n3A = arith.select %lt3A_173, %add3A_175, %jit3A : i32
      %dma_start3A_176 = arith.constant 0 : i32
      %dma_start3A_177 = tpu.memref_slice %arg6[%select_n3A, %dma_start3A_176] : memref<40x128xi32, #tpu.memory_space<vmem>> -> memref<1x128xi32, #tpu.memory_space<vmem>>
      %dma_start3A_178 = tpu.memref_squeeze %dma_start3A_177 : memref<1x128xi32, #tpu.memory_space<vmem>> -> memref<128xi32, #tpu.memory_space<vmem>>
      %dma_start3A_179 = arith.constant 0 : i32
      %dma_start3A_180 = arith.constant 0 : i32
      %dma_start3A_181 = tpu.memref_slice %arg4[%arg0, %dma_start3A_179, %dma_start3A_180] : memref<2x10240x128xf32, #tpu.memory_space<hbm>> -> memref<1x10240x128xf32, #tpu.memory_space<hbm>>
      %dma_start3A_182 = tpu.memref_squeeze %dma_start3A_181 : memref<1x10240x128xf32, #tpu.memory_space<hbm>> -> memref<10240x128xf32, #tpu.memory_space<hbm>>
      %dma_start3A_183 = arith.constant 0 : i32
      %dma_start3A_184 = arith.constant 0 : i32
      %dma_start3A_185 = tpu.memref_slice %dma_start3A_182[%dma_start3A_183, %dma_start3A_184] : memref<10240x128xf32, #tpu.memory_space<hbm>> -> memref<10240x128xf32, #tpu.memory_space<hbm>>
      tpu.enqueue_indirect_dma source(%dma_start3A_185 : memref<10240x128xf32, #tpu.memory_space<hbm>>) target(%arg8 : memref<128x128xf32, #tpu.memory_space<vmem>>) offsets(%dma_start3A_178 : memref<128xi32, #tpu.memory_space<vmem>>) semaphore(%arg11 : memref<!tpu.dma_semaphore, #tpu.memory_space<semaphore_mem>>)
      %add3A_186 = arith.constant 1 : i32
      %add3A_187 = arith.addi %mul3A_136, %add3A_186 : i32
      "tpu.region"() ({
        %run_scoped3A = tpu.sem_alloc : memref<!tpu.dma_semaphore, #tpu.memory_space<semaphore_mem>>
        %dma_start3A_188 = arith.constant 0 : i32
        %dma_start3A_189 = tpu.memref_slice %arg7[%add3A_187, %dma_start3A_188] : memref<40x128xi32, #tpu.memory_space<vmem>> -> memref<1x128xi32, #tpu.memory_space<vmem>>
        %dma_start3A_190 = tpu.memref_squeeze %dma_start3A_189 : memref<1x128xi32, #tpu.memory_space<vmem>> -> memref<128xi32, #tpu.memory_space<vmem>>
        %dma_start3A_191 = arith.constant 0 : i32
        %dma_start3A_192 = arith.constant 0 : i32
        %dma_start3A_193 = tpu.memref_slice %arg10[%dma_start3A_191, %dma_start3A_192] : memref<10240x128xf32, #tpu.memory_space<vmem_shared>> -> memref<10240x128xf32, #tpu.memory_space<vmem_shared>>
        tpu.enqueue_indirect_dma source(%arg9 : memref<128x128xf32, #tpu.memory_space<vmem>>) target(%dma_start3A_193 : memref<10240x128xf32, #tpu.memory_space<vmem_shared>>) offsets(%dma_start3A_190 : memref<128xi32, #tpu.memory_space<vmem>>) semaphore(%run_scoped3A : memref<!tpu.dma_semaphore, #tpu.memory_space<semaphore_mem>>) {add = true}
        %dma_wait3A_194 = arith.constant 0 : i32
        %dma_wait3A_195 = tpu.memref_slice %arg7[%add3A_187, %dma_wait3A_194] : memref<40x128xi32, #tpu.memory_space<vmem>> -> memref<1x128xi32, #tpu.memory_space<vmem>>
        %dma_wait3A_196 = tpu.memref_squeeze %dma_wait3A_195 : memref<1x128xi32, #tpu.memory_space<vmem>> -> memref<128xi32, #tpu.memory_space<vmem>>
        %dma_wait3A_197 = arith.constant 0 : i32
        %dma_wait3A_198 = arith.constant 0 : i32
        %dma_wait3A_199 = tpu.memref_slice %arg10[%dma_wait3A_197, %dma_wait3A_198] : memref<10240x128xf32, #tpu.memory_space<vmem_shared>> -> memref<10240x128xf32, #tpu.memory_space<vmem_shared>>
        tpu.wait_indirect_dma semaphore(%run_scoped3A : memref<!tpu.dma_semaphore, #tpu.memory_space<semaphore_mem>>) src(%arg9 : memref<128x128xf32, #tpu.memory_space<vmem>>) dst(%dma_wait3A_199 : memref<10240x128xf32, #tpu.memory_space<vmem_shared>>)
        tpu.yield
      }) : () -> ()
    }
    %scan3A_88 = arith.constant 20 : i32
    %dma_wait3A_89 = arith.constant 0 : i32
    %dma_wait3A_90 = arith.constant 0 : i32
    %dma_wait3A_91 = tpu.memref_slice %arg6[%dma_wait3A_89, %dma_wait3A_90] : memref<40x128xi32, #tpu.memory_space<vmem>> -> memref<1x128xi32, #tpu.memory_space<vmem>>
    %dma_wait3A_92 = tpu.memref_squeeze %dma_wait3A_91 : memref<1x128xi32, #tpu.memory_space<vmem>> -> memref<128xi32, #tpu.memory_space<vmem>>
    %dma_wait3A_93 = arith.constant 0 : i32
    %dma_wait3A_94 = arith.constant 0 : i32
    %dma_wait3A_95 = tpu.memref_slice %arg4[%arg0, %dma_wait3A_93, %dma_wait3A_94] : memref<2x10240x128xf32, #tpu.memory_space<hbm>> -> memref<1x10240x128xf32, #tpu.memory_space<hbm>>
    %dma_wait3A_96 = tpu.memref_squeeze %dma_wait3A_95 : memref<1x10240x128xf32, #tpu.memory_space<hbm>> -> memref<10240x128xf32, #tpu.memory_space<hbm>>
    %dma_wait3A_97 = arith.constant 0 : i32
    %dma_wait3A_98 = arith.constant 0 : i32
    %dma_wait3A_99 = tpu.memref_slice %dma_wait3A_96[%dma_wait3A_97, %dma_wait3A_98] : memref<10240x128xf32, #tpu.memory_space<hbm>> -> memref<10240x128xf32, #tpu.memory_space<hbm>>
    tpu.wait_indirect_dma semaphore(%arg11 : memref<!tpu.dma_semaphore, #tpu.memory_space<semaphore_mem>>) src(%dma_wait3A_99 : memref<10240x128xf32, #tpu.memory_space<hbm>>) dst(%arg8 : memref<128x128xf32, #tpu.memory_space<vmem>>)
    %add3A_100 = arith.constant 120 : i32
    %add3A_101 = arith.addi %mul3A_0, %add3A_100 : i32
    "tpu.region"() ({
      %run_scoped3A = tpu.sem_alloc : memref<!tpu.dma_semaphore, #tpu.memory_space<semaphore_mem>>
      %dma_start3A_134 = arith.constant 0 : i32
      %dma_start3A_135 = tpu.memref_slice %arg2[%add3A_101, %dma_start3A_134] : memref<2560x128xi32, #tpu.memory_space<hbm>> -> memref<40x128xi32, #tpu.memory_space<hbm>>
      %dma_start3A_136 = arith.constant 0 : i32
      %dma_start3A_137 = tpu.memref_slice %arg2[%add3A_101, %dma_start3A_136] : memref<2560x128xi32, #tpu.memory_space<hbm>> -> memref<40x128xi32, #tpu.memory_space<hbm>>
      tpu.enqueue_dma source(%dma_start3A_137 : memref<40x128xi32, #tpu.memory_space<hbm>>) target(%arg6 : memref<40x128xi32, #tpu.memory_space<vmem>>) target_semaphore(%run_scoped3A : memref<!tpu.dma_semaphore, #tpu.memory_space<semaphore_mem>>)
      %dma_wait3A_138 = arith.constant 0 : i32
      %dma_wait3A_139 = tpu.memref_slice %arg2[%add3A_101, %dma_wait3A_138] : memref<2560x128xi32, #tpu.memory_space<hbm>> -> memref<40x128xi32, #tpu.memory_space<hbm>>
      %dma_wait3A_140 = arith.constant 0 : i32
      %dma_wait3A_141 = tpu.memref_slice %arg2[%add3A_101, %dma_wait3A_140] : memref<2560x128xi32, #tpu.memory_space<hbm>> -> memref<40x128xi32, #tpu.memory_space<hbm>>
      tpu.wait_dma2 semaphore(%run_scoped3A : memref<!tpu.dma_semaphore, #tpu.memory_space<semaphore_mem>>) src(%dma_wait3A_141 : memref<40x128xi32, #tpu.memory_space<hbm>>) dst(%arg6 : memref<40x128xi32, #tpu.memory_space<vmem>>)
      tpu.yield
    }) : () -> ()
    %add3A_102 = arith.constant 120 : i32
    %add3A_103 = arith.addi %mul3A_0, %add3A_102 : i32
    "tpu.region"() ({
      %run_scoped3A = tpu.sem_alloc : memref<!tpu.dma_semaphore, #tpu.memory_space<semaphore_mem>>
      %dma_start3A_134 = arith.constant 0 : i32
      %dma_start3A_135 = tpu.memref_slice %arg3[%add3A_103, %dma_start3A_134] : memref<2560x128xi32, #tpu.memory_space<hbm>> -> memref<40x128xi32, #tpu.memory_space<hbm>>
      %dma_start3A_136 = arith.constant 0 : i32
      %dma_start3A_137 = tpu.memref_slice %arg3[%add3A_103, %dma_start3A_136] : memref<2560x128xi32, #tpu.memory_space<hbm>> -> memref<40x128xi32, #tpu.memory_space<hbm>>
      tpu.enqueue_dma source(%dma_start3A_137 : memref<40x128xi32, #tpu.memory_space<hbm>>) target(%arg7 : memref<40x128xi32, #tpu.memory_space<vmem>>) target_semaphore(%run_scoped3A : memref<!tpu.dma_semaphore, #tpu.memory_space<semaphore_mem>>)
      %dma_wait3A_138 = arith.constant 0 : i32
      %dma_wait3A_139 = tpu.memref_slice %arg3[%add3A_103, %dma_wait3A_138] : memref<2560x128xi32, #tpu.memory_space<hbm>> -> memref<40x128xi32, #tpu.memory_space<hbm>>
      %dma_wait3A_140 = arith.constant 0 : i32
      %dma_wait3A_141 = tpu.memref_slice %arg3[%add3A_103, %dma_wait3A_140] : memref<2560x128xi32, #tpu.memory_space<hbm>> -> memref<40x128xi32, #tpu.memory_space<hbm>>
      tpu.wait_dma2 semaphore(%run_scoped3A : memref<!tpu.dma_semaphore, #tpu.memory_space<semaphore_mem>>) src(%dma_wait3A_141 : memref<40x128xi32, #tpu.memory_space<hbm>>) dst(%arg7 : memref<40x128xi32, #tpu.memory_space<vmem>>)
      tpu.yield
    }) : () -> ()
    %dma_start3A_104 = arith.constant 0 : i32
    %dma_start3A_105 = arith.constant 0 : i32
    %dma_start3A_106 = tpu.memref_slice %arg6[%dma_start3A_104, %dma_start3A_105] : memref<40x128xi32, #tpu.memory_space<vmem>> -> memref<1x128xi32, #tpu.memory_space<vmem>>
    %dma_start3A_107 = tpu.memref_squeeze %dma_start3A_106 : memref<1x128xi32, #tpu.memory_space<vmem>> -> memref<128xi32, #tpu.memory_space<vmem>>
    %dma_start3A_108 = arith.constant 0 : i32
    %dma_start3A_109 = arith.constant 0 : i32
    %dma_start3A_110 = tpu.memref_slice %arg4[%arg0, %dma_start3A_108, %dma_start3A_109] : memref<2x10240x128xf32, #tpu.memory_space<hbm>> -> memref<1x10240x128xf32, #tpu.memory_space<hbm>>
    %dma_start3A_111 = tpu.memref_squeeze %dma_start3A_110 : memref<1x10240x128xf32, #tpu.memory_space<hbm>> -> memref<10240x128xf32, #tpu.memory_space<hbm>>
    %dma_start3A_112 = arith.constant 0 : i32
    %dma_start3A_113 = arith.constant 0 : i32
    %dma_start3A_114 = tpu.memref_slice %dma_start3A_111[%dma_start3A_112, %dma_start3A_113] : memref<10240x128xf32, #tpu.memory_space<hbm>> -> memref<10240x128xf32, #tpu.memory_space<hbm>>
    tpu.enqueue_indirect_dma source(%dma_start3A_114 : memref<10240x128xf32, #tpu.memory_space<hbm>>) target(%arg8 : memref<128x128xf32, #tpu.memory_space<vmem>>) offsets(%dma_start3A_107 : memref<128xi32, #tpu.memory_space<vmem>>) semaphore(%arg11 : memref<!tpu.dma_semaphore, #tpu.memory_space<semaphore_mem>>)
    %scan3A_115 = arith.constant 0 : i32
    %scan3A_116 = arith.constant 0 : i32
    %scan3A_117 = arith.constant 20 : i32
    %scan3A_118 = arith.addi %scan3A_116, %scan3A_117 : i32
    %scan3A_119 = arith.constant 1 : i32
    scf.for %scan3A_134 = %scan3A_116 to %scan3A_118 step %scan3A_119  : i32 {
      %mul3A_135 = arith.constant 2 : i32
      %mul3A_136 = arith.muli %mul3A_135, %scan3A_134 : i32
      %dma_wait3A_137 = arith.constant 0 : i32
      %dma_wait3A_138 = tpu.memref_slice %arg6[%mul3A_136, %dma_wait3A_137] : memref<40x128xi32, #tpu.memory_space<vmem>> -> memref<1x128xi32, #tpu.memory_space<vmem>>
      %dma_wait3A_139 = tpu.memref_squeeze %dma_wait3A_138 : memref<1x128xi32, #tpu.memory_space<vmem>> -> memref<128xi32, #tpu.memory_space<vmem>>
      %dma_wait3A_140 = arith.constant 0 : i32
      %dma_wait3A_141 = arith.constant 0 : i32
      %dma_wait3A_142 = tpu.memref_slice %arg4[%arg0, %dma_wait3A_140, %dma_wait3A_141] : memref<2x10240x128xf32, #tpu.memory_space<hbm>> -> memref<1x10240x128xf32, #tpu.memory_space<hbm>>
      %dma_wait3A_143 = tpu.memref_squeeze %dma_wait3A_142 : memref<1x10240x128xf32, #tpu.memory_space<hbm>> -> memref<10240x128xf32, #tpu.memory_space<hbm>>
      %dma_wait3A_144 = arith.constant 0 : i32
      %dma_wait3A_145 = arith.constant 0 : i32
      %dma_wait3A_146 = tpu.memref_slice %dma_wait3A_143[%dma_wait3A_144, %dma_wait3A_145] : memref<10240x128xf32, #tpu.memory_space<hbm>> -> memref<10240x128xf32, #tpu.memory_space<hbm>>
      tpu.wait_indirect_dma semaphore(%arg11 : memref<!tpu.dma_semaphore, #tpu.memory_space<semaphore_mem>>) src(%dma_wait3A_146 : memref<10240x128xf32, #tpu.memory_space<hbm>>) dst(%arg8 : memref<128x128xf32, #tpu.memory_space<vmem>>)
      %add3A_147 = arith.constant 1 : i32
      %add3A_148 = arith.addi %mul3A_136, %add3A_147 : i32
      %dma_start3A_149 = arith.constant 0 : i32
      %dma_start3A_150 = tpu.memref_slice %arg6[%add3A_148, %dma_start3A_149] : memref<40x128xi32, #tpu.memory_space<vmem>> -> memref<1x128xi32, #tpu.memory_space<vmem>>
      %dma_start3A_151 = tpu.memref_squeeze %dma_start3A_150 : memref<1x128xi32, #tpu.memory_space<vmem>> -> memref<128xi32, #tpu.memory_space<vmem>>
      %dma_start3A_152 = arith.constant 0 : i32
      %dma_start3A_153 = arith.constant 0 : i32
      %dma_start3A_154 = tpu.memref_slice %arg4[%arg0, %dma_start3A_152, %dma_start3A_153] : memref<2x10240x128xf32, #tpu.memory_space<hbm>> -> memref<1x10240x128xf32, #tpu.memory_space<hbm>>
      %dma_start3A_155 = tpu.memref_squeeze %dma_start3A_154 : memref<1x10240x128xf32, #tpu.memory_space<hbm>> -> memref<10240x128xf32, #tpu.memory_space<hbm>>
      %dma_start3A_156 = arith.constant 0 : i32
      %dma_start3A_157 = arith.constant 0 : i32
      %dma_start3A_158 = tpu.memref_slice %dma_start3A_155[%dma_start3A_156, %dma_start3A_157] : memref<10240x128xf32, #tpu.memory_space<hbm>> -> memref<10240x128xf32, #tpu.memory_space<hbm>>
      tpu.enqueue_indirect_dma source(%dma_start3A_158 : memref<10240x128xf32, #tpu.memory_space<hbm>>) target(%arg9 : memref<128x128xf32, #tpu.memory_space<vmem>>) offsets(%dma_start3A_151 : memref<128xi32, #tpu.memory_space<vmem>>) semaphore(%arg12 : memref<!tpu.dma_semaphore, #tpu.memory_space<semaphore_mem>>)
      "tpu.region"() ({
        %run_scoped3A = tpu.sem_alloc : memref<!tpu.dma_semaphore, #tpu.memory_space<semaphore_mem>>
        %dma_start3A_188 = arith.constant 0 : i32
        %dma_start3A_189 = tpu.memref_slice %arg7[%mul3A_136, %dma_start3A_188] : memref<40x128xi32, #tpu.memory_space<vmem>> -> memref<1x128xi32, #tpu.memory_space<vmem>>
        %dma_start3A_190 = tpu.memref_squeeze %dma_start3A_189 : memref<1x128xi32, #tpu.memory_space<vmem>> -> memref<128xi32, #tpu.memory_space<vmem>>
        %dma_start3A_191 = arith.constant 0 : i32
        %dma_start3A_192 = arith.constant 0 : i32
        %dma_start3A_193 = tpu.memref_slice %arg10[%dma_start3A_191, %dma_start3A_192] : memref<10240x128xf32, #tpu.memory_space<vmem_shared>> -> memref<10240x128xf32, #tpu.memory_space<vmem_shared>>
        tpu.enqueue_indirect_dma source(%arg8 : memref<128x128xf32, #tpu.memory_space<vmem>>) target(%dma_start3A_193 : memref<10240x128xf32, #tpu.memory_space<vmem_shared>>) offsets(%dma_start3A_190 : memref<128xi32, #tpu.memory_space<vmem>>) semaphore(%run_scoped3A : memref<!tpu.dma_semaphore, #tpu.memory_space<semaphore_mem>>) {add = true}
        %dma_wait3A_194 = arith.constant 0 : i32
        %dma_wait3A_195 = tpu.memref_slice %arg7[%mul3A_136, %dma_wait3A_194] : memref<40x128xi32, #tpu.memory_space<vmem>> -> memref<1x128xi32, #tpu.memory_space<vmem>>
        %dma_wait3A_196 = tpu.memref_squeeze %dma_wait3A_195 : memref<1x128xi32, #tpu.memory_space<vmem>> -> memref<128xi32, #tpu.memory_space<vmem>>
        %dma_wait3A_197 = arith.constant 0 : i32
        %dma_wait3A_198 = arith.constant 0 : i32
        %dma_wait3A_199 = tpu.memref_slice %arg10[%dma_wait3A_197, %dma_wait3A_198] : memref<10240x128xf32, #tpu.memory_space<vmem_shared>> -> memref<10240x128xf32, #tpu.memory_space<vmem_shared>>
        tpu.wait_indirect_dma semaphore(%run_scoped3A : memref<!tpu.dma_semaphore, #tpu.memory_space<semaphore_mem>>) src(%arg8 : memref<128x128xf32, #tpu.memory_space<vmem>>) dst(%dma_wait3A_199 : memref<10240x128xf32, #tpu.memory_space<vmem_shared>>)
        tpu.yield
      }) : () -> ()
      %add3A_159 = arith.constant 1 : i32
      %add3A_160 = arith.addi %mul3A_136, %add3A_159 : i32
      %dma_wait3A_161 = arith.constant 0 : i32
      %dma_wait3A_162 = tpu.memref_slice %arg6[%add3A_160, %dma_wait3A_161] : memref<40x128xi32, #tpu.memory_space<vmem>> -> memref<1x128xi32, #tpu.memory_space<vmem>>
      %dma_wait3A_163 = tpu.memref_squeeze %dma_wait3A_162 : memref<1x128xi32, #tpu.memory_space<vmem>> -> memref<128xi32, #tpu.memory_space<vmem>>
      %dma_wait3A_164 = arith.constant 0 : i32
      %dma_wait3A_165 = arith.constant 0 : i32
      %dma_wait3A_166 = tpu.memref_slice %arg4[%arg0, %dma_wait3A_164, %dma_wait3A_165] : memref<2x10240x128xf32, #tpu.memory_space<hbm>> -> memref<1x10240x128xf32, #tpu.memory_space<hbm>>
      %dma_wait3A_167 = tpu.memref_squeeze %dma_wait3A_166 : memref<1x10240x128xf32, #tpu.memory_space<hbm>> -> memref<10240x128xf32, #tpu.memory_space<hbm>>
      %dma_wait3A_168 = arith.constant 0 : i32
      %dma_wait3A_169 = arith.constant 0 : i32
      %dma_wait3A_170 = tpu.memref_slice %dma_wait3A_167[%dma_wait3A_168, %dma_wait3A_169] : memref<10240x128xf32, #tpu.memory_space<hbm>> -> memref<10240x128xf32, #tpu.memory_space<hbm>>
      tpu.wait_indirect_dma semaphore(%arg12 : memref<!tpu.dma_semaphore, #tpu.memory_space<semaphore_mem>>) src(%dma_wait3A_170 : memref<10240x128xf32, #tpu.memory_space<hbm>>) dst(%arg9 : memref<128x128xf32, #tpu.memory_space<vmem>>)
      %add3A_171 = arith.constant 2 : i32
      %add3A_172 = arith.addi %mul3A_136, %add3A_171 : i32
      %lt3A = arith.constant 40 : i32
      %lt3A_173 = arith.cmpi slt, %add3A_172, %lt3A : i32
      %add3A_174 = arith.constant 2 : i32
      %add3A_175 = arith.addi %mul3A_136, %add3A_174 : i32
      %jit3A = arith.constant 0 : i32
      %select_n3A = arith.select %lt3A_173, %add3A_175, %jit3A : i32
      %dma_start3A_176 = arith.constant 0 : i32
      %dma_start3A_177 = tpu.memref_slice %arg6[%select_n3A, %dma_start3A_176] : memref<40x128xi32, #tpu.memory_space<vmem>> -> memref<1x128xi32, #tpu.memory_space<vmem>>
      %dma_start3A_178 = tpu.memref_squeeze %dma_start3A_177 : memref<1x128xi32, #tpu.memory_space<vmem>> -> memref<128xi32, #tpu.memory_space<vmem>>
      %dma_start3A_179 = arith.constant 0 : i32
      %dma_start3A_180 = arith.constant 0 : i32
      %dma_start3A_181 = tpu.memref_slice %arg4[%arg0, %dma_start3A_179, %dma_start3A_180] : memref<2x10240x128xf32, #tpu.memory_space<hbm>> -> memref<1x10240x128xf32, #tpu.memory_space<hbm>>
      %dma_start3A_182 = tpu.memref_squeeze %dma_start3A_181 : memref<1x10240x128xf32, #tpu.memory_space<hbm>> -> memref<10240x128xf32, #tpu.memory_space<hbm>>
      %dma_start3A_183 = arith.constant 0 : i32
      %dma_start3A_184 = arith.constant 0 : i32
      %dma_start3A_185 = tpu.memref_slice %dma_start3A_182[%dma_start3A_183, %dma_start3A_184] : memref<10240x128xf32, #tpu.memory_space<hbm>> -> memref<10240x128xf32, #tpu.memory_space<hbm>>
      tpu.enqueue_indirect_dma source(%dma_start3A_185 : memref<10240x128xf32, #tpu.memory_space<hbm>>) target(%arg8 : memref<128x128xf32, #tpu.memory_space<vmem>>) offsets(%dma_start3A_178 : memref<128xi32, #tpu.memory_space<vmem>>) semaphore(%arg11 : memref<!tpu.dma_semaphore, #tpu.memory_space<semaphore_mem>>)
      %add3A_186 = arith.constant 1 : i32
      %add3A_187 = arith.addi %mul3A_136, %add3A_186 : i32
      "tpu.region"() ({
        %run_scoped3A = tpu.sem_alloc : memref<!tpu.dma_semaphore, #tpu.memory_space<semaphore_mem>>
        %dma_start3A_188 = arith.constant 0 : i32
        %dma_start3A_189 = tpu.memref_slice %arg7[%add3A_187, %dma_start3A_188] : memref<40x128xi32, #tpu.memory_space<vmem>> -> memref<1x128xi32, #tpu.memory_space<vmem>>
        %dma_start3A_190 = tpu.memref_squeeze %dma_start3A_189 : memref<1x128xi32, #tpu.memory_space<vmem>> -> memref<128xi32, #tpu.memory_space<vmem>>
        %dma_start3A_191 = arith.constant 0 : i32
        %dma_start3A_192 = arith.constant 0 : i32
        %dma_start3A_193 = tpu.memref_slice %arg10[%dma_start3A_191, %dma_start3A_192] : memref<10240x128xf32, #tpu.memory_space<vmem_shared>> -> memref<10240x128xf32, #tpu.memory_space<vmem_shared>>
        tpu.enqueue_indirect_dma source(%arg9 : memref<128x128xf32, #tpu.memory_space<vmem>>) target(%dma_start3A_193 : memref<10240x128xf32, #tpu.memory_space<vmem_shared>>) offsets(%dma_start3A_190 : memref<128xi32, #tpu.memory_space<vmem>>) semaphore(%run_scoped3A : memref<!tpu.dma_semaphore, #tpu.memory_space<semaphore_mem>>) {add = true}
        %dma_wait3A_194 = arith.constant 0 : i32
        %dma_wait3A_195 = tpu.memref_slice %arg7[%add3A_187, %dma_wait3A_194] : memref<40x128xi32, #tpu.memory_space<vmem>> -> memref<1x128xi32, #tpu.memory_space<vmem>>
        %dma_wait3A_196 = tpu.memref_squeeze %dma_wait3A_195 : memref<1x128xi32, #tpu.memory_space<vmem>> -> memref<128xi32, #tpu.memory_space<vmem>>
        %dma_wait3A_197 = arith.constant 0 : i32
        %dma_wait3A_198 = arith.constant 0 : i32
        %dma_wait3A_199 = tpu.memref_slice %arg10[%dma_wait3A_197, %dma_wait3A_198] : memref<10240x128xf32, #tpu.memory_space<vmem_shared>> -> memref<10240x128xf32, #tpu.memory_space<vmem_shared>>
        tpu.wait_indirect_dma semaphore(%run_scoped3A : memref<!tpu.dma_semaphore, #tpu.memory_space<semaphore_mem>>) src(%arg9 : memref<128x128xf32, #tpu.memory_space<vmem>>) dst(%dma_wait3A_199 : memref<10240x128xf32, #tpu.memory_space<vmem_shared>>)
        tpu.yield
      }) : () -> ()
    }
    %scan3A_120 = arith.constant 20 : i32
    %dma_wait3A_121 = arith.constant 0 : i32
    %dma_wait3A_122 = arith.constant 0 : i32
    %dma_wait3A_123 = tpu.memref_slice %arg6[%dma_wait3A_121, %dma_wait3A_122] : memref<40x128xi32, #tpu.memory_space<vmem>> -> memref<1x128xi32, #tpu.memory_space<vmem>>
    %dma_wait3A_124 = tpu.memref_squeeze %dma_wait3A_123 : memref<1x128xi32, #tpu.memory_space<vmem>> -> memref<128xi32, #tpu.memory_space<vmem>>
    %dma_wait3A_125 = arith.constant 0 : i32
    %dma_wait3A_126 = arith.constant 0 : i32
    %dma_wait3A_127 = tpu.memref_slice %arg4[%arg0, %dma_wait3A_125, %dma_wait3A_126] : memref<2x10240x128xf32, #tpu.memory_space<hbm>> -> memref<1x10240x128xf32, #tpu.memory_space<hbm>>
    %dma_wait3A_128 = tpu.memref_squeeze %dma_wait3A_127 : memref<1x10240x128xf32, #tpu.memory_space<hbm>> -> memref<10240x128xf32, #tpu.memory_space<hbm>>
    %dma_wait3A_129 = arith.constant 0 : i32
    %dma_wait3A_130 = arith.constant 0 : i32
    %dma_wait3A_131 = tpu.memref_slice %dma_wait3A_128[%dma_wait3A_129, %dma_wait3A_130] : memref<10240x128xf32, #tpu.memory_space<hbm>> -> memref<10240x128xf32, #tpu.memory_space<hbm>>
    tpu.wait_indirect_dma semaphore(%arg11 : memref<!tpu.dma_semaphore, #tpu.memory_space<semaphore_mem>>) src(%dma_wait3A_131 : memref<10240x128xf32, #tpu.memory_space<hbm>>) dst(%arg8 : memref<128x128xf32, #tpu.memory_space<vmem>>)
    %barrier3A_132 = arith.constant 0 : index
    tpu.barrier barrier_id(%barrier3A_132)
    "tpu.region"() ({
      %run_scoped3A = tpu.sem_alloc : memref<!tpu.dma_semaphore, #tpu.memory_space<semaphore_mem>>
      %dma_start3A_134 = arith.constant 0 : i32
      %dma_start3A_135 = arith.constant 0 : i32
      %dma_start3A_136 = tpu.memref_slice %arg4[%arg0, %dma_start3A_134, %dma_start3A_135] : memref<2x10240x128xf32, #tpu.memory_space<hbm>> -> memref<1x10240x128xf32, #tpu.memory_space<hbm>>
      %dma_start3A_137 = tpu.memref_squeeze %dma_start3A_136 : memref<1x10240x128xf32, #tpu.memory_space<hbm>> -> memref<10240x128xf32, #tpu.memory_space<hbm>>
      %dma_start3A_138 = arith.constant 0 : i32
      %dma_start3A_139 = arith.constant 0 : i32
      %dma_start3A_140 = tpu.memref_slice %dma_start3A_137[%dma_start3A_138, %dma_start3A_139] : memref<10240x128xf32, #tpu.memory_space<hbm>> -> memref<128x128xf32, #tpu.memory_space<hbm>>
      %dma_start3A_141 = arith.constant 0 : i32
      %dma_start3A_142 = arith.constant 0 : i32
      %dma_start3A_143 = tpu.memref_slice %arg4[%arg0, %dma_start3A_141, %dma_start3A_142] : memref<2x10240x128xf32, #tpu.memory_space<hbm>> -> memref<1x10240x128xf32, #tpu.memory_space<hbm>>
      %dma_start3A_144 = tpu.memref_squeeze %dma_start3A_143 : memref<1x10240x128xf32, #tpu.memory_space<hbm>> -> memref<10240x128xf32, #tpu.memory_space<hbm>>
      %dma_start3A_145 = arith.constant 0 : i32
      %dma_start3A_146 = arith.constant 0 : i32
      %dma_start3A_147 = tpu.memref_slice %dma_start3A_144[%dma_start3A_145, %dma_start3A_146] : memref<10240x128xf32, #tpu.memory_space<hbm>> -> memref<128x128xf32, #tpu.memory_space<hbm>>
      tpu.enqueue_dma source(%dma_start3A_147 : memref<128x128xf32, #tpu.memory_space<hbm>>) target(%arg8 : memref<128x128xf32, #tpu.memory_space<vmem>>) target_semaphore(%run_scoped3A : memref<!tpu.dma_semaphore, #tpu.memory_space<semaphore_mem>>)
      %dma_wait3A_148 = arith.constant 0 : i32
      %dma_wait3A_149 = arith.constant 0 : i32
      %dma_wait3A_150 = tpu.memref_slice %arg4[%arg0, %dma_wait3A_148, %dma_wait3A_149] : memref<2x10240x128xf32, #tpu.memory_space<hbm>> -> memref<1x10240x128xf32, #tpu.memory_space<hbm>>
      %dma_wait3A_151 = tpu.memref_squeeze %dma_wait3A_150 : memref<1x10240x128xf32, #tpu.memory_space<hbm>> -> memref<10240x128xf32, #tpu.memory_space<hbm>>
      %dma_wait3A_152 = arith.constant 0 : i32
      %dma_wait3A_153 = arith.constant 0 : i32
      %dma_wait3A_154 = tpu.memref_slice %dma_wait3A_151[%dma_wait3A_152, %dma_wait3A_153] : memref<10240x128xf32, #tpu.memory_space<hbm>> -> memref<128x128xf32, #tpu.memory_space<hbm>>
      %dma_wait3A_155 = arith.constant 0 : i32
      %dma_wait3A_156 = arith.constant 0 : i32
      %dma_wait3A_157 = tpu.memref_slice %arg4[%arg0, %dma_wait3A_155, %dma_wait3A_156] : memref<2x10240x128xf32, #tpu.memory_space<hbm>> -> memref<1x10240x128xf32, #tpu.memory_space<hbm>>
      %dma_wait3A_158 = tpu.memref_squeeze %dma_wait3A_157 : memref<1x10240x128xf32, #tpu.memory_space<hbm>> -> memref<10240x128xf32, #tpu.memory_space<hbm>>
      %dma_wait3A_159 = arith.constant 0 : i32
      %dma_wait3A_160 = arith.constant 0 : i32
      %dma_wait3A_161 = tpu.memref_slice %dma_wait3A_158[%dma_wait3A_159, %dma_wait3A_160] : memref<10240x128xf32, #tpu.memory_space<hbm>> -> memref<128x128xf32, #tpu.memory_space<hbm>>
      tpu.wait_dma2 semaphore(%run_scoped3A : memref<!tpu.dma_semaphore, #tpu.memory_space<semaphore_mem>>) src(%dma_wait3A_161 : memref<128x128xf32, #tpu.memory_space<hbm>>) dst(%arg8 : memref<128x128xf32, #tpu.memory_space<vmem>>)
      tpu.yield
    }) : () -> ()
    %barrier3A_133 = arith.constant 0 : index
    tpu.barrier barrier_id(%barrier3A_133)
    "tpu.region"() ({
      %run_scoped3A = tpu.sem_alloc : memref<!tpu.dma_semaphore, #tpu.memory_space<semaphore_mem>>
      %dma_start3A_134 = arith.constant 0 : i32
      %dma_start3A_135 = arith.constant 0 : i32
      %dma_start3A_136 = tpu.memref_slice %arg5[%arg0, %dma_start3A_134, %dma_start3A_135] : memref<2x10240x128xf32, #tpu.memory_space<hbm>> -> memref<1x10240x128xf32, #tpu.memory_space<hbm>>
      %dma_start3A_137 = tpu.memref_squeeze %dma_start3A_136 : memref<1x10240x128xf32, #tpu.memory_space<hbm>> -> memref<10240x128xf32, #tpu.memory_space<hbm>>
      %dma_start3A_138 = arith.constant 0 : i32
      %dma_start3A_139 = tpu.memref_slice %dma_start3A_137[%mul3A_2, %dma_start3A_138] : memref<10240x128xf32, #tpu.memory_space<hbm>> -> memref<640x128xf32, #tpu.memory_space<hbm>>
      %dma_start3A_140 = arith.constant 0 : i32
      %dma_start3A_141 = tpu.memref_slice %arg10[%mul3A_2, %dma_start3A_140] : memref<10240x128xf32, #tpu.memory_space<vmem_shared>> -> memref<640x128xf32, #tpu.memory_space<vmem_shared>>
      tpu.enqueue_dma source(%dma_start3A_141 : memref<640x128xf32, #tpu.memory_space<vmem_shared>>) target(%dma_start3A_139 : memref<640x128xf32, #tpu.memory_space<hbm>>) target_semaphore(%run_scoped3A : memref<!tpu.dma_semaphore, #tpu.memory_space<semaphore_mem>>)
      %dma_wait3A_142 = arith.constant 0 : i32
      %dma_wait3A_143 = arith.constant 0 : i32
      %dma_wait3A_144 = tpu.memref_slice %arg5[%arg0, %dma_wait3A_142, %dma_wait3A_143] : memref<2x10240x128xf32, #tpu.memory_space<hbm>> -> memref<1x10240x128xf32, #tpu.memory_space<hbm>>
      %dma_wait3A_145 = tpu.memref_squeeze %dma_wait3A_144 : memref<1x10240x128xf32, #tpu.memory_space<hbm>> -> memref<10240x128xf32, #tpu.memory_space<hbm>>
      %dma_wait3A_146 = arith.constant 0 : i32
      %dma_wait3A_147 = tpu.memref_slice %dma_wait3A_145[%mul3A_2, %dma_wait3A_146] : memref<10240x128xf32, #tpu.memory_space<hbm>> -> memref<640x128xf32, #tpu.memory_space<hbm>>
      %dma_wait3A_148 = arith.constant 0 : i32
      %dma_wait3A_149 = tpu.memref_slice %arg10[%mul3A_2, %dma_wait3A_148] : memref<10240x128xf32, #tpu.memory_space<vmem_shared>> -> memref<640x128xf32, #tpu.memory_space<vmem_shared>>
      tpu.wait_dma2 semaphore(%run_scoped3A : memref<!tpu.dma_semaphore, #tpu.memory_space<semaphore_mem>>) src(%dma_wait3A_149 : memref<640x128xf32, #tpu.memory_space<vmem_shared>>) dst(%dma_wait3A_147 : memref<640x128xf32, #tpu.memory_space<hbm>>)
      tpu.yield
    }) : () -> ()
    return
  }
}

module attributes {stable_mosaic.version = 14 : i64} {
  func.func @_k1_body(%arg0: i32, %arg1: memref<512x128xf32, #tpu.memory_space<vmem>>, %arg2: memref<128x256xf32, #tpu.memory_space<vmem>>, %arg3: memref<2x512xf32, #tpu.memory_space<vmem>>, %arg4: memref<2x512x128xf32, #tpu.memory_space<vmem>>) attributes {dimension_semantics = [#tpu.dimension_semantics<arbitrary>], iteration_bounds = array<i64: 20>, scalar_prefetch = 0 : i64, scratch_operands = 0 : i64, tpu.core_type = #tpu.core_type<tc>, window_params = [{transform_indices = @transform_0, window_bounds = array<i64: 512, 128>}, {pipeline_mode = #tpu.pipeline_mode<synchronous>, transform_indices = @transform_1, window_bounds = array<i64: 128, 256>}, {transform_indices = @transform_2, window_bounds = array<i64: 2, 512>}, {transform_indices = @transform_3, window_bounds = array<i64: 2, 512, 128>}]} {
    %get3A = arith.constant 0 : index
    %get3A_0 = arith.constant 0 : index
    %get3A_1 = vector.load %arg3[%get3A, %get3A_0] : memref<2x512xf32, #tpu.memory_space<vmem>>, vector<1x512xf32>
    %get3A_2 = vector.shape_cast %get3A_1 : vector<1x512xf32> to vector<512xf32>
    %get3A_3 = arith.constant 1 : index
    %get3A_4 = arith.constant 0 : index
    %get3A_5 = vector.load %arg3[%get3A_3, %get3A_4] : memref<2x512xf32, #tpu.memory_space<vmem>>, vector<1x512xf32>
    %get3A_6 = vector.shape_cast %get3A_5 : vector<1x512xf32> to vector<512xf32>
    %add3A = arith.addf %get3A_2, %get3A_6 : vector<512xf32>
    %add3A_7 = arith.constant 1.000000e+00 : f32
    %add3A_8 = vector.broadcast %add3A_7 : f32 to vector<512xf32>
    %add3A_9 = arith.addf %add3A, %add3A_8 : vector<512xf32>
    %rsqrt3A = math.rsqrt %add3A_9 : vector<512xf32>
    %broadcast_in_dim3A = vector.shape_cast %rsqrt3A : vector<512xf32> to vector<512x1xf32>
    %get3A_10 = arith.constant 0 : index
    %get3A_11 = arith.constant 0 : index
    %get3A_12 = vector.load %arg1[%get3A_10, %get3A_11] : memref<512x128xf32, #tpu.memory_space<vmem>>, vector<512x128xf32>
    %get3A_13 = arith.constant 0 : index
    %get3A_14 = arith.constant 0 : index
    %get3A_15 = vector.load %arg2[%get3A_13, %get3A_14] : memref<128x256xf32, #tpu.memory_space<vmem>>, vector<128x256xf32>
    %dot_general3A = arith.constant dense<0.000000e+00> : vector<512x256xf32>
    %dot_general3A_16 = tpu.matmul %get3A_12, %get3A_15, %dot_general3A {dimension_numbers = #tpu.dot_dimension_numbers<[1], [0], [0], [1], [0, 0, 1, 1], [], []>, transpose_lhs_hint = false} : vector<512x128xf32>, vector<128x256xf32>, vector<512x256xf32> -> vector<512x256xf32>
    %slice3A = vector.extract_strided_slice %dot_general3A_16 {offsets = [0, 0], sizes = [512, 128], strides = [1, 1]} : vector<512x256xf32> to vector<512x128xf32>
    %mul3A = vector.broadcast %broadcast_in_dim3A : vector<512x1xf32> to vector<512x128xf32>
    %mul3A_17 = arith.mulf %slice3A, %mul3A : vector<512x128xf32>
    %swap3A = arith.constant 0 : index
    %swap3A_18 = arith.constant 0 : index
    %swap3A_19 = arith.constant 0 : index
    %swap3A_20 = vector.load %arg4[%swap3A, %swap3A_18, %swap3A_19] : memref<2x512x128xf32, #tpu.memory_space<vmem>>, vector<1x512x128xf32>
    %swap3A_21 = vector.shape_cast %swap3A_20 : vector<1x512x128xf32> to vector<512x128xf32>
    %swap3A_22 = vector.shape_cast %mul3A_17 : vector<512x128xf32> to vector<1x512x128xf32>
    tpu.vector_store %arg4[%swap3A, %swap3A_18, %swap3A_19], %swap3A_22 {strides = array<i32>} : memref<2x512x128xf32, #tpu.memory_space<vmem>>, vector<1x512x128xf32>,
    %slice3A_23 = vector.extract_strided_slice %dot_general3A_16 {offsets = [0, 128], sizes = [512, 128], strides = [1, 1]} : vector<512x256xf32> to vector<512x128xf32>
    %mul3A_24 = vector.broadcast %broadcast_in_dim3A : vector<512x1xf32> to vector<512x128xf32>
    %mul3A_25 = arith.mulf %slice3A_23, %mul3A_24 : vector<512x128xf32>
    %swap3A_26 = arith.constant 1 : index
    %swap3A_27 = arith.constant 0 : index
    %swap3A_28 = arith.constant 0 : index
    %swap3A_29 = vector.load %arg4[%swap3A_26, %swap3A_27, %swap3A_28] : memref<2x512x128xf32, #tpu.memory_space<vmem>>, vector<1x512x128xf32>
    %swap3A_30 = vector.shape_cast %swap3A_29 : vector<1x512x128xf32> to vector<512x128xf32>
    %swap3A_31 = vector.shape_cast %mul3A_25 : vector<512x128xf32> to vector<1x512x128xf32>
    tpu.vector_store %arg4[%swap3A_26, %swap3A_27, %swap3A_28], %swap3A_31 {strides = array<i32>} : memref<2x512x128xf32, #tpu.memory_space<vmem>>, vector<1x512x128xf32>,
    return
  }
  func.func @transform_0(%arg0: i32) -> (i32, i32) {
    %c0_i32 = arith.constant 0 : i32
    %c0_i32_0 = arith.constant 0 : i32
    return %arg0, %c0_i32 : i32, i32
  }
  func.func @transform_1(%arg0: i32) -> (i32, i32) {
    %c0_i32 = arith.constant 0 : i32
    %c0_i32_0 = arith.constant 0 : i32
    %c0_i32_1 = arith.constant 0 : i32
    return %c0_i32, %c0_i32_0 : i32, i32
  }
  func.func @transform_2(%arg0: i32) -> (i32, i32) {
    %c0_i32 = arith.constant 0 : i32
    %c0_i32_0 = arith.constant 0 : i32
    return %c0_i32, %arg0 : i32, i32
  }
  func.func @transform_3(%arg0: i32) -> (i32, i32, i32) {
    %c0_i32 = arith.constant 0 : i32
    %c0_i32_0 = arith.constant 0 : i32
    %c0_i32_1 = arith.constant 0 : i32
    return %c0_i32, %arg0, %c0_i32_0 : i32, i32, i32
  }
}

module attributes {stable_mosaic.version = 14 : i64} {
  func.func @_k2_body(%arg0: i32, %arg1: memref<2x512x128xf32, #tpu.memory_space<vmem>>, %arg2: memref<2x512xf32, #tpu.memory_space<vmem>>, %arg3: memref<256xf32, #tpu.memory_space<vmem>>, %arg4: memref<256x128xf32, #tpu.memory_space<vmem>>, %arg5: memref<512x128xf32, #tpu.memory_space<vmem>>) attributes {dimension_semantics = [#tpu.dimension_semantics<arbitrary>], iteration_bounds = array<i64: 20>, scalar_prefetch = 0 : i64, scratch_operands = 0 : i64, tpu.core_type = #tpu.core_type<tc>, window_params = [{transform_indices = @transform_0, window_bounds = array<i64: 2, 512, 128>}, {transform_indices = @transform_1, window_bounds = array<i64: 2, 512>}, {pipeline_mode = #tpu.pipeline_mode<synchronous>, transform_indices = @transform_2, window_bounds = array<i64: 256>}, {pipeline_mode = #tpu.pipeline_mode<synchronous>, transform_indices = @transform_3, window_bounds = array<i64: 256, 128>}, {transform_indices = @transform_4, window_bounds = array<i64: 512, 128>}]} {
    %get3A = arith.constant 0 : index
    %get3A_0 = arith.constant 0 : index
    %get3A_1 = vector.load %arg2[%get3A, %get3A_0] : memref<2x512xf32, #tpu.memory_space<vmem>>, vector<1x512xf32>
    %get3A_2 = vector.shape_cast %get3A_1 : vector<1x512xf32> to vector<512xf32>
    %get3A_3 = arith.constant 1 : index
    %get3A_4 = arith.constant 0 : index
    %get3A_5 = vector.load %arg2[%get3A_3, %get3A_4] : memref<2x512xf32, #tpu.memory_space<vmem>>, vector<1x512xf32>
    %get3A_6 = vector.shape_cast %get3A_5 : vector<1x512xf32> to vector<512xf32>
    %add3A = arith.addf %get3A_2, %get3A_6 : vector<512xf32>
    %add3A_7 = arith.constant 1.000000e+00 : f32
    %add3A_8 = vector.broadcast %add3A_7 : f32 to vector<512xf32>
    %add3A_9 = arith.addf %add3A, %add3A_8 : vector<512xf32>
    %rsqrt3A = math.rsqrt %add3A_9 : vector<512xf32>
    %broadcast_in_dim3A = vector.shape_cast %rsqrt3A : vector<512xf32> to vector<512x1xf32>
    %get3A_10 = arith.constant 0 : index
    %get3A_11 = vector.load %arg3[%get3A_10] : memref<256xf32, #tpu.memory_space<vmem>>, vector<256xf32>
    %get3A_12 = arith.constant 0 : index
    %get3A_13 = arith.constant 0 : index
    %get3A_14 = arith.constant 0 : index
    %get3A_15 = vector.load %arg1[%get3A_12, %get3A_13, %get3A_14] : memref<2x512x128xf32, #tpu.memory_space<vmem>>, vector<1x512x128xf32>
    %get3A_16 = vector.shape_cast %get3A_15 : vector<1x512x128xf32> to vector<512x128xf32>
    %mul3A = vector.broadcast %broadcast_in_dim3A : vector<512x1xf32> to vector<512x128xf32>
    %mul3A_17 = arith.mulf %get3A_16, %mul3A : vector<512x128xf32>
    %slice3A = vector.extract_strided_slice %get3A_11 {offsets = [0], sizes = [128], strides = [1]} : vector<256xf32> to vector<128xf32>
    %broadcast_in_dim3A_18 = vector.shape_cast %slice3A : vector<128xf32> to vector<1x128xf32>
    %add3A_19 = vector.broadcast %broadcast_in_dim3A_18 : vector<1x128xf32> to vector<512x128xf32>
    %add3A_20 = arith.addf %mul3A_17, %add3A_19 : vector<512x128xf32>
    %max3A = arith.constant 0.000000e+00 : f32
    %max3A_21 = vector.broadcast %max3A : f32 to vector<512x128xf32>
    %max3A_22 = arith.maximumf %add3A_20, %max3A_21 : vector<512x128xf32>
    %get3A_23 = arith.constant 1 : index
    %get3A_24 = arith.constant 0 : index
    %get3A_25 = arith.constant 0 : index
    %get3A_26 = vector.load %arg1[%get3A_23, %get3A_24, %get3A_25] : memref<2x512x128xf32, #tpu.memory_space<vmem>>, vector<1x512x128xf32>
    %get3A_27 = vector.shape_cast %get3A_26 : vector<1x512x128xf32> to vector<512x128xf32>
    %mul3A_28 = vector.broadcast %broadcast_in_dim3A : vector<512x1xf32> to vector<512x128xf32>
    %mul3A_29 = arith.mulf %get3A_27, %mul3A_28 : vector<512x128xf32>
    %slice3A_30 = vector.extract_strided_slice %get3A_11 {offsets = [128], sizes = [128], strides = [1]} : vector<256xf32> to vector<128xf32>
    %broadcast_in_dim3A_31 = vector.shape_cast %slice3A_30 : vector<128xf32> to vector<1x128xf32>
    %add3A_32 = vector.broadcast %broadcast_in_dim3A_31 : vector<1x128xf32> to vector<512x128xf32>
    %add3A_33 = arith.addf %mul3A_29, %add3A_32 : vector<512x128xf32>
    %max3A_34 = arith.constant 0.000000e+00 : f32
    %max3A_35 = vector.broadcast %max3A_34 : f32 to vector<512x128xf32>
    %max3A_36 = arith.maximumf %add3A_33, %max3A_35 : vector<512x128xf32>
    %get3A_37 = arith.constant 0 : index
    %get3A_38 = arith.constant 0 : index
    %get3A_39 = vector.load %arg4[%get3A_37, %get3A_38] : memref<256x128xf32, #tpu.memory_space<vmem>>, vector<128x128xf32>
    %dot_general3A = arith.constant dense<0.000000e+00> : vector<512x128xf32>
    %dot_general3A_40 = tpu.matmul %max3A_22, %get3A_39, %dot_general3A {dimension_numbers = #tpu.dot_dimension_numbers<[1], [0], [0], [1], [0, 0, 1, 1], [], []>, transpose_lhs_hint = false} : vector<512x128xf32>, vector<128x128xf32>, vector<512x128xf32> -> vector<512x128xf32>
    %get3A_41 = arith.constant 128 : index
    %get3A_42 = arith.constant 0 : index
    %get3A_43 = vector.load %arg4[%get3A_41, %get3A_42] : memref<256x128xf32, #tpu.memory_space<vmem>>, vector<128x128xf32>
    %dot_general3A_44 = arith.constant dense<0.000000e+00> : vector<512x128xf32>
    %dot_general3A_45 = tpu.matmul %max3A_36, %get3A_43, %dot_general3A_44 {dimension_numbers = #tpu.dot_dimension_numbers<[1], [0], [0], [1], [0, 0, 1, 1], [], []>, transpose_lhs_hint = false} : vector<512x128xf32>, vector<128x128xf32>, vector<512x128xf32> -> vector<512x128xf32>
    %add3A_46 = arith.addf %dot_general3A_40, %dot_general3A_45 : vector<512x128xf32>
    %mul3A_47 = vector.broadcast %broadcast_in_dim3A : vector<512x1xf32> to vector<512x128xf32>
    %mul3A_48 = arith.mulf %add3A_46, %mul3A_47 : vector<512x128xf32>
    %swap3A = arith.constant 0 : index
    %swap3A_49 = arith.constant 0 : index
    %swap3A_50 = vector.load %arg5[%swap3A, %swap3A_49] : memref<512x128xf32, #tpu.memory_space<vmem>>, vector<512x128xf32>
    tpu.vector_store %arg5[%swap3A, %swap3A_49], %mul3A_48 {strides = array<i32>} : memref<512x128xf32, #tpu.memory_space<vmem>>, vector<512x128xf32>,
    return
  }
  func.func @transform_0(%arg0: i32) -> (i32, i32, i32) {
    %c0_i32 = arith.constant 0 : i32
    %c0_i32_0 = arith.constant 0 : i32
    %c0_i32_1 = arith.constant 0 : i32
    return %c0_i32, %arg0, %c0_i32_0 : i32, i32, i32
  }
  func.func @transform_1(%arg0: i32) -> (i32, i32) {
    %c0_i32 = arith.constant 0 : i32
    %c0_i32_0 = arith.constant 0 : i32
    return %c0_i32, %arg0 : i32, i32
  }
  func.func @transform_2(%arg0: i32) -> i32 {
    %c0_i32 = arith.constant 0 : i32
    %c0_i32_0 = arith.constant 0 : i32
    return %c0_i32 : i32
  }
  func.func @transform_3(%arg0: i32) -> (i32, i32) {
    %c0_i32 = arith.constant 0 : i32
    %c0_i32_0 = arith.constant 0 : i32
    %c0_i32_1 = arith.constant 0 : i32
    return %c0_i32, %c0_i32_0 : i32, i32
  }
  func.func @transform_4(%arg0: i32) -> (i32, i32) {
    %c0_i32 = arith.constant 0 : i32
    %c0_i32_0 = arith.constant 0 : i32
    return %arg0, %c0_i32 : i32, i32
  }
}

module attributes {stable_mosaic.version = 14 : i64} {
  func.func @_k3_body(%arg0: i32, %arg1: memref<2x1024x128xf32, #tpu.memory_space<vmem>>, %arg2: memref<1024x128xf32, #tpu.memory_space<vmem>>, %arg3: memref<2x1024xf32, #tpu.memory_space<vmem>>, %arg4: memref<128xf32, #tpu.memory_space<vmem>>, %arg5: memref<1024x128xf32, #tpu.memory_space<vmem>>) attributes {dimension_semantics = [#tpu.dimension_semantics<arbitrary>], iteration_bounds = array<i64: 10>, scalar_prefetch = 0 : i64, scratch_operands = 0 : i64, tpu.core_type = #tpu.core_type<tc>, window_params = [{transform_indices = @transform_0, window_bounds = array<i64: 2, 1024, 128>}, {transform_indices = @transform_1, window_bounds = array<i64: 1024, 128>}, {transform_indices = @transform_2, window_bounds = array<i64: 2, 1024>}, {pipeline_mode = #tpu.pipeline_mode<synchronous>, transform_indices = @transform_3, window_bounds = array<i64: 128>}, {transform_indices = @transform_4, window_bounds = array<i64: 1024, 128>}]} {
    %get3A = arith.constant 0 : index
    %get3A_0 = arith.constant 0 : index
    %get3A_1 = vector.load %arg3[%get3A, %get3A_0] : memref<2x1024xf32, #tpu.memory_space<vmem>>, vector<1x1024xf32>
    %get3A_2 = vector.shape_cast %get3A_1 : vector<1x1024xf32> to vector<1024xf32>
    %get3A_3 = arith.constant 1 : index
    %get3A_4 = arith.constant 0 : index
    %get3A_5 = vector.load %arg3[%get3A_3, %get3A_4] : memref<2x1024xf32, #tpu.memory_space<vmem>>, vector<1x1024xf32>
    %get3A_6 = vector.shape_cast %get3A_5 : vector<1x1024xf32> to vector<1024xf32>
    %add3A = arith.addf %get3A_2, %get3A_6 : vector<1024xf32>
    %add3A_7 = arith.constant 1.000000e+00 : f32
    %add3A_8 = vector.broadcast %add3A_7 : f32 to vector<1024xf32>
    %add3A_9 = arith.addf %add3A, %add3A_8 : vector<1024xf32>
    %rsqrt3A = math.rsqrt %add3A_9 : vector<1024xf32>
    %broadcast_in_dim3A = vector.shape_cast %rsqrt3A : vector<1024xf32> to vector<1024x1xf32>
    %get3A_10 = arith.constant 0 : index
    %get3A_11 = arith.constant 0 : index
    %get3A_12 = arith.constant 0 : index
    %get3A_13 = vector.load %arg1[%get3A_10, %get3A_11, %get3A_12] : memref<2x1024x128xf32, #tpu.memory_space<vmem>>, vector<1x1024x128xf32>
    %get3A_14 = vector.shape_cast %get3A_13 : vector<1x1024x128xf32> to vector<1024x128xf32>
    %get3A_15 = arith.constant 1 : index
    %get3A_16 = arith.constant 0 : index
    %get3A_17 = arith.constant 0 : index
    %get3A_18 = vector.load %arg1[%get3A_15, %get3A_16, %get3A_17] : memref<2x1024x128xf32, #tpu.memory_space<vmem>>, vector<1x1024x128xf32>
    %get3A_19 = vector.shape_cast %get3A_18 : vector<1x1024x128xf32> to vector<1024x128xf32>
    %add3A_20 = arith.addf %get3A_14, %get3A_19 : vector<1024x128xf32>
    %get3A_21 = arith.constant 0 : index
    %get3A_22 = arith.constant 0 : index
    %get3A_23 = vector.load %arg2[%get3A_21, %get3A_22] : memref<1024x128xf32, #tpu.memory_space<vmem>>, vector<1024x128xf32>
    %sub3A = arith.subf %add3A_20, %get3A_23 : vector<1024x128xf32>
    %mul3A = vector.broadcast %broadcast_in_dim3A : vector<1024x1xf32> to vector<1024x128xf32>
    %mul3A_24 = arith.mulf %sub3A, %mul3A : vector<1024x128xf32>
    %get3A_25 = arith.constant 0 : index
    %get3A_26 = vector.load %arg4[%get3A_25] : memref<128xf32, #tpu.memory_space<vmem>>, vector<128xf32>
    %broadcast_in_dim3A_27 = vector.shape_cast %get3A_26 : vector<128xf32> to vector<1x128xf32>
    %add3A_28 = vector.broadcast %broadcast_in_dim3A_27 : vector<1x128xf32> to vector<1024x128xf32>
    %add3A_29 = arith.addf %mul3A_24, %add3A_28 : vector<1024x128xf32>
    %swap3A = arith.constant 0 : index
    %swap3A_30 = arith.constant 0 : index
    %swap3A_31 = vector.load %arg5[%swap3A, %swap3A_30] : memref<1024x128xf32, #tpu.memory_space<vmem>>, vector<1024x128xf32>
    tpu.vector_store %arg5[%swap3A, %swap3A_30], %add3A_29 {strides = array<i32>} : memref<1024x128xf32, #tpu.memory_space<vmem>>, vector<1024x128xf32>,
    return
  }
  func.func @transform_0(%arg0: i32) -> (i32, i32, i32) {
    %c0_i32 = arith.constant 0 : i32
    %c0_i32_0 = arith.constant 0 : i32
    %c0_i32_1 = arith.constant 0 : i32
    return %c0_i32, %arg0, %c0_i32_0 : i32, i32, i32
  }
  func.func @transform_1(%arg0: i32) -> (i32, i32) {
    %c0_i32 = arith.constant 0 : i32
    %c0_i32_0 = arith.constant 0 : i32
    return %arg0, %c0_i32 : i32, i32
  }
  func.func @transform_2(%arg0: i32) -> (i32, i32) {
    %c0_i32 = arith.constant 0 : i32
    %c0_i32_0 = arith.constant 0 : i32
    return %c0_i32, %arg0 : i32, i32
  }
  func.func @transform_3(%arg0: i32) -> i32 {
    %c0_i32 = arith.constant 0 : i32
    %c0_i32_0 = arith.constant 0 : i32
    return %c0_i32 : i32
  }
  func.func @transform_4(%arg0: i32) -> (i32, i32) {
    %c0_i32 = arith.constant 0 : i32
    %c0_i32_0 = arith.constant 0 : i32
    return %arg0, %c0_i32 : i32, i32
  }
}

</mosaic_0001>

<sc_bundles>
// kernel: kernel.11.cloned.1.call-start
scs
__scs_entry_jumppad:
0x0: {  	(pc) =	sbr.rel $0x88, $3  }
0x1: {  	(tag) =	ssettag $0x0;
	lr =	simm.s32 $0x1  }
0x2: {  	[smem:$0x3F9B] =	sst lr;
	_ =	strace $0xD0000000  }
0x3: {  	_ = 	snop  }
0x4: {  	_ = 	snop  }
0x5: {  	_ = 	snop  }
0x6: {  	_ = 	snop  }
0x7: {  	_ = 	snop  }
__scs_overlays_trampoline_lowered:
0x8: {  	[smem:$0x3FAA] =	sst s0  }
0x9: {  	[smem:$0x3FAB] =	sst s1  }
0xa: {  	[smem:$0x3FAC] =	sst s2  }
0xb: {  	[smem:$0x3FAD] =	sst s3  }
0xc: {  	[smem:$0x3FAE] =	sst s4  }
0xd: {  	[smem:$0x3FAF] =	sst s5  }
0xe: {  	[smem:$0x3FB0] =	sst s6  }
0xf: {  	[smem:$0x3FB1] =	sst s7  }
0x10: {  	[smem:$0x3FB2] =	sst s8  }
0x11: {  	[smem:$0x3FB3] =	sst s9;
	s0 =	simm.s32 @!p0 $0x0  }
0x12: {  	s1 =	sld [smem:$0x3F99];
	s0 =	simm.s32 @p0 $0x1  }
0x13: {  	[smem:$0x3FB4] =	sst s0;
	s0 =	simm.s32 @!p1 $0x0  }
0x14: {  	s2 =	sld [smem:$0x3F98];
	s0 =	simm.s32 @p1 $0x1  }
0x15: {  	[smem:$0x3FB5] =	sst s0;
	s0 =	simm.s32 @!p2 $0x0  }
0x16: {  	s3 =	sld [smem:$0x3FDB];
	s0 =	simm.s32 @p2 $0x1  }
0x17: {  	s4 =	simm.s32 $0x1BF5;
	[smem:$0x3FB7] =	sst s0  }
0x18: {  	s0 =	sld [smem:$0x3F9A];
	_ =	swait.ge [sflag:s4], $0x0  }
0x19: {  	s7 =	sld [smem:$0x3F9B]  }
0x1a: {  	s8 =	sadd.s32 $0xFFFFE003, lr  }
0x1b: {  	s9 =	sadd.s32 $0xFFFFFEF7, lr;
	s5 =	simm.s32 $0xFFFFFFFF;
	p2 =	slt.u32 s8, $0xFFFFF086  }
0x1c: {  	p1 =	slt.u32 s9, $0xF7A;
	s5 =	simm.s32 @!p2 $0x0  }
0x1d: {  	s5 =	simm.s32 @p1 $0x1;
	p0 =	seq.s32 s7, s2  }
0x1e: {  	s7 =	smul.u32 @!p0 $0xF7A, s2;
	p2 =	seq.s32 @!p0 s5, $0x0  }
0x1f: {  	s9 =	smul.u32 $0xF7A, s1;
	s8 =	simm.s32 @!p0 $0x1BF5;
	p2 =	por !p2, p0  }
0x20: {  	[sflag:s8] =	ssyncset.s32 @!p0 $0xFFFFF086;
	s6 =	sadd.s32 @!p0 s3, s7;
	s7 =	simm.s32 @!p0 $0x108  }
0x21: {  	s3 =	sadd.s32 s3, s9;
	s6 =	sadd.s32 @!p0 $0x88, s6;
	s7 =	simm.s32 @p2 $0x1082  }
0x22: {  	[simem:s7], [sflag:s8] =	dma.local @!p0 [hbm:s6], $0xF7A  }
0x23: {  	s9 =	sor.u32 $0xD0000000, s2;
	s6 =	simm.s32 $0x108;
	_ =	swait.ge @!p0 [sflag:s8], $0x0  }
0x24: {  	s3 =	sadd.s32 $0x88, s3;
	s6 =	simm.s32 @!p1 $0x1082;
	[sflag:s4] =	ssyncset.s32 $0xFFFFF086  }
0x25: {  	[simem:s6], [sflag:s4] =	dma.local [hbm:s3], $0xF7A  }
0x26: {  	[smem:$0x3F9B] =	sst s1;
	(tag) =	ssettag s2;
	_ =	strace s9  }
0x27: {  	s1 =	sld [smem:$0x3FAB]  }
0x28: {  	s2 =	sld [smem:$0x3FAC]  }
0x29: {  	s4 =	sld [smem:$0x3FAE]  }
0x2a: {  	p0 =	seq.s32 s5, $0x0;
	s5 =	sld [smem:$0x3FAF]  }
0x2b: {  	s6 =	sld [smem:$0x3FB0]  }
0x2c: {  	s7 =	sld [smem:$0x3FB1]  }
0x2d: {  	s3 =	simm.s32 $0x108;
	s8 =	sld [smem:$0x3FB2]  }
0x2e: {  	s3 =	simm.s32 @!p0 $0x1082;
	s9 =	sld [smem:$0x3FB3]  }
0x2f: {  	lr =	sadd.s32 s0, s3;
	s0 =	sld [smem:$0x3FAA]  }
0x30: {  	s3 =	sld [smem:$0x3FAD]  }
0x31: {  	[smem:$0x3FB6] =	sst s10  }
0x32: {  	s10 =	sld [smem:$0x3FB4];
	_ =	sdelay $0x3  }
0x33: {  	p0 =	seq.s32 s10, $0x1;
	s10 =	sld [smem:$0x3FB6];
	_ =	sdelay $0x3  }
0x34: {  	[smem:$0x3FB6] =	sst s10  }
0x35: {  	s10 =	sld [smem:$0x3FB5];
	_ =	sdelay $0x3  }
0x36: {  	p1 =	seq.s32 s10, $0x1;
	s10 =	sld [smem:$0x3FB6];
	_ =	sdelay $0x3  }
0x37: {  	[smem:$0x3FB6] =	sst s10  }
0x38: {  	s10 =	sld [smem:$0x3FB7]  }
0x39: {  	_ = 	snop;
	(pc) =	sbr.ind lr, $3  }
0x3a: {  	_ = 	snop  }
0x3b: {  	_ = 	snop  }
0x3c: {  	p2 =	seq.s32 s10, $0x1;
	s10 =	sld [smem:$0x3FB6]  }
0x3d: {  	_ =	shalt  }
0x3e: {  	_ =	shalt  }
0x3f: {  	_ =	shalt  }
0x40: {  	_ =	shalt  }
0x41: {  	_ =	shalt  }
0x42: {  	_ =	shalt  }
0x43: {  	_ =	shalt  }
0x44: {  	_ =	shalt  }
0x45: {  	_ =	shalt  }
0x46: {  	_ =	shalt  }
0x47: {  	_ =	shalt  }
0x48: {  	_ =	shalt  }
0x49: {  	_ =	shalt  }
0x4a: {  	_ =	shalt  }
0x4b: {  	_ =	shalt  }
0x4c: {  	_ =	shalt  }
0x4d: {  	_ =	shalt  }
0x4e: {  	_ =	shalt  }
0x4f: {  	_ =	shalt  }
0x50: {  	_ =	shalt  }
0x51: {  	_ =	shalt  }
0x52: {  	_ =	shalt  }
0x53: {  	_ =	shalt  }
0x54: {  	_ =	shalt  }
0x55: {  	_ =	shalt  }
0x56: {  	_ =	shalt  }
0x57: {  	_ =	shalt  }
0x58: {  	_ =	shalt  }
0x59: {  	_ =	shalt  }
0x5a: {  	_ =	shalt  }
0x5b: {  	_ =	shalt  }
0x5c: {  	_ =	shalt  }
0x5d: {  	_ =	shalt  }
0x5e: {  	_ =	shalt  }
0x5f: {  	_ =	shalt  }
0x60: {  	_ =	shalt  }
0x61: {  	_ =	shalt  }
0x62: {  	_ =	shalt  }
0x63: {  	_ =	shalt  }
0x64: {  	_ =	shalt  }
0x65: {  	_ =	shalt  }
0x66: {  	_ =	shalt  }
0x67: {  	_ =	shalt  }
0x68: {  	_ =	shalt  }
0x69: {  	_ =	shalt  }
0x6a: {  	_ =	shalt  }
0x6b: {  	_ =	shalt  }
0x6c: {  	_ =	shalt  }
0x6d: {  	_ =	shalt  }
0x6e: {  	_ =	shalt  }
0x6f: {  	_ =	shalt  }
0x70: {  	_ =	shalt  }
0x71: {  	_ =	shalt  }
0x72: {  	_ =	shalt  }
0x73: {  	_ =	shalt  }
0x74: {  	_ =	shalt  }
0x75: {  	_ =	shalt  }
0x76: {  	_ =	shalt  }
0x77: {  	_ =	shalt  }
0x78: {  	_ =	shalt  }
0x79: {  	_ =	shalt  }
0x7a: {  	_ =	shalt  }
0x7b: {  	_ =	shalt  }
0x7c: {  	_ =	shalt  }
0x7d: {  	_ =	shalt  }
0x7e: {  	_ =	shalt  }
0x7f: {  	_ =	shalt  }
0x80: {  	_ =	shalt  }
0x81: {  	_ =	shalt  }
0x82: {  	_ =	shalt  }
0x83: {  	_ =	shalt  }
0x84: {  	_ =	shalt  }
0x85: {  	_ =	shalt  }
0x86: {  	_ =	shalt  }
0x87: {  	_ =	shalt  }
.Lfunc_end0:
.L_simem_size_0:
called_computation.1_lowered:
.L_overlay_start_0:
0x88: {  	s2 =	sld [smem:$0x3FD9]  }
0x89: {  	s3 =	sld [smem:$0x3FFE];
	_ =	sdelay $0x1  }
0x8a: {  	s1 =	srdreg.scid  }
0x8b: {  	s0 =	sand.u32 $0x1, s1  }
0x8c: {  	s17 =	sshll.u32 s0, $0xA;
	s2 =	sadd.s32 s3, s2  }
0x8d: {  	s2 =	sadd.s32 s2, s17  }
0x8e: {  	[smem:$0x3FC2] =	sst s2  }
0x8f: {  	_ = 	snop  }
0x90: {  	s2 =	sld [smem:$0x3FD0];
	(tm) =	ssettm $0x1  }
0x91: {  	s18 =	sld [smem:$0x3FFB];
	_ =	sdelay $0x3  }
0x92: {  	_ =	strace s18  }
0x93: {  	s3 =	sld [smem:$0x3FFC];
	_ =	sdelay $0x3  }
0x94: {  	_ =	strace s3  }
0x95: {  	s3 =	sld [smem:$0x3FFD];
	_ =	sdelay $0x3  }
0x96: {  	_ =	strace s3  }
0x97: {  	_ =	strace $0x8FFFFFFF  }
0x98: {  	s19 =	sld [smem:$0x3FDB];
	_ =	sdelay $0x1  }
0x99: {  	s4 =	simm.s32 $_scs_section_size  }
0x9a: {  	s5 =	simm.s32 $_size__tile_overlayer_lowered;
	s6 =	simm.s32 $_tile_overlayer_lowered  }
0x9b: {  	s22 =	simm.s32 $0x1BFF;
	s21 =	sshll.u32 s6, $0x1;
	s3 =	sadd.s32 s4, s19  }
0x9c: {  	s7 =	simm.s32 $0x0;
	s20 =	sshll.u32 s5, $0x1;
	s5 =	sadd.s32 s21, s3  }
0x9d: {  	[timem:s7], [sflag:s22] =	dma.local [hbm:s5], s20  }
0x9e: {  	_ =	swait.ge [sflag:s22], s20  }
0x9f: {  	s4 =	ssub.s32 $0x0, s20;
	[sflag:s22] =	ssyncset.done $0x0  }
0xa0: {  	[sflag:s22] =	ssyncadd.s32 s4;
	_ =	sdelay $0x1  }
0xa1: {  	s23 =	simm.s32 $0x1B8B  }
0xa2: {  	_ =	swait.ge [sflag:s23], $0x1  }
0xa3: {  	[sflag:s23] =	ssyncset.done $0x0  }
0xa4: {  	s25 =	simm.s32 $0x1B8E;
	s24 =	sld [smem:$0x3FFE];
	[sflag:s23] =	ssyncadd.s32 $0xFFFFFFFF  }
0xa5: {  	s26 =	simm.s32 $execute0_lowered;
	[smem:$0x3FD2] =	sst s25  }
0xa6: {  	s5 =	sshll.u32 s26, $0x1;
	_ =	strace $0x80000049;
	[dreg:$0x1] =	wrdreg $0xFFFFFFFF  }
0xa7: {  	s28 =	simm.s32 $_size_execute0_lowered;
	s3 =	sadd.s32 s3, s5;
	[dreg:$0x0] =	wrdreg $0x0  }
0xa8: {  	s5 =	sshll.u32 s28, $0x1;
	[dreg:$0x2] =	wrdreg s3  }
0xa9: {  	[dreg:$0x3] =	wrdreg s5  }
0xaa: {  	[dreg:$0x4] =	wrdreg $0xC0  }
0xab: {  	_ =	task [dreg:s7], $0x5FFFF  }
0xac: {  	[dreg:$0x1] =	wrdreg $0xFFFFFFFF  }
0xad: {  	[dreg:$0x0] =	wrdreg $0x60  }
0xae: {  	[dreg:$0x2] =	wrdreg s24  }
0xaf: {  	[dreg:$0x3] =	wrdreg s2  }
0xb0: {  	[dreg:$0x4] =	wrdreg $0xA8000  }
0xb1: {  	[dreg:$0x5] =	wrdreg $0x9  }
0xb2: {  	_ =	task.clear_ibuf [dreg:s7], $0x6FFFF;
	_ =	strace $0x90000049  }
0xb3: {  	s29 =	simm.s32 $0x9;
	_ =	strace $0x8000004B  }
0xb4: {  	_ =	swait.ge [sflag:s29], $0x1  }
0xb5: {  	[sflag:s29] =	ssyncadd.s32 $0xFFFFFFFF  }
0xb6: {  	_ =	strace $0x9000004B  }
0xb7: {  	_ =	sfence  }
0xb8: {  	s30 =	sld [smem:$0x0];
	_ =	sdelay $0x2  }
0xb9: {  	s31 =	sshll.u32 s1, $0xD;
	s1 =	sshrl.u32 s1, $0x2  }
0xba: {  	s3 =	sand.u32 $0x4000, s31;
	s1 =	sadd.s32 s1, s30  }
0xbb: {  	s0 =	sor.u32 s3, s0;
	s1 =	sshll.u32 s1, $0x11  }
0xbc: {  	s0 =	sor.u32 s1, s0  }
0xbd: {  	s0 =	sadd.s32 $0x8F2B, s0  }
0xbe: {  	[sflag:s0] =	ssyncadd.remote.s32 $0x1  }
0xbf: {  	_ =	sfence.sel $0xFFFF  }
0xc0: {  	[dreg:$0x0] =	wrdreg $0xFFFFFFFF;
	(pc) =	sbr.abs _section_cstart, $3  }
0xc1: {  	[dreg:$0x1] =	wrdreg $0xFFFFFFFF  }
0xc2: {  	_ =	task.clear_ibuf [dreg:s7], $0x2FFFF;
	_ =	strace $0x9FFFFFFF  }
0xc3: {  	(tm) =	ssettm $0x7FFFFFFF  }
tec
execute0_lowered:
.L_overlay_start_1:
0x0: {  	(tag) =	ssettag $0x1  }
0x1: {  	s0 =	rddreg [dreg:$0x0]  }
0x2: {  	s16 =	rddreg [dreg:$0x1]  }
0x3: {  	s1 =	rddreg [dreg:$0x2];
	s2 =	simm.s32 $0x0;
	s3 =	srdreg.scid  }
0x4: {  	s22 =	stileid.u32;
	s19 =	simm.s32 $0x2800;
	s20 =	simm.s32 $0x1400  }
0x5: {  	s21 =	simm.s32 $0x80;
	s28 =	simm.s32 $0x2700;
	s23 =	smul.u32 $0x50000, s22  }
0x6: {  	s29 =	simm.s32 $0x2780;
	s30 =	simm.s32 $0x0;
	s24 =	smul.u32 $0x2800, s22  }
0x7: {  	[smem:$0x7FF] =	sst s2;
	s4 =	sand.u32 $0x1, s3;
	s8 =	smul.u32 $0x5000, s22  }
0x8: {  	s15 =	sadd.s32 $0x2C00, s0;
	s31 =	sshll.u32 s22, $0x6;
	s10 =	smul.u32 $0xA00, s22  }
0x9: {  	s22 =	simm.s32 $0x1;
	_ =	strace $0x8000004A;
	s6 =	ssub.s32 $0x2, s4  }
0xa: {  	s5 =	smul.u32 $0x28000, s4;
	s25 =	sshrl.u32 s6, $0x1;
	s7 =	sshrl.u32 s23, $0x2  }
0xb: {  	s13 =	sshrl.u32 s8, $0x3;
	s9 =	sadd.s32 s15, s10;
	s10 =	sadd.s32 s16, s10  }
0xc: {  	s23 =	simm.s32 $0x6800;
	s0 =	sadd.s32 s5, s0;
	s17 =	ssub.s32 s6, s25  }
0xd: {  	s5 =	sadd.s32 s7, s1;
	s7 =	sor.u32 $0x1C03, s31;
	s12 =	sadd.s32 $0x280, s13  }
0xe: {  	s14 =	sadd.s32 $0x500, s13;
	s18 =	sadd.s32 $0x780, s13;
	s25 =	simm.s32 $0x2  }
0xf: {  	s4 =	sadd.s32 $0xCC00, s0;
	s8 =	sadd.s32 $0x10000, s5;
	s11 =	sadd.s32 s15, s12  }
0x10: {  	s12 =	sadd.s32 s16, s12;
	s13 =	sadd.s32 s15, s14;
	s14 =	sadd.s32 s16, s14  }
0x11: {  	s15 =	sadd.s32 s15, s18;
	s16 =	sadd.s32 s16, s18;
	s0 =	sadd.s32 $0x5CC00, s0  }
0x12: {  	s17 =	smax.u32 s17, $0x1;
	s18 =	simm.s32 $0x3;
	s26 =	sadd.s32 s24, s4  }
0x13: {  	s24 =	sadd.s32 s24, s0;
	[dreg:$0x4] =	wrdreg s26;
	s26 =	simm.s32 $0x1380  }
.LBB2_1:
0x14: {  	s31 =	sshrl.u32 s5, $0x3;
	s0 =	rddreg [dreg:$0x4]  }
0x15: {  	[spmem:s31], [sflag:s7] =	dma.local [hbm:s0], $0x2800  }
0x16: {  	_ =	swait.ge [sflag:s18], $0x2800  }
0x17: {  	[sflag:s18] =	ssyncset.done $0x0  }
0x18: {  	[sflag:s18] =	ssyncadd.s32 $0xFFFFD800  }
0x19: {  	[tilespmem:s19], [sflag:$0x3] =	stream.linear.gather [spmem:s8], $0x4000, $0x38;
	[tilespmem:$0x1E800] =	vst v63  }
0x1a: {  	_ =	swait.ge [sflag:s18], $0x4000  }
0x1b: {  	[sflag:s18] =	ssyncset.done $0x0  }
0x1c: {  	[sflag:s18] =	ssyncadd.s32 $0xFFFFC000  }
0x1d: {  	[bflag:$0x0] =	sbarrier.arrive $0xFFFF  }
0x1e: {  	[tilespmem:s2], [sflag:$0x3] =	stream.linear.gather [hbm4b:s9+s2], $0x1400, $0x38;
	[tilespmem:$0x1E800] =	vst v63  }
0x1f: {  	_ =	swait.ge [sflag:s18], $0x1400  }
0x20: {  	[sflag:s18] =	ssyncset.done $0x0  }
0x21: {  	[sflag:s18] =	ssyncadd.s32 $0xFFFFEC00  }
0x22: {  	[tilespmem:s20], [sflag:$0x3] =	stream.linear.gather [hbm4b:s10+s2], $0x1400, $0x38;
	[tilespmem:$0x1E800] =	vst v63  }
0x23: {  	_ =	swait.ge [sflag:s18], $0x1400  }
0x24: {  	[sflag:s18] =	ssyncset.done $0x0  }
0x25: {  	[sflag:s18] =	ssyncadd.s32 $0xFFFFEC00  }
0x26: {  	[tilespmem:s19], [sflag:$0x1] =	stream.indirect.gather [hbm4b:s4+s21], $0x80, s2, s21, $0xb8;
	[tilespmem:$0x1E800] =	vst v63  }
0x27: {  	_ =	swait.ge [sflag:s22], $0x4000  }
0x28: {  	[sflag:s22] =	ssyncset.done $0x0  }
0x29: {  	s3 =	simm.s32 $0x80;
	[sflag:s22] =	ssyncadd.s32 $0xFFFFC000  }
0x2a: {  	[tilespmem:s23], [sflag:$0x2] =	stream.indirect.gather [hbm4b:s4+s21], $0x80, s3, s21, $0xb8;
	[tilespmem:$0x1E800] =	vst v63  }
0x2b: {  	s6 =	simm.s32 $0x1400  }
0x2c: {  	[spmem:s1] =	stream.indirect.scatter.add.f32 [tilespmem:s19], [sflag:$0x3], $0x80, s6, s21, $0xb8;
	[tilespmem:$0x1E800] =	vst v63  }
0x2d: {  	_ =	swait.ge [sflag:s18], $0x4000  }
0x2e: {  	[sflag:s18] =	ssyncset.done $0x0  }
0x2f: {  	[sflag:s18] =	ssyncadd.s32 $0xFFFFC000  }
0x30: {  	_ =	swait.ge [sflag:s25], $0x4000  }
0x31: {  	[sflag:s25] =	ssyncset.done $0x0  }
0x32: {  	s3 =	simm.s32 $0x100;
	[sflag:s25] =	ssyncadd.s32 $0xFFFFC000  }
0x33: {  	[tilespmem:s19], [sflag:$0x1] =	stream.indirect.gather [hbm4b:s4+s21], $0x80, s3, s21, $0xb8;
	[tilespmem:$0x1E800] =	vst v63  }
0x34: {  	s6 =	simm.s32 $0x1480  }
0x35: {  	[spmem:s1] =	stream.indirect.scatter.add.f32 [tilespmem:s23], [sflag:$0x3], $0x80, s6, s21, $0xb8;
	[tilespmem:$0x1E800] =	vst v63  }
0x36: {  	_ =	swait.ge [sflag:s18], $0x4000  }
0x37: {  	s0 =	simm.s32 $0x400;
	[sflag:s18] =	ssyncset.done $0x0  }
.LBB2_2:
0x38: {  	p0 =	sne.s32 s0, $0x4800  }
0x39: {  	[sflag:s18] =	ssyncadd.s32 $0xFFFFC000;
	s3 =	smov.u32 s0;
	s0 =	sadd.s32 $0x400, s0  }
0x3a: {  	_ = 	snop  }
0x3b: {  	_ =	swait.ge [sflag:s22], $0x4000  }
0x3c: {  	s3 =	sshra.s32 s3, $0x2;
	[sflag:s22] =	ssyncset.done $0x0  }
0x3d: {  	s6 =	sadd.s32 $0x80, s3;
	[sflag:s22] =	ssyncadd.s32 $0xFFFFC000  }
0x3e: {  	[tilespmem:s23], [sflag:$0x2] =	stream.indirect.gather [hbm4b:s4+s21], $0x80, s6, s21, $0xb8;
	[tilespmem:$0x1E800] =	vst v63  }
0x3f: {  	s6 =	sadd.s32 $0x1400, s3  }
0x40: {  	[spmem:s1] =	stream.indirect.scatter.add.f32 [tilespmem:s19], [sflag:$0x3], $0x80, s6, s21, $0xb8;
	[tilespmem:$0x1E800] =	vst v63  }
0x41: {  	_ =	swait.ge [sflag:s18], $0x4000  }
0x42: {  	[sflag:s18] =	ssyncset.done $0x0  }
0x43: {  	[sflag:s18] =	ssyncadd.s32 $0xFFFFC000  }
0x44: {  	_ =	swait.ge [sflag:s25], $0x4000  }
0x45: {  	[sflag:s25] =	ssyncset.done $0x0  }
0x46: {  	s6 =	sadd.s32 $0x100, s3;
	[sflag:s25] =	ssyncadd.s32 $0xFFFFC000  }
0x47: {  	[tilespmem:s19], [sflag:$0x1] =	stream.indirect.gather [hbm4b:s4+s21], $0x80, s6, s21, $0xb8;
	[tilespmem:$0x1E800] =	vst v63  }
.Ltmp0:
0x48: {  	_ = 	snop;
	(pc) =	sbr.rel @p0 .LBB2_2-.Ltmp0, $4  }
0x49: {  	s3 =	sadd.s32 $0x1480, s3  }
0x4a: {  	[spmem:s1] =	stream.indirect.scatter.add.f32 [tilespmem:s23], [sflag:$0x3], $0x80, s3, s21, $0xb8;
	[tilespmem:$0x1E800] =	vst v63  }
0x4b: {  	_ =	swait.ge [sflag:s18], $0x4000  }
0x4c: {  	[sflag:s18] =	ssyncset.done $0x0  }
0x4d: {  	[sflag:s18] =	ssyncadd.s32 $0xFFFFC000  }
0x4e: {  	_ =	swait.ge [sflag:s22], $0x4000  }
0x4f: {  	[sflag:s22] =	ssyncset.done $0x0  }
0x50: {  	[sflag:s22] =	ssyncadd.s32 $0xFFFFC000  }
0x51: {  	[tilespmem:s23], [sflag:$0x2] =	stream.indirect.gather [hbm4b:s4+s21], $0x80, s26, s21, $0xb8;
	[tilespmem:$0x1E800] =	vst v63  }
0x52: {  	_ = 	snop  }
0x53: {  	[spmem:s1] =	stream.indirect.scatter.add.f32 [tilespmem:s19], [sflag:$0x3], $0x80, s28, s21, $0xb8;
	[tilespmem:$0x1E800] =	vst v63  }
0x54: {  	_ =	swait.ge [sflag:s18], $0x4000  }
0x55: {  	[sflag:s18] =	ssyncset.done $0x0  }
0x56: {  	[sflag:s18] =	ssyncadd.s32 $0xFFFFC000  }
0x57: {  	_ =	swait.ge [sflag:s25], $0x4000  }
0x58: {  	[sflag:s25] =	ssyncset.done $0x0  }
0x59: {  	s0 =	simm.s32 $0x0;
	[sflag:s25] =	ssyncadd.s32 $0xFFFFC000  }
0x5a: {  	[tilespmem:s19], [sflag:$0x1] =	stream.indirect.gather [hbm4b:s4+s21], $0x80, s0, s21, $0xb8;
	[tilespmem:$0x1E800] =	vst v63  }
0x5b: {  	_ = 	snop  }
0x5c: {  	[spmem:s1] =	stream.indirect.scatter.add.f32 [tilespmem:s23], [sflag:$0x3], $0x80, s29, s21, $0xb8;
	[tilespmem:$0x1E800] =	vst v63  }
0x5d: {  	_ =	swait.ge [sflag:s18], $0x4000  }
0x5e: {  	[sflag:s18] =	ssyncset.done $0x0  }
0x5f: {  	[sflag:s18] =	ssyncadd.s32 $0xFFFFC000  }
0x60: {  	_ =	swait.ge [sflag:s22], $0x4000  }
0x61: {  	[sflag:s22] =	ssyncset.done $0x0  }
0x62: {  	[sflag:s22] =	ssyncadd.s32 $0xFFFFC000  }
0x63: {  	[tilespmem:s0], [sflag:$0x3] =	stream.linear.gather [hbm4b:s11+s0], $0x1400, $0x38;
	[tilespmem:$0x1E800] =	vst v63  }
0x64: {  	_ =	swait.ge [sflag:s18], $0x1400  }
0x65: {  	[sflag:s18] =	ssyncset.done $0x0  }
0x66: {  	[sflag:s18] =	ssyncadd.s32 $0xFFFFEC00  }
0x67: {  	[tilespmem:s20], [sflag:$0x3] =	stream.linear.gather [hbm4b:s12+s0], $0x1400, $0x38;
	[tilespmem:$0x1E800] =	vst v63  }
0x68: {  	_ =	swait.ge [sflag:s18], $0x1400  }
0x69: {  	[sflag:s18] =	ssyncset.done $0x0  }
0x6a: {  	[sflag:s18] =	ssyncadd.s32 $0xFFFFEC00  }
0x6b: {  	[tilespmem:s19], [sflag:$0x1] =	stream.indirect.gather [hbm4b:s4+s21], $0x80, s0, s21, $0xb8;
	[tilespmem:$0x1E800] =	vst v63  }
0x6c: {  	_ =	swait.ge [sflag:s22], $0x4000  }
0x6d: {  	[sflag:s22] =	ssyncset.done $0x0  }
0x6e: {  	s3 =	simm.s32 $0x80;
	[sflag:s22] =	ssyncadd.s32 $0xFFFFC000  }
0x6f: {  	[tilespmem:s23], [sflag:$0x2] =	stream.indirect.gather [hbm4b:s4+s21], $0x80, s3, s21, $0xb8;
	[tilespmem:$0x1E800] =	vst v63  }
0x70: {  	s6 =	simm.s32 $0x1400  }
0x71: {  	[spmem:s1] =	stream.indirect.scatter.add.f32 [tilespmem:s19], [sflag:$0x3], $0x80, s6, s21, $0xb8;
	[tilespmem:$0x1E800] =	vst v63  }
0x72: {  	_ =	swait.ge [sflag:s18], $0x4000  }
0x73: {  	[sflag:s18] =	ssyncset.done $0x0  }
0x74: {  	[sflag:s18] =	ssyncadd.s32 $0xFFFFC000  }
0x75: {  	_ =	swait.ge [sflag:s25], $0x4000  }
0x76: {  	[sflag:s25] =	ssyncset.done $0x0  }
0x77: {  	s3 =	simm.s32 $0x100;
	[sflag:s25] =	ssyncadd.s32 $0xFFFFC000  }
0x78: {  	[tilespmem:s19], [sflag:$0x1] =	stream.indirect.gather [hbm4b:s4+s21], $0x80, s3, s21, $0xb8;
	[tilespmem:$0x1E800] =	vst v63  }
0x79: {  	s6 =	simm.s32 $0x1480  }
0x7a: {  	[spmem:s1] =	stream.indirect.scatter.add.f32 [tilespmem:s23], [sflag:$0x3], $0x80, s6, s21, $0xb8;
	[tilespmem:$0x1E800] =	vst v63  }
0x7b: {  	_ =	swait.ge [sflag:s18], $0x4000  }
0x7c: {  	s0 =	simm.s32 $0x400;
	[sflag:s18] =	ssyncset.done $0x0  }
.LBB2_4:
0x7d: {  	p0 =	sne.s32 s0, $0x4800  }
0x7e: {  	[sflag:s18] =	ssyncadd.s32 $0xFFFFC000;
	s3 =	smov.u32 s0;
	s0 =	sadd.s32 $0x400, s0  }
0x7f: {  	_ = 	snop  }
0x80: {  	_ =	swait.ge [sflag:s22], $0x4000  }
0x81: {  	s3 =	sshra.s32 s3, $0x2;
	[sflag:s22] =	ssyncset.done $0x0  }
0x82: {  	s6 =	sadd.s32 $0x80, s3;
	[sflag:s22] =	ssyncadd.s32 $0xFFFFC000  }
0x83: {  	[tilespmem:s23], [sflag:$0x2] =	stream.indirect.gather [hbm4b:s4+s21], $0x80, s6, s21, $0xb8;
	[tilespmem:$0x1E800] =	vst v63  }
0x84: {  	s6 =	sadd.s32 $0x1400, s3  }
0x85: {  	[spmem:s1] =	stream.indirect.scatter.add.f32 [tilespmem:s19], [sflag:$0x3], $0x80, s6, s21, $0xb8;
	[tilespmem:$0x1E800] =	vst v63  }
0x86: {  	_ =	swait.ge [sflag:s18], $0x4000  }
0x87: {  	[sflag:s18] =	ssyncset.done $0x0  }
0x88: {  	[sflag:s18] =	ssyncadd.s32 $0xFFFFC000  }
0x89: {  	_ =	swait.ge [sflag:s25], $0x4000  }
0x8a: {  	[sflag:s25] =	ssyncset.done $0x0  }
0x8b: {  	s6 =	sadd.s32 $0x100, s3;
	[sflag:s25] =	ssyncadd.s32 $0xFFFFC000  }
0x8c: {  	[tilespmem:s19], [sflag:$0x1] =	stream.indirect.gather [hbm4b:s4+s21], $0x80, s6, s21, $0xb8;
	[tilespmem:$0x1E800] =	vst v63  }
.Ltmp1:
0x8d: {  	_ = 	snop;
	(pc) =	sbr.rel @p0 .LBB2_4-.Ltmp1, $4  }
0x8e: {  	s3 =	sadd.s32 $0x1480, s3  }
0x8f: {  	[spmem:s1] =	stream.indirect.scatter.add.f32 [tilespmem:s23], [sflag:$0x3], $0x80, s3, s21, $0xb8;
	[tilespmem:$0x1E800] =	vst v63  }
0x90: {  	_ =	swait.ge [sflag:s18], $0x4000  }
0x91: {  	[sflag:s18] =	ssyncset.done $0x0  }
0x92: {  	[sflag:s18] =	ssyncadd.s32 $0xFFFFC000  }
0x93: {  	_ =	swait.ge [sflag:s22], $0x4000  }
0x94: {  	[sflag:s22] =	ssyncset.done $0x0  }
0x95: {  	[sflag:s22] =	ssyncadd.s32 $0xFFFFC000  }
0x96: {  	[tilespmem:s23], [sflag:$0x2] =	stream.indirect.gather [hbm4b:s4+s21], $0x80, s26, s21, $0xb8;
	[tilespmem:$0x1E800] =	vst v63  }
0x97: {  	_ = 	snop  }
0x98: {  	[spmem:s1] =	stream.indirect.scatter.add.f32 [tilespmem:s19], [sflag:$0x3], $0x80, s28, s21, $0xb8;
	[tilespmem:$0x1E800] =	vst v63  }
0x99: {  	_ =	swait.ge [sflag:s18], $0x4000  }
0x9a: {  	[sflag:s18] =	ssyncset.done $0x0  }
0x9b: {  	[sflag:s18] =	ssyncadd.s32 $0xFFFFC000  }
0x9c: {  	_ =	swait.ge [sflag:s25], $0x4000  }
0x9d: {  	[sflag:s25] =	ssyncset.done $0x0  }
0x9e: {  	s0 =	simm.s32 $0x0;
	[sflag:s25] =	ssyncadd.s32 $0xFFFFC000  }
0x9f: {  	[tilespmem:s19], [sflag:$0x1] =	stream.indirect.gather [hbm4b:s4+s21], $0x80, s0, s21, $0xb8;
	[tilespmem:$0x1E800] =	vst v63  }
0xa0: {  	_ = 	snop  }
0xa1: {  	[spmem:s1] =	stream.indirect.scatter.add.f32 [tilespmem:s23], [sflag:$0x3], $0x80, s29, s21, $0xb8;
	[tilespmem:$0x1E800] =	vst v63  }
0xa2: {  	_ =	swait.ge [sflag:s18], $0x4000  }
0xa3: {  	[sflag:s18] =	ssyncset.done $0x0  }
0xa4: {  	[sflag:s18] =	ssyncadd.s32 $0xFFFFC000  }
0xa5: {  	_ =	swait.ge [sflag:s22], $0x4000  }
0xa6: {  	[sflag:s22] =	ssyncset.done $0x0  }
0xa7: {  	[sflag:s22] =	ssyncadd.s32 $0xFFFFC000  }
0xa8: {  	[tilespmem:s0], [sflag:$0x3] =	stream.linear.gather [hbm4b:s13+s0], $0x1400, $0x38;
	[tilespmem:$0x1E800] =	vst v63  }
0xa9: {  	_ =	swait.ge [sflag:s18], $0x1400  }
0xaa: {  	[sflag:s18] =	ssyncset.done $0x0  }
0xab: {  	[sflag:s18] =	ssyncadd.s32 $0xFFFFEC00  }
0xac: {  	[tilespmem:s20], [sflag:$0x3] =	stream.linear.gather [hbm4b:s14+s0], $0x1400, $0x38;
	[tilespmem:$0x1E800] =	vst v63  }
0xad: {  	_ =	swait.ge [sflag:s18], $0x1400  }
0xae: {  	[sflag:s18] =	ssyncset.done $0x0  }
0xaf: {  	[sflag:s18] =	ssyncadd.s32 $0xFFFFEC00  }
0xb0: {  	[tilespmem:s19], [sflag:$0x1] =	stream.indirect.gather [hbm4b:s4+s21], $0x80, s0, s21, $0xb8;
	[tilespmem:$0x1E800] =	vst v63  }
0xb1: {  	_ =	swait.ge [sflag:s22], $0x4000  }
0xb2: {  	[sflag:s22] =	ssyncset.done $0x0  }
0xb3: {  	s3 =	simm.s32 $0x80;
	[sflag:s22] =	ssyncadd.s32 $0xFFFFC000  }
0xb4: {  	[tilespmem:s23], [sflag:$0x2] =	stream.indirect.gather [hbm4b:s4+s21], $0x80, s3, s21, $0xb8;
	[tilespmem:$0x1E800] =	vst v63  }
0xb5: {  	s6 =	simm.s32 $0x1400  }
0xb6: {  	[spmem:s1] =	stream.indirect.scatter.add.f32 [tilespmem:s19], [sflag:$0x3], $0x80, s6, s21, $0xb8;
	[tilespmem:$0x1E800] =	vst v63  }
0xb7: {  	_ =	swait.ge [sflag:s18], $0x4000  }
0xb8: {  	[sflag:s18] =	ssyncset.done $0x0  }
0xb9: {  	[sflag:s18] =	ssyncadd.s32 $0xFFFFC000  }
0xba: {  	_ =	swait.ge [sflag:s25], $0x4000  }
0xbb: {  	[sflag:s25] =	ssyncset.done $0x0  }
0xbc: {  	s3 =	simm.s32 $0x100;
	[sflag:s25] =	ssyncadd.s32 $0xFFFFC000  }
0xbd: {  	[tilespmem:s19], [sflag:$0x1] =	stream.indirect.gather [hbm4b:s4+s21], $0x80, s3, s21, $0xb8;
	[tilespmem:$0x1E800] =	vst v63  }
0xbe: {  	s6 =	simm.s32 $0x1480  }
0xbf: {  	[spmem:s1] =	stream.indirect.scatter.add.f32 [tilespmem:s23], [sflag:$0x3], $0x80, s6, s21, $0xb8;
	[tilespmem:$0x1E800] =	vst v63  }
0xc0: {  	_ =	swait.ge [sflag:s18], $0x4000  }
0xc1: {  	s0 =	simm.s32 $0x400;
	[sflag:s18] =	ssyncset.done $0x0  }
.LBB2_6:
0xc2: {  	p0 =	sne.s32 s0, $0x4800  }
0xc3: {  	[sflag:s18] =	ssyncadd.s32 $0xFFFFC000;
	s3 =	smov.u32 s0;
	s0 =	sadd.s32 $0x400, s0  }
0xc4: {  	_ = 	snop  }
0xc5: {  	_ =	swait.ge [sflag:s22], $0x4000  }
0xc6: {  	s3 =	sshra.s32 s3, $0x2;
	[sflag:s22] =	ssyncset.done $0x0  }
0xc7: {  	s6 =	sadd.s32 $0x80, s3;
	[sflag:s22] =	ssyncadd.s32 $0xFFFFC000  }
0xc8: {  	[tilespmem:s23], [sflag:$0x2] =	stream.indirect.gather [hbm4b:s4+s21], $0x80, s6, s21, $0xb8;
	[tilespmem:$0x1E800] =	vst v63  }
0xc9: {  	s6 =	sadd.s32 $0x1400, s3  }
0xca: {  	[spmem:s1] =	stream.indirect.scatter.add.f32 [tilespmem:s19], [sflag:$0x3], $0x80, s6, s21, $0xb8;
	[tilespmem:$0x1E800] =	vst v63  }
0xcb: {  	_ =	swait.ge [sflag:s18], $0x4000  }
0xcc: {  	[sflag:s18] =	ssyncset.done $0x0  }
0xcd: {  	[sflag:s18] =	ssyncadd.s32 $0xFFFFC000  }
0xce: {  	_ =	swait.ge [sflag:s25], $0x4000  }
0xcf: {  	[sflag:s25] =	ssyncset.done $0x0  }
0xd0: {  	s6 =	sadd.s32 $0x100, s3;
	[sflag:s25] =	ssyncadd.s32 $0xFFFFC000  }
0xd1: {  	[tilespmem:s19], [sflag:$0x1] =	stream.indirect.gather [hbm4b:s4+s21], $0x80, s6, s21, $0xb8;
	[tilespmem:$0x1E800] =	vst v63  }
.Ltmp2:
0xd2: {  	_ = 	snop;
	(pc) =	sbr.rel @p0 .LBB2_6-.Ltmp2, $4  }
0xd3: {  	s3 =	sadd.s32 $0x1480, s3  }
0xd4: {  	[spmem:s1] =	stream.indirect.scatter.add.f32 [tilespmem:s23], [sflag:$0x3], $0x80, s3, s21, $0xb8;
	[tilespmem:$0x1E800] =	vst v63  }
0xd5: {  	_ =	swait.ge [sflag:s18], $0x4000  }
0xd6: {  	[sflag:s18] =	ssyncset.done $0x0  }
0xd7: {  	[sflag:s18] =	ssyncadd.s32 $0xFFFFC000  }
0xd8: {  	_ =	swait.ge [sflag:s22], $0x4000  }
0xd9: {  	[sflag:s22] =	ssyncset.done $0x0  }
0xda: {  	[sflag:s22] =	ssyncadd.s32 $0xFFFFC000  }
0xdb: {  	[tilespmem:s23], [sflag:$0x2] =	stream.indirect.gather [hbm4b:s4+s21], $0x80, s26, s21, $0xb8;
	[tilespmem:$0x1E800] =	vst v63  }
0xdc: {  	_ = 	snop  }
0xdd: {  	[spmem:s1] =	stream.indirect.scatter.add.f32 [tilespmem:s19], [sflag:$0x3], $0x80, s28, s21, $0xb8;
	[tilespmem:$0x1E800] =	vst v63  }
0xde: {  	_ =	swait.ge [sflag:s18], $0x4000  }
0xdf: {  	[sflag:s18] =	ssyncset.done $0x0  }
0xe0: {  	[sflag:s18] =	ssyncadd.s32 $0xFFFFC000  }
0xe1: {  	_ =	swait.ge [sflag:s25], $0x4000  }
0xe2: {  	[sflag:s25] =	ssyncset.done $0x0  }
0xe3: {  	s0 =	simm.s32 $0x0;
	[sflag:s25] =	ssyncadd.s32 $0xFFFFC000  }
0xe4: {  	[tilespmem:s19], [sflag:$0x1] =	stream.indirect.gather [hbm4b:s4+s21], $0x80, s0, s21, $0xb8;
	[tilespmem:$0x1E800] =	vst v63  }
0xe5: {  	_ = 	snop  }
0xe6: {  	[spmem:s1] =	stream.indirect.scatter.add.f32 [tilespmem:s23], [sflag:$0x3], $0x80, s29, s21, $0xb8;
	[tilespmem:$0x1E800] =	vst v63  }
0xe7: {  	_ =	swait.ge [sflag:s18], $0x4000  }
0xe8: {  	[sflag:s18] =	ssyncset.done $0x0  }
0xe9: {  	[sflag:s18] =	ssyncadd.s32 $0xFFFFC000  }
0xea: {  	_ =	swait.ge [sflag:s22], $0x4000  }
0xeb: {  	[sflag:s22] =	ssyncset.done $0x0  }
0xec: {  	[sflag:s22] =	ssyncadd.s32 $0xFFFFC000  }
0xed: {  	[tilespmem:s0], [sflag:$0x3] =	stream.linear.gather [hbm4b:s15+s0], $0x1400, $0x38;
	[tilespmem:$0x1E800] =	vst v63  }
0xee: {  	_ =	swait.ge [sflag:s18], $0x1400  }
0xef: {  	[sflag:s18] =	ssyncset.done $0x0  }
0xf0: {  	[sflag:s18] =	ssyncadd.s32 $0xFFFFEC00  }
0xf1: {  	[tilespmem:s20], [sflag:$0x3] =	stream.linear.gather [hbm4b:s16+s0], $0x1400, $0x38;
	[tilespmem:$0x1E800] =	vst v63  }
0xf2: {  	_ =	swait.ge [sflag:s18], $0x1400  }
0xf3: {  	[sflag:s18] =	ssyncset.done $0x0  }
0xf4: {  	[sflag:s18] =	ssyncadd.s32 $0xFFFFEC00  }
0xf5: {  	[tilespmem:s19], [sflag:$0x1] =	stream.indirect.gather [hbm4b:s4+s21], $0x80, s0, s21, $0xb8;
	[tilespmem:$0x1E800] =	vst v63  }
0xf6: {  	_ =	swait.ge [sflag:s22], $0x4000  }
0xf7: {  	[sflag:s22] =	ssyncset.done $0x0  }
0xf8: {  	s3 =	simm.s32 $0x80;
	[sflag:s22] =	ssyncadd.s32 $0xFFFFC000  }
0xf9: {  	[tilespmem:s23], [sflag:$0x2] =	stream.indirect.gather [hbm4b:s4+s21], $0x80, s3, s21, $0xb8;
	[tilespmem:$0x1E800] =	vst v63  }
0xfa: {  	s6 =	simm.s32 $0x1400  }
0xfb: {  	[spmem:s1] =	stream.indirect.scatter.add.f32 [tilespmem:s19], [sflag:$0x3], $0x80, s6, s21, $0xb8;
	[tilespmem:$0x1E800] =	vst v63  }
0xfc: {  	_ =	swait.ge [sflag:s18], $0x4000  }
0xfd: {  	[sflag:s18] =	ssyncset.done $0x0  }
0xfe: {  	[sflag:s18] =	ssyncadd.s32 $0xFFFFC000  }
0xff: {  	_ =	swait.ge [sflag:s25], $0x4000  }
0x100: {  	[sflag:s25] =	ssyncset.done $0x0  }
0x101: {  	s3 =	simm.s32 $0x100;
	[sflag:s25] =	ssyncadd.s32 $0xFFFFC000  }
0x102: {  	[tilespmem:s19], [sflag:$0x1] =	stream.indirect.gather [hbm4b:s4+s21], $0x80, s3, s21, $0xb8;
	[tilespmem:$0x1E800] =	vst v63  }
0x103: {  	s6 =	simm.s32 $0x1480  }
0x104: {  	[spmem:s1] =	stream.indirect.scatter.add.f32 [tilespmem:s23], [sflag:$0x3], $0x80, s6, s21, $0xb8;
	[tilespmem:$0x1E800] =	vst v63  }
0x105: {  	_ =	swait.ge [sflag:s18], $0x4000  }
0x106: {  	s0 =	simm.s32 $0x400;
	[sflag:s18] =	ssyncset.done $0x0  }
.LBB2_8:
0x107: {  	p0 =	sne.s32 s0, $0x4800  }
0x108: {  	[sflag:s18] =	ssyncadd.s32 $0xFFFFC000;
	s3 =	smov.u32 s0;
	s0 =	sadd.s32 $0x400, s0  }
0x109: {  	_ = 	snop  }
0x10a: {  	_ =	swait.ge [sflag:s22], $0x4000  }
0x10b: {  	s3 =	sshra.s32 s3, $0x2;
	[sflag:s22] =	ssyncset.done $0x0  }
0x10c: {  	s6 =	sadd.s32 $0x80, s3;
	[sflag:s22] =	ssyncadd.s32 $0xFFFFC000  }
0x10d: {  	[tilespmem:s23], [sflag:$0x2] =	stream.indirect.gather [hbm4b:s4+s21], $0x80, s6, s21, $0xb8;
	[tilespmem:$0x1E800] =	vst v63  }
0x10e: {  	s6 =	sadd.s32 $0x1400, s3  }
0x10f: {  	[spmem:s1] =	stream.indirect.scatter.add.f32 [tilespmem:s19], [sflag:$0x3], $0x80, s6, s21, $0xb8;
	[tilespmem:$0x1E800] =	vst v63  }
0x110: {  	_ =	swait.ge [sflag:s18], $0x4000  }
0x111: {  	[sflag:s18] =	ssyncset.done $0x0  }
0x112: {  	[sflag:s18] =	ssyncadd.s32 $0xFFFFC000  }
0x113: {  	_ =	swait.ge [sflag:s25], $0x4000  }
0x114: {  	[sflag:s25] =	ssyncset.done $0x0  }
0x115: {  	s6 =	sadd.s32 $0x100, s3;
	[sflag:s25] =	ssyncadd.s32 $0xFFFFC000  }
0x116: {  	[tilespmem:s19], [sflag:$0x1] =	stream.indirect.gather [hbm4b:s4+s21], $0x80, s6, s21, $0xb8;
	[tilespmem:$0x1E800] =	vst v63  }
.Ltmp3:
0x117: {  	_ = 	snop;
	(pc) =	sbr.rel @p0 .LBB2_8-.Ltmp3, $4  }
0x118: {  	s3 =	sadd.s32 $0x1480, s3  }
0x119: {  	[spmem:s1] =	stream.indirect.scatter.add.f32 [tilespmem:s23], [sflag:$0x3], $0x80, s3, s21, $0xb8;
	[tilespmem:$0x1E800] =	vst v63  }
0x11a: {  	_ =	swait.ge [sflag:s18], $0x4000  }
0x11b: {  	[sflag:s18] =	ssyncset.done $0x0  }
0x11c: {  	[sflag:s18] =	ssyncadd.s32 $0xFFFFC000  }
0x11d: {  	_ =	swait.ge [sflag:s22], $0x4000  }
0x11e: {  	[sflag:s22] =	ssyncset.done $0x0  }
0x11f: {  	[sflag:s22] =	ssyncadd.s32 $0xFFFFC000  }
0x120: {  	[tilespmem:s23], [sflag:$0x2] =	stream.indirect.gather [hbm4b:s4+s21], $0x80, s26, s21, $0xb8;
	[tilespmem:$0x1E800] =	vst v63  }
0x121: {  	_ = 	snop  }
0x122: {  	[spmem:s1] =	stream.indirect.scatter.add.f32 [tilespmem:s19], [sflag:$0x3], $0x80, s28, s21, $0xb8;
	[tilespmem:$0x1E800] =	vst v63  }
0x123: {  	_ =	swait.ge [sflag:s18], $0x4000  }
0x124: {  	[sflag:s18] =	ssyncset.done $0x0  }
0x125: {  	[sflag:s18] =	ssyncadd.s32 $0xFFFFC000  }
0x126: {  	_ =	swait.ge [sflag:s25], $0x4000  }
0x127: {  	[sflag:s25] =	ssyncset.done $0x0  }
0x128: {  	[sflag:s25] =	ssyncadd.s32 $0xFFFFC000  }
0x129: {  	[tilespmem:s19], [sflag:$0x1] =	stream.indirect.gather [hbm4b:s4+s21], $0x80, s2, s21, $0xb8;
	[tilespmem:$0x1E800] =	vst v63  }
0x12a: {  	_ = 	snop  }
0x12b: {  	[spmem:s1] =	stream.indirect.scatter.add.f32 [tilespmem:s23], [sflag:$0x3], $0x80, s29, s21, $0xb8;
	[tilespmem:$0x1E800] =	vst v63  }
0x12c: {  	_ =	swait.ge [sflag:s18], $0x4000  }
0x12d: {  	[sflag:s18] =	ssyncset.done $0x0  }
0x12e: {  	[sflag:s18] =	ssyncadd.s32 $0xFFFFC000  }
0x12f: {  	_ =	swait.ge [sflag:s22], $0x4000  }
0x130: {  	[sflag:s22] =	ssyncset.done $0x0  }
0x131: {  	[sflag:s22] =	ssyncadd.s32 $0xFFFFC000  }
0x132: {  	[bflag:$0x0] =	sbarrier.arrive $0xFFFF  }
0x133: {  	[tilespmem:s19], [sflag:$0x3] =	stream.linear.gather [hbm4b:s4+s2], $0x4000, $0x38;
	[tilespmem:$0x1E800] =	vst v63  }
0x134: {  	_ =	swait.ge [sflag:s18], $0x4000  }
0x135: {  	s30 =	sadd.s32 $0x1, s30;
	[sflag:s18] =	ssyncset.done $0x0  }
0x136: {  	p0 =	sne.s32 s30, s17;
	[sflag:s18] =	ssyncadd.s32 $0xFFFFC000  }
.Ltmp4:
0x137: {  	[bflag:$0x0] =	sbarrier.arrive $0xFFFF;
	(pc) =	sbr.rel @p0 .LBB2_1-.Ltmp4, $4  }
0x138: {  	[hbm:s24], [sflag:s7] =	dma.local [spmem:s31], $0x2800  }
0x139: {  	_ =	swait.ge [sflag:s18], $0x2800  }
0x13a: {  	[sflag:s18] =	ssyncset.done $0x0  }
0x13b: {  	[sflag:s18] =	ssyncadd.s32 $0xFFFFD800  }
0x13c: {  	_ =	sfence.sel $0x180000  }
0x13d: {  	[bflag:$0x0] =	sbarrier.arrive $0xFFFF  }
0x13e: {  	_ =	strace $0x9000004A  }
0x13f: {  	s0 =	stileid.u32;
	[bflag:$0x2] =	sbarrier.arrive $0xFFFF  }
0x140: {  	p0 =	sne.s32 s0, $0x0;
	s0 =	rddreg [dreg:$0x3]  }
0x141: {  	s0 =	sadd.s32 @!p0 $0x100000, s0  }
0x142: {  	[sflag:s0] =	ssyncadd.tile.s32 @!p0 $0x1;
	_ =	shalt  }
.Lfunc_end2:
_tile_overlayer_lowered:
.L_overlay_start_2:
0x143: {  	(tag) =	ssettag $0x2  }
0x144: {  	s0 =	rddreg [dreg:$0x0];
	s2 =	stileid.u32  }
0x145: {  	s1 =	rddreg [dreg:$0x1];
	p0 =	sne.s32 s2, $0x0  }
0x146: {  	s3 =	rddreg [dreg:$0x2];
	[bflag:$0x3] =	sbarrier.arrive $0xFFFF;
	s2 =	simm.s32 @!p0 $0x1C03  }
0x147: {  	[timem:s3], [sflag:s2] =	dma.local @!p0 [hbm:s0], s1  }
0x148: {  	s0 =	simm.s32 @!p0 $0x3  }
0x149: {  	_ =	swait.ge @!p0 [sflag:s0], s1  }
0x14a: {  	s1 =	ssub.s32 @!p0 $0x0, s1;
	[sflag:s0] =	ssyncset.done @!p0 $0x0  }
0x14b: {  	[sflag:s0] =	ssyncadd.s32 @!p0 s1  }
0x14c: {  	[bflag:$0x3] =	sbarrier.arrive $0xFFFF  }
0x14d: {  	_ =	shalt  }

// kernel: kernel.14.cloned.1.call-start
scs
__scs_entry_jumppad:
0x0: {  	(pc) =	sbr.rel $0x88, $3  }
0x1: {  	(tag) =	ssettag $0x0;
	lr =	simm.s32 $0x1  }
0x2: {  	[smem:$0x3F9B] =	sst lr;
	_ =	strace $0xD0000000  }
0x3: {  	_ = 	snop  }
0x4: {  	_ = 	snop  }
0x5: {  	_ = 	snop  }
0x6: {  	_ = 	snop  }
0x7: {  	_ = 	snop  }
__scs_overlays_trampoline_lowered:
0x8: {  	[smem:$0x3FAA] =	sst s0  }
0x9: {  	[smem:$0x3FAB] =	sst s1  }
0xa: {  	[smem:$0x3FAC] =	sst s2  }
0xb: {  	[smem:$0x3FAD] =	sst s3  }
0xc: {  	[smem:$0x3FAE] =	sst s4  }
0xd: {  	[smem:$0x3FAF] =	sst s5  }
0xe: {  	[smem:$0x3FB0] =	sst s6  }
0xf: {  	[smem:$0x3FB1] =	sst s7  }
0x10: {  	[smem:$0x3FB2] =	sst s8  }
0x11: {  	[smem:$0x3FB3] =	sst s9;
	s0 =	simm.s32 @!p0 $0x0  }
0x12: {  	s1 =	sld [smem:$0x3F99];
	s0 =	simm.s32 @p0 $0x1  }
0x13: {  	[smem:$0x3FB4] =	sst s0;
	s0 =	simm.s32 @!p1 $0x0  }
0x14: {  	s2 =	sld [smem:$0x3F98];
	s0 =	simm.s32 @p1 $0x1  }
0x15: {  	[smem:$0x3FB5] =	sst s0;
	s0 =	simm.s32 @!p2 $0x0  }
0x16: {  	s3 =	sld [smem:$0x3FDB];
	s0 =	simm.s32 @p2 $0x1  }
0x17: {  	s4 =	simm.s32 $0x1BF5;
	[smem:$0x3FB7] =	sst s0  }
0x18: {  	s0 =	sld [smem:$0x3F9A];
	_ =	swait.ge [sflag:s4], $0x0  }
0x19: {  	s7 =	sld [smem:$0x3F9B]  }
0x1a: {  	s8 =	sadd.s32 $0xFFFFE003, lr  }
0x1b: {  	s9 =	sadd.s32 $0xFFFFFEF7, lr;
	s5 =	simm.s32 $0xFFFFFFFF;
	p2 =	slt.u32 s8, $0xFFFFF086  }
0x1c: {  	p1 =	slt.u32 s9, $0xF7A;
	s5 =	simm.s32 @!p2 $0x0  }
0x1d: {  	s5 =	simm.s32 @p1 $0x1;
	p0 =	seq.s32 s7, s2  }
0x1e: {  	s7 =	smul.u32 @!p0 $0xF7A, s2;
	p2 =	seq.s32 @!p0 s5, $0x0  }
0x1f: {  	s9 =	smul.u32 $0xF7A, s1;
	s8 =	simm.s32 @!p0 $0x1BF5;
	p2 =	por !p2, p0  }
0x20: {  	[sflag:s8] =	ssyncset.s32 @!p0 $0xFFFFF086;
	s6 =	sadd.s32 @!p0 s3, s7;
	s7 =	simm.s32 @!p0 $0x108  }
0x21: {  	s3 =	sadd.s32 s3, s9;
	s6 =	sadd.s32 @!p0 $0x88, s6;
	s7 =	simm.s32 @p2 $0x1082  }
0x22: {  	[simem:s7], [sflag:s8] =	dma.local @!p0 [hbm:s6], $0xF7A  }
0x23: {  	s9 =	sor.u32 $0xD0000000, s2;
	s6 =	simm.s32 $0x108;
	_ =	swait.ge @!p0 [sflag:s8], $0x0  }
0x24: {  	s3 =	sadd.s32 $0x88, s3;
	s6 =	simm.s32 @!p1 $0x1082;
	[sflag:s4] =	ssyncset.s32 $0xFFFFF086  }
0x25: {  	[simem:s6], [sflag:s4] =	dma.local [hbm:s3], $0xF7A  }
0x26: {  	[smem:$0x3F9B] =	sst s1;
	(tag) =	ssettag s2;
	_ =	strace s9  }
0x27: {  	s1 =	sld [smem:$0x3FAB]  }
0x28: {  	s2 =	sld [smem:$0x3FAC]  }
0x29: {  	s4 =	sld [smem:$0x3FAE]  }
0x2a: {  	p0 =	seq.s32 s5, $0x0;
	s5 =	sld [smem:$0x3FAF]  }
0x2b: {  	s6 =	sld [smem:$0x3FB0]  }
0x2c: {  	s7 =	sld [smem:$0x3FB1]  }
0x2d: {  	s3 =	simm.s32 $0x108;
	s8 =	sld [smem:$0x3FB2]  }
0x2e: {  	s3 =	simm.s32 @!p0 $0x1082;
	s9 =	sld [smem:$0x3FB3]  }
0x2f: {  	lr =	sadd.s32 s0, s3;
	s0 =	sld [smem:$0x3FAA]  }
0x30: {  	s3 =	sld [smem:$0x3FAD]  }
0x31: {  	[smem:$0x3FB6] =	sst s10  }
0x32: {  	s10 =	sld [smem:$0x3FB4];
	_ =	sdelay $0x3  }
0x33: {  	p0 =	seq.s32 s10, $0x1;
	s10 =	sld [smem:$0x3FB6];
	_ =	sdelay $0x3  }
0x34: {  	[smem:$0x3FB6] =	sst s10  }
0x35: {  	s10 =	sld [smem:$0x3FB5];
	_ =	sdelay $0x3  }
0x36: {  	p1 =	seq.s32 s10, $0x1;
	s10 =	sld [smem:$0x3FB6];
	_ =	sdelay $0x3  }
0x37: {  	[smem:$0x3FB6] =	sst s10  }
0x38: {  	s10 =	sld [smem:$0x3FB7]  }
0x39: {  	_ = 	snop;
	(pc) =	sbr.ind lr, $3  }
0x3a: {  	_ = 	snop  }
0x3b: {  	_ = 	snop  }
0x3c: {  	p2 =	seq.s32 s10, $0x1;
	s10 =	sld [smem:$0x3FB6]  }
0x3d: {  	_ =	shalt  }
0x3e: {  	_ =	shalt  }
0x3f: {  	_ =	shalt  }
0x40: {  	_ =	shalt  }
0x41: {  	_ =	shalt  }
0x42: {  	_ =	shalt  }
0x43: {  	_ =	shalt  }
0x44: {  	_ =	shalt  }
0x45: {  	_ =	shalt  }
0x46: {  	_ =	shalt  }
0x47: {  	_ =	shalt  }
0x48: {  	_ =	shalt  }
0x49: {  	_ =	shalt  }
0x4a: {  	_ =	shalt  }
0x4b: {  	_ =	shalt  }
0x4c: {  	_ =	shalt  }
0x4d: {  	_ =	shalt  }
0x4e: {  	_ =	shalt  }
0x4f: {  	_ =	shalt  }
0x50: {  	_ =	shalt  }
0x51: {  	_ =	shalt  }
0x52: {  	_ =	shalt  }
0x53: {  	_ =	shalt  }
0x54: {  	_ =	shalt  }
0x55: {  	_ =	shalt  }
0x56: {  	_ =	shalt  }
0x57: {  	_ =	shalt  }
0x58: {  	_ =	shalt  }
0x59: {  	_ =	shalt  }
0x5a: {  	_ =	shalt  }
0x5b: {  	_ =	shalt  }
0x5c: {  	_ =	shalt  }
0x5d: {  	_ =	shalt  }
0x5e: {  	_ =	shalt  }
0x5f: {  	_ =	shalt  }
0x60: {  	_ =	shalt  }
0x61: {  	_ =	shalt  }
0x62: {  	_ =	shalt  }
0x63: {  	_ =	shalt  }
0x64: {  	_ =	shalt  }
0x65: {  	_ =	shalt  }
0x66: {  	_ =	shalt  }
0x67: {  	_ =	shalt  }
0x68: {  	_ =	shalt  }
0x69: {  	_ =	shalt  }
0x6a: {  	_ =	shalt  }
0x6b: {  	_ =	shalt  }
0x6c: {  	_ =	shalt  }
0x6d: {  	_ =	shalt  }
0x6e: {  	_ =	shalt  }
0x6f: {  	_ =	shalt  }
0x70: {  	_ =	shalt  }
0x71: {  	_ =	shalt  }
0x72: {  	_ =	shalt  }
0x73: {  	_ =	shalt  }
0x74: {  	_ =	shalt  }
0x75: {  	_ =	shalt  }
0x76: {  	_ =	shalt  }
0x77: {  	_ =	shalt  }
0x78: {  	_ =	shalt  }
0x79: {  	_ =	shalt  }
0x7a: {  	_ =	shalt  }
0x7b: {  	_ =	shalt  }
0x7c: {  	_ =	shalt  }
0x7d: {  	_ =	shalt  }
0x7e: {  	_ =	shalt  }
0x7f: {  	_ =	shalt  }
0x80: {  	_ =	shalt  }
0x81: {  	_ =	shalt  }
0x82: {  	_ =	shalt  }
0x83: {  	_ =	shalt  }
0x84: {  	_ =	shalt  }
0x85: {  	_ =	shalt  }
0x86: {  	_ =	shalt  }
0x87: {  	_ =	shalt  }
.Lfunc_end0:
.L_simem_size_0:
called_computation.2_lowered:
.L_overlay_start_0:
0x88: {  	s2 =	sld [smem:$0x3FD9]  }
0x89: {  	s3 =	sld [smem:$0x3FFE];
	_ =	sdelay $0x1  }
0x8a: {  	s1 =	srdreg.scid  }
0x8b: {  	s0 =	sand.u32 $0x1, s1  }
0x8c: {  	s17 =	sshll.u32 s0, $0xA;
	s2 =	sadd.s32 s3, s2  }
0x8d: {  	s2 =	sadd.s32 s2, s17  }
0x8e: {  	[smem:$0x3FC2] =	sst s2  }
0x8f: {  	_ = 	snop  }
0x90: {  	s2 =	sld [smem:$0x3FD0];
	(tm) =	ssettm $0x1  }
0x91: {  	s18 =	sld [smem:$0x3FFB];
	_ =	sdelay $0x3  }
0x92: {  	_ =	strace s18  }
0x93: {  	s3 =	sld [smem:$0x3FFC];
	_ =	sdelay $0x3  }
0x94: {  	_ =	strace s3  }
0x95: {  	s3 =	sld [smem:$0x3FFD];
	_ =	sdelay $0x3  }
0x96: {  	_ =	strace s3  }
0x97: {  	_ =	strace $0x8FFFFFFF  }
0x98: {  	s19 =	sld [smem:$0x3FDB];
	_ =	sdelay $0x1  }
0x99: {  	s4 =	simm.s32 $_scs_section_size  }
0x9a: {  	s5 =	simm.s32 $_size__tile_overlayer_lowered;
	s6 =	simm.s32 $_tile_overlayer_lowered  }
0x9b: {  	s22 =	simm.s32 $0x1BFF;
	s21 =	sshll.u32 s6, $0x1;
	s3 =	sadd.s32 s4, s19  }
0x9c: {  	s7 =	simm.s32 $0x0;
	s20 =	sshll.u32 s5, $0x1;
	s5 =	sadd.s32 s21, s3  }
0x9d: {  	[timem:s7], [sflag:s22] =	dma.local [hbm:s5], s20  }
0x9e: {  	_ =	swait.ge [sflag:s22], s20  }
0x9f: {  	s4 =	ssub.s32 $0x0, s20;
	[sflag:s22] =	ssyncset.done $0x0  }
0xa0: {  	[sflag:s22] =	ssyncadd.s32 s4;
	_ =	sdelay $0x1  }
0xa1: {  	s23 =	simm.s32 $0x1B8B  }
0xa2: {  	_ =	swait.ge [sflag:s23], $0x1  }
0xa3: {  	[sflag:s23] =	ssyncset.done $0x0  }
0xa4: {  	s25 =	simm.s32 $0x1B8E;
	s24 =	sld [smem:$0x3FFE];
	[sflag:s23] =	ssyncadd.s32 $0xFFFFFFFF  }
0xa5: {  	s26 =	simm.s32 $execute0_lowered;
	[smem:$0x3FD2] =	sst s25  }
0xa6: {  	s5 =	sshll.u32 s26, $0x1;
	_ =	strace $0x8000004C;
	[dreg:$0x1] =	wrdreg $0xFFFFFFFF  }
0xa7: {  	s28 =	simm.s32 $_size_execute0_lowered;
	s3 =	sadd.s32 s3, s5;
	[dreg:$0x0] =	wrdreg $0x0  }
0xa8: {  	s5 =	sshll.u32 s28, $0x1;
	[dreg:$0x2] =	wrdreg s3  }
0xa9: {  	[dreg:$0x3] =	wrdreg s5  }
0xaa: {  	[dreg:$0x4] =	wrdreg $0xC0  }
0xab: {  	_ =	task [dreg:s7], $0x5FFFF  }
0xac: {  	[dreg:$0x1] =	wrdreg $0xFFFFFFFF  }
0xad: {  	[dreg:$0x0] =	wrdreg $0x60  }
0xae: {  	[dreg:$0x2] =	wrdreg s24  }
0xaf: {  	[dreg:$0x3] =	wrdreg s2  }
0xb0: {  	[dreg:$0x4] =	wrdreg $0xA8000  }
0xb1: {  	[dreg:$0x5] =	wrdreg $0x9  }
0xb2: {  	_ =	task.clear_ibuf [dreg:s7], $0x6FFFF;
	_ =	strace $0x9000004C  }
0xb3: {  	s29 =	simm.s32 $0x9;
	_ =	strace $0x8000004E  }
0xb4: {  	_ =	swait.ge [sflag:s29], $0x1  }
0xb5: {  	[sflag:s29] =	ssyncadd.s32 $0xFFFFFFFF  }
0xb6: {  	_ =	strace $0x9000004E  }
0xb7: {  	_ =	sfence  }
0xb8: {  	s30 =	sld [smem:$0x0];
	_ =	sdelay $0x2  }
0xb9: {  	s31 =	sshll.u32 s1, $0xD;
	s1 =	sshrl.u32 s1, $0x2  }
0xba: {  	s3 =	sand.u32 $0x4000, s31;
	s1 =	sadd.s32 s1, s30  }
0xbb: {  	s0 =	sor.u32 s3, s0;
	s1 =	sshll.u32 s1, $0x11  }
0xbc: {  	s0 =	sor.u32 s1, s0  }
0xbd: {  	s0 =	sadd.s32 $0x8F2B, s0  }
0xbe: {  	[sflag:s0] =	ssyncadd.remote.s32 $0x1  }
0xbf: {  	_ =	sfence.sel $0xFFFF  }
0xc0: {  	[dreg:$0x0] =	wrdreg $0xFFFFFFFF;
	(pc) =	sbr.abs _section_cstart, $3  }
0xc1: {  	[dreg:$0x1] =	wrdreg $0xFFFFFFFF  }
0xc2: {  	_ =	task.clear_ibuf [dreg:s7], $0x2FFFF;
	_ =	strace $0x9FFFFFFF  }
0xc3: {  	(tm) =	ssettm $0x7FFFFFFF  }
tec
execute0_lowered:
.L_overlay_start_1:
0x0: {  	(tag) =	ssettag $0x1  }
0x1: {  	s3 =	rddreg [dreg:$0x0]  }
0x2: {  	s11 =	rddreg [dreg:$0x1]  }
0x3: {  	s1 =	rddreg [dreg:$0x2]  }
0x4: {  	s4 =	srdreg.scid;
	s0 =	rddreg [dreg:$0x3]  }
0x5: {  	s2 =	simm.s32 $0x0;
	s16 =	simm.s32 $0x1400;
	s17 =	simm.s32 $0x80  }
0x6: {  	s18 =	simm.s32 $0x1;
	s19 =	simm.s32 $0x6800;
	s20 =	simm.s32 $0x2  }
0x7: {  	s21 =	simm.s32 $0x1380;
	s22 =	simm.s32 $0x2700;
	s5 =	sand.u32 $0x1, s4  }
0x8: {  	s23 =	simm.s32 $0x2780;
	[smem:$0x7FF] =	sst s2;
	s6 =	smul.u32 $0x28000, s5  }
0x9: {  	s10 =	sadd.s32 $0x2C00, s3;
	s4 =	sadd.s32 $0xCC00, s3;
	_ =	strace $0x8000004D  }
0xa: {  	s28 =	ssub.s32 $0x2, s5;
	s12 =	sadd.s32 s6, s3;
	s3 =	stileid.u32  }
0xb: {  	s5 =	sshll.u32 s5, $0x4;
	s8 =	sshrl.u32 s28, $0x1;
	s7 =	smul.u32 $0x50000, s3  }
0xc: {  	s13 =	ssub.s32 s28, s8;
	s5 =	sor.u32 s3, s5;
	s24 =	smul.u32 $0x2800, s3  }
0xd: {  	s31 =	sshll.u32 s3, $0x6;
	s25 =	sadd.s32 $0x34C00, s12;
	s30 =	smul.u32 $0x2800, s5  }
0xe: {  	s12 =	smax.u32 s13, $0x1;
	s9 =	smul.u32 $0x500, s5;
	s6 =	sor.u32 $0x1C03, s31  }
0xf: {  	s29 =	sshrl.u32 s7, $0x2;
	s5 =	sadd.s32 s4, s24;
	s24 =	sadd.s32 s24, s25  }
0x10: {  	s25 =	simm.s32 $0x0;
	s14 =	sadd.s32 s29, s1;
	s15 =	sshrl.u32 s30, $0x3  }
0x11: {  	s8 =	sadd.s32 s10, s9;
	s9 =	sadd.s32 s11, s9;
	s7 =	sadd.s32 $0x10000, s14  }
0x12: {  	s15 =	sadd.s32 $0x280, s15;
	s13 =	sshrl.u32 s14, $0x3;
	s14 =	simm.s32 $0x3  }
0x13: {  	s10 =	sadd.s32 s10, s15;
	s11 =	sadd.s32 s11, s15;
	s15 =	simm.s32 $0x2800  }
.LBB2_1:
0x14: {  	[spmem:s13], [sflag:s6] =	dma.local [hbm:s5], $0x2800  }
0x15: {  	_ =	swait.ge [sflag:s14], $0x2800  }
0x16: {  	[sflag:s14] =	ssyncset.done $0x0  }
0x17: {  	[sflag:s14] =	ssyncadd.s32 $0xFFFFD800  }
0x18: {  	[tilespmem:s15], [sflag:$0x3] =	stream.linear.gather [spmem:s7], $0x4000, $0x38;
	[tilespmem:$0x1E800] =	vst v63  }
0x19: {  	_ =	swait.ge [sflag:s14], $0x4000  }
0x1a: {  	[sflag:s14] =	ssyncset.done $0x0  }
0x1b: {  	[sflag:s14] =	ssyncadd.s32 $0xFFFFC000  }
0x1c: {  	[bflag:$0x0] =	sbarrier.arrive $0xFFFF  }
0x1d: {  	[tilespmem:s2], [sflag:$0x3] =	stream.linear.gather [hbm4b:s8+s2], $0x1400, $0x38;
	[tilespmem:$0x1E800] =	vst v63  }
0x1e: {  	_ =	swait.ge [sflag:s14], $0x1400  }
0x1f: {  	[sflag:s14] =	ssyncset.done $0x0  }
0x20: {  	[sflag:s14] =	ssyncadd.s32 $0xFFFFEC00  }
0x21: {  	[tilespmem:s16], [sflag:$0x3] =	stream.linear.gather [hbm4b:s9+s2], $0x1400, $0x38;
	[tilespmem:$0x1E800] =	vst v63  }
0x22: {  	_ =	swait.ge [sflag:s14], $0x1400  }
0x23: {  	[sflag:s14] =	ssyncset.done $0x0  }
0x24: {  	[sflag:s14] =	ssyncadd.s32 $0xFFFFEC00  }
0x25: {  	[tilespmem:s15], [sflag:$0x1] =	stream.indirect.gather [hbm4b:s4+s17], $0x80, s2, s17, $0xb8;
	[tilespmem:$0x1E800] =	vst v63  }
0x26: {  	_ =	swait.ge [sflag:s18], $0x4000  }
0x27: {  	[sflag:s18] =	ssyncset.done $0x0  }
0x28: {  	s26 =	simm.s32 $0x80;
	[sflag:s18] =	ssyncadd.s32 $0xFFFFC000  }
0x29: {  	[tilespmem:s19], [sflag:$0x2] =	stream.indirect.gather [hbm4b:s4+s17], $0x80, s26, s17, $0xb8;
	[tilespmem:$0x1E800] =	vst v63  }
0x2a: {  	s29 =	simm.s32 $0x1400  }
0x2b: {  	[spmem:s1] =	stream.indirect.scatter.add.f32 [tilespmem:s15], [sflag:$0x3], $0x80, s29, s17, $0xb8;
	[tilespmem:$0x1E800] =	vst v63  }
0x2c: {  	_ =	swait.ge [sflag:s14], $0x4000  }
0x2d: {  	[sflag:s14] =	ssyncset.done $0x0  }
0x2e: {  	[sflag:s14] =	ssyncadd.s32 $0xFFFFC000  }
0x2f: {  	_ =	swait.ge [sflag:s20], $0x4000  }
0x30: {  	[sflag:s20] =	ssyncset.done $0x0  }
0x31: {  	s30 =	simm.s32 $0x100;
	[sflag:s20] =	ssyncadd.s32 $0xFFFFC000  }
0x32: {  	[tilespmem:s15], [sflag:$0x1] =	stream.indirect.gather [hbm4b:s4+s17], $0x80, s30, s17, $0xb8;
	[tilespmem:$0x1E800] =	vst v63  }
0x33: {  	s31 =	simm.s32 $0x1480  }
0x34: {  	[spmem:s1] =	stream.indirect.scatter.add.f32 [tilespmem:s19], [sflag:$0x3], $0x80, s31, s17, $0xb8;
	[tilespmem:$0x1E800] =	vst v63  }
0x35: {  	_ =	swait.ge [sflag:s14], $0x4000  }
0x36: {  	s26 =	simm.s32 $0x400;
	[sflag:s14] =	ssyncset.done $0x0  }
.LBB2_2:
0x37: {  	p0 =	sne.s32 s26, $0x4800  }
0x38: {  	[sflag:s14] =	ssyncadd.s32 $0xFFFFC000;
	s28 =	smov.u32 s26;
	s26 =	sadd.s32 $0x400, s26  }
0x39: {  	_ = 	snop  }
0x3a: {  	_ =	swait.ge [sflag:s18], $0x4000  }
0x3b: {  	s28 =	sshra.s32 s28, $0x2;
	[sflag:s18] =	ssyncset.done $0x0  }
0x3c: {  	s29 =	sadd.s32 $0x80, s28;
	[sflag:s18] =	ssyncadd.s32 $0xFFFFC000  }
0x3d: {  	[tilespmem:s19], [sflag:$0x2] =	stream.indirect.gather [hbm4b:s4+s17], $0x80, s29, s17, $0xb8;
	[tilespmem:$0x1E800] =	vst v63  }
0x3e: {  	s29 =	sadd.s32 $0x1400, s28  }
0x3f: {  	[spmem:s1] =	stream.indirect.scatter.add.f32 [tilespmem:s15], [sflag:$0x3], $0x80, s29, s17, $0xb8;
	[tilespmem:$0x1E800] =	vst v63  }
0x40: {  	_ =	swait.ge [sflag:s14], $0x4000  }
0x41: {  	[sflag:s14] =	ssyncset.done $0x0  }
0x42: {  	[sflag:s14] =	ssyncadd.s32 $0xFFFFC000  }
0x43: {  	_ =	swait.ge [sflag:s20], $0x4000  }
0x44: {  	[sflag:s20] =	ssyncset.done $0x0  }
0x45: {  	s29 =	sadd.s32 $0x100, s28;
	[sflag:s20] =	ssyncadd.s32 $0xFFFFC000  }
0x46: {  	[tilespmem:s15], [sflag:$0x1] =	stream.indirect.gather [hbm4b:s4+s17], $0x80, s29, s17, $0xb8;
	[tilespmem:$0x1E800] =	vst v63  }
.Ltmp0:
0x47: {  	_ = 	snop;
	(pc) =	sbr.rel @p0 .LBB2_2-.Ltmp0, $4  }
0x48: {  	s28 =	sadd.s32 $0x1480, s28  }
0x49: {  	[spmem:s1] =	stream.indirect.scatter.add.f32 [tilespmem:s19], [sflag:$0x3], $0x80, s28, s17, $0xb8;
	[tilespmem:$0x1E800] =	vst v63  }
0x4a: {  	_ =	swait.ge [sflag:s14], $0x4000  }
0x4b: {  	[sflag:s14] =	ssyncset.done $0x0  }
0x4c: {  	[sflag:s14] =	ssyncadd.s32 $0xFFFFC000  }
0x4d: {  	_ =	swait.ge [sflag:s18], $0x4000  }
0x4e: {  	[sflag:s18] =	ssyncset.done $0x0  }
0x4f: {  	[sflag:s18] =	ssyncadd.s32 $0xFFFFC000  }
0x50: {  	[tilespmem:s19], [sflag:$0x2] =	stream.indirect.gather [hbm4b:s4+s17], $0x80, s21, s17, $0xb8;
	[tilespmem:$0x1E800] =	vst v63  }
0x51: {  	_ = 	snop  }
0x52: {  	[spmem:s1] =	stream.indirect.scatter.add.f32 [tilespmem:s15], [sflag:$0x3], $0x80, s22, s17, $0xb8;
	[tilespmem:$0x1E800] =	vst v63  }
0x53: {  	_ =	swait.ge [sflag:s14], $0x4000  }
0x54: {  	[sflag:s14] =	ssyncset.done $0x0  }
0x55: {  	[sflag:s14] =	ssyncadd.s32 $0xFFFFC000  }
0x56: {  	_ =	swait.ge [sflag:s20], $0x4000  }
0x57: {  	[sflag:s20] =	ssyncset.done $0x0  }
0x58: {  	s26 =	simm.s32 $0x0;
	[sflag:s20] =	ssyncadd.s32 $0xFFFFC000  }
0x59: {  	[tilespmem:s15], [sflag:$0x1] =	stream.indirect.gather [hbm4b:s4+s17], $0x80, s26, s17, $0xb8;
	[tilespmem:$0x1E800] =	vst v63  }
0x5a: {  	_ = 	snop  }
0x5b: {  	[spmem:s1] =	stream.indirect.scatter.add.f32 [tilespmem:s19], [sflag:$0x3], $0x80, s23, s17, $0xb8;
	[tilespmem:$0x1E800] =	vst v63  }
0x5c: {  	_ =	swait.ge [sflag:s14], $0x4000  }
0x5d: {  	[sflag:s14] =	ssyncset.done $0x0  }
0x5e: {  	[sflag:s14] =	ssyncadd.s32 $0xFFFFC000  }
0x5f: {  	_ =	swait.ge [sflag:s18], $0x4000  }
0x60: {  	[sflag:s18] =	ssyncset.done $0x0  }
0x61: {  	[sflag:s18] =	ssyncadd.s32 $0xFFFFC000  }
0x62: {  	[tilespmem:s26], [sflag:$0x3] =	stream.linear.gather [hbm4b:s10+s26], $0x1400, $0x38;
	[tilespmem:$0x1E800] =	vst v63  }
0x63: {  	_ =	swait.ge [sflag:s14], $0x1400  }
0x64: {  	[sflag:s14] =	ssyncset.done $0x0  }
0x65: {  	[sflag:s14] =	ssyncadd.s32 $0xFFFFEC00  }
0x66: {  	[tilespmem:s16], [sflag:$0x3] =	stream.linear.gather [hbm4b:s11+s26], $0x1400, $0x38;
	[tilespmem:$0x1E800] =	vst v63  }
0x67: {  	_ =	swait.ge [sflag:s14], $0x1400  }
0x68: {  	[sflag:s14] =	ssyncset.done $0x0  }
0x69: {  	[sflag:s14] =	ssyncadd.s32 $0xFFFFEC00  }
0x6a: {  	[tilespmem:s15], [sflag:$0x1] =	stream.indirect.gather [hbm4b:s4+s17], $0x80, s26, s17, $0xb8;
	[tilespmem:$0x1E800] =	vst v63  }
0x6b: {  	_ =	swait.ge [sflag:s18], $0x4000  }
0x6c: {  	[sflag:s18] =	ssyncset.done $0x0  }
0x6d: {  	s28 =	simm.s32 $0x80;
	[sflag:s18] =	ssyncadd.s32 $0xFFFFC000  }
0x6e: {  	[tilespmem:s19], [sflag:$0x2] =	stream.indirect.gather [hbm4b:s4+s17], $0x80, s28, s17, $0xb8;
	[tilespmem:$0x1E800] =	vst v63  }
0x6f: {  	s29 =	simm.s32 $0x1400  }
0x70: {  	[spmem:s1] =	stream.indirect.scatter.add.f32 [tilespmem:s15], [sflag:$0x3], $0x80, s29, s17, $0xb8;
	[tilespmem:$0x1E800] =	vst v63  }
0x71: {  	_ =	swait.ge [sflag:s14], $0x4000  }
0x72: {  	[sflag:s14] =	ssyncset.done $0x0  }
0x73: {  	[sflag:s14] =	ssyncadd.s32 $0xFFFFC000  }
0x74: {  	_ =	swait.ge [sflag:s20], $0x4000  }
0x75: {  	[sflag:s20] =	ssyncset.done $0x0  }
0x76: {  	s30 =	simm.s32 $0x100;
	[sflag:s20] =	ssyncadd.s32 $0xFFFFC000  }
0x77: {  	[tilespmem:s15], [sflag:$0x1] =	stream.indirect.gather [hbm4b:s4+s17], $0x80, s30, s17, $0xb8;
	[tilespmem:$0x1E800] =	vst v63  }
0x78: {  	s31 =	simm.s32 $0x1480  }
0x79: {  	[spmem:s1] =	stream.indirect.scatter.add.f32 [tilespmem:s19], [sflag:$0x3], $0x80, s31, s17, $0xb8;
	[tilespmem:$0x1E800] =	vst v63  }
0x7a: {  	_ =	swait.ge [sflag:s14], $0x4000  }
0x7b: {  	s26 =	simm.s32 $0x400;
	[sflag:s14] =	ssyncset.done $0x0  }
.LBB2_4:
0x7c: {  	p0 =	sne.s32 s26, $0x4800  }
0x7d: {  	[sflag:s14] =	ssyncadd.s32 $0xFFFFC000;
	s28 =	smov.u32 s26;
	s26 =	sadd.s32 $0x400, s26  }
0x7e: {  	_ = 	snop  }
0x7f: {  	_ =	swait.ge [sflag:s18], $0x4000  }
0x80: {  	s28 =	sshra.s32 s28, $0x2;
	[sflag:s18] =	ssyncset.done $0x0  }
0x81: {  	s29 =	sadd.s32 $0x80, s28;
	[sflag:s18] =	ssyncadd.s32 $0xFFFFC000  }
0x82: {  	[tilespmem:s19], [sflag:$0x2] =	stream.indirect.gather [hbm4b:s4+s17], $0x80, s29, s17, $0xb8;
	[tilespmem:$0x1E800] =	vst v63  }
0x83: {  	s29 =	sadd.s32 $0x1400, s28  }
0x84: {  	[spmem:s1] =	stream.indirect.scatter.add.f32 [tilespmem:s15], [sflag:$0x3], $0x80, s29, s17, $0xb8;
	[tilespmem:$0x1E800] =	vst v63  }
0x85: {  	_ =	swait.ge [sflag:s14], $0x4000  }
0x86: {  	[sflag:s14] =	ssyncset.done $0x0  }
0x87: {  	[sflag:s14] =	ssyncadd.s32 $0xFFFFC000  }
0x88: {  	_ =	swait.ge [sflag:s20], $0x4000  }
0x89: {  	[sflag:s20] =	ssyncset.done $0x0  }
0x8a: {  	s29 =	sadd.s32 $0x100, s28;
	[sflag:s20] =	ssyncadd.s32 $0xFFFFC000  }
0x8b: {  	[tilespmem:s15], [sflag:$0x1] =	stream.indirect.gather [hbm4b:s4+s17], $0x80, s29, s17, $0xb8;
	[tilespmem:$0x1E800] =	vst v63  }
.Ltmp1:
0x8c: {  	_ = 	snop;
	(pc) =	sbr.rel @p0 .LBB2_4-.Ltmp1, $4  }
0x8d: {  	s28 =	sadd.s32 $0x1480, s28  }
0x8e: {  	[spmem:s1] =	stream.indirect.scatter.add.f32 [tilespmem:s19], [sflag:$0x3], $0x80, s28, s17, $0xb8;
	[tilespmem:$0x1E800] =	vst v63  }
0x8f: {  	_ =	swait.ge [sflag:s14], $0x4000  }
0x90: {  	[sflag:s14] =	ssyncset.done $0x0  }
0x91: {  	[sflag:s14] =	ssyncadd.s32 $0xFFFFC000  }
0x92: {  	_ =	swait.ge [sflag:s18], $0x4000  }
0x93: {  	[sflag:s18] =	ssyncset.done $0x0  }
0x94: {  	[sflag:s18] =	ssyncadd.s32 $0xFFFFC000  }
0x95: {  	[tilespmem:s19], [sflag:$0x2] =	stream.indirect.gather [hbm4b:s4+s17], $0x80, s21, s17, $0xb8;
	[tilespmem:$0x1E800] =	vst v63  }
0x96: {  	_ = 	snop  }
0x97: {  	[spmem:s1] =	stream.indirect.scatter.add.f32 [tilespmem:s15], [sflag:$0x3], $0x80, s22, s17, $0xb8;
	[tilespmem:$0x1E800] =	vst v63  }
0x98: {  	_ =	swait.ge [sflag:s14], $0x4000  }
0x99: {  	[sflag:s14] =	ssyncset.done $0x0  }
0x9a: {  	[sflag:s14] =	ssyncadd.s32 $0xFFFFC000  }
0x9b: {  	_ =	swait.ge [sflag:s20], $0x4000  }
0x9c: {  	[sflag:s20] =	ssyncset.done $0x0  }
0x9d: {  	[sflag:s20] =	ssyncadd.s32 $0xFFFFC000  }
0x9e: {  	[tilespmem:s15], [sflag:$0x1] =	stream.indirect.gather [hbm4b:s4+s17], $0x80, s2, s17, $0xb8;
	[tilespmem:$0x1E800] =	vst v63  }
0x9f: {  	_ = 	snop  }
0xa0: {  	[spmem:s1] =	stream.indirect.scatter.add.f32 [tilespmem:s19], [sflag:$0x3], $0x80, s23, s17, $0xb8;
	[tilespmem:$0x1E800] =	vst v63  }
0xa1: {  	_ =	swait.ge [sflag:s14], $0x4000  }
0xa2: {  	[sflag:s14] =	ssyncset.done $0x0  }
0xa3: {  	[sflag:s14] =	ssyncadd.s32 $0xFFFFC000  }
0xa4: {  	_ =	swait.ge [sflag:s18], $0x4000  }
0xa5: {  	[sflag:s18] =	ssyncset.done $0x0  }
0xa6: {  	[sflag:s18] =	ssyncadd.s32 $0xFFFFC000  }
0xa7: {  	[bflag:$0x0] =	sbarrier.arrive $0xFFFF  }
0xa8: {  	[tilespmem:s15], [sflag:$0x3] =	stream.linear.gather [hbm4b:s4+s2], $0x4000, $0x38;
	[tilespmem:$0x1E800] =	vst v63  }
0xa9: {  	_ =	swait.ge [sflag:s14], $0x4000  }
0xaa: {  	s25 =	sadd.s32 $0x1, s25;
	[sflag:s14] =	ssyncset.done $0x0  }
0xab: {  	p0 =	sne.s32 s25, s12;
	[sflag:s14] =	ssyncadd.s32 $0xFFFFC000  }
.Ltmp2:
0xac: {  	[bflag:$0x0] =	sbarrier.arrive $0xFFFF;
	(pc) =	sbr.rel @p0 .LBB2_1-.Ltmp2, $4  }
0xad: {  	[hbm:s24], [sflag:s6] =	dma.local [spmem:s13], $0x2800  }
0xae: {  	_ =	swait.ge [sflag:s14], $0x2800  }
0xaf: {  	[sflag:s14] =	ssyncset.done $0x0  }
0xb0: {  	[sflag:s14] =	ssyncadd.s32 $0xFFFFD800  }
0xb1: {  	_ =	sfence.sel $0x180000  }
0xb2: {  	[bflag:$0x0] =	sbarrier.arrive $0xFFFF  }
0xb3: {  	p0 =	sne.s32 s3, $0x0;
	_ =	strace $0x9000004D  }
0xb4: {  	s0 =	sadd.s32 @!p0 $0x100000, s0;
	[bflag:$0x2] =	sbarrier.arrive $0xFFFF  }
0xb5: {  	[sflag:s0] =	ssyncadd.tile.s32 @!p0 $0x1;
	_ =	shalt  }
.Lfunc_end2:
_tile_overlayer_lowered:
.L_overlay_start_2:
0xb6: {  	(tag) =	ssettag $0x2  }
0xb7: {  	s0 =	rddreg [dreg:$0x0];
	s2 =	stileid.u32  }
0xb8: {  	s1 =	rddreg [dreg:$0x1];
	p0 =	sne.s32 s2, $0x0  }
0xb9: {  	s3 =	rddreg [dreg:$0x2];
	[bflag:$0x3] =	sbarrier.arrive $0xFFFF;
	s2 =	simm.s32 @!p0 $0x1C03  }
0xba: {  	[timem:s3], [sflag:s2] =	dma.local @!p0 [hbm:s0], s1  }
0xbb: {  	s0 =	simm.s32 @!p0 $0x3  }
0xbc: {  	_ =	swait.ge @!p0 [sflag:s0], s1  }
0xbd: {  	s1 =	ssub.s32 @!p0 $0x0, s1;
	[sflag:s0] =	ssyncset.done @!p0 $0x0  }
0xbe: {  	[sflag:s0] =	ssyncadd.s32 @!p0 s1  }
0xbf: {  	[bflag:$0x3] =	sbarrier.arrive $0xFFFF  }
0xc0: {  	_ =	shalt  }

// kernel: kernel.8.cloned.1.call-start
scs
__scs_entry_jumppad:
0x0: {  	(pc) =	sbr.rel $0x88, $3  }
0x1: {  	(tag) =	ssettag $0x0;
	lr =	simm.s32 $0x1  }
0x2: {  	[smem:$0x3F9B] =	sst lr;
	_ =	strace $0xD0000000  }
0x3: {  	_ = 	snop  }
0x4: {  	_ = 	snop  }
0x5: {  	_ = 	snop  }
0x6: {  	_ = 	snop  }
0x7: {  	_ = 	snop  }
__scs_overlays_trampoline_lowered:
0x8: {  	[smem:$0x3FAA] =	sst s0  }
0x9: {  	[smem:$0x3FAB] =	sst s1  }
0xa: {  	[smem:$0x3FAC] =	sst s2  }
0xb: {  	[smem:$0x3FAD] =	sst s3  }
0xc: {  	[smem:$0x3FAE] =	sst s4  }
0xd: {  	[smem:$0x3FAF] =	sst s5  }
0xe: {  	[smem:$0x3FB0] =	sst s6  }
0xf: {  	[smem:$0x3FB1] =	sst s7  }
0x10: {  	[smem:$0x3FB2] =	sst s8  }
0x11: {  	[smem:$0x3FB3] =	sst s9;
	s0 =	simm.s32 @!p0 $0x0  }
0x12: {  	s1 =	sld [smem:$0x3F99];
	s0 =	simm.s32 @p0 $0x1  }
0x13: {  	[smem:$0x3FB4] =	sst s0;
	s0 =	simm.s32 @!p1 $0x0  }
0x14: {  	s2 =	sld [smem:$0x3F98];
	s0 =	simm.s32 @p1 $0x1  }
0x15: {  	[smem:$0x3FB5] =	sst s0;
	s0 =	simm.s32 @!p2 $0x0  }
0x16: {  	s3 =	sld [smem:$0x3FDB];
	s0 =	simm.s32 @p2 $0x1  }
0x17: {  	s4 =	simm.s32 $0x1BF5;
	[smem:$0x3FB7] =	sst s0  }
0x18: {  	s0 =	sld [smem:$0x3F9A];
	_ =	swait.ge [sflag:s4], $0x0  }
0x19: {  	s7 =	sld [smem:$0x3F9B]  }
0x1a: {  	s8 =	sadd.s32 $0xFFFFE003, lr  }
0x1b: {  	s9 =	sadd.s32 $0xFFFFFEF7, lr;
	s5 =	simm.s32 $0xFFFFFFFF;
	p2 =	slt.u32 s8, $0xFFFFF086  }
0x1c: {  	p1 =	slt.u32 s9, $0xF7A;
	s5 =	simm.s32 @!p2 $0x0  }
0x1d: {  	s5 =	simm.s32 @p1 $0x1;
	p0 =	seq.s32 s7, s2  }
0x1e: {  	s7 =	smul.u32 @!p0 $0xF7A, s2;
	p2 =	seq.s32 @!p0 s5, $0x0  }
0x1f: {  	s9 =	smul.u32 $0xF7A, s1;
	s8 =	simm.s32 @!p0 $0x1BF5;
	p2 =	por !p2, p0  }
0x20: {  	[sflag:s8] =	ssyncset.s32 @!p0 $0xFFFFF086;
	s6 =	sadd.s32 @!p0 s3, s7;
	s7 =	simm.s32 @!p0 $0x108  }
0x21: {  	s3 =	sadd.s32 s3, s9;
	s6 =	sadd.s32 @!p0 $0x88, s6;
	s7 =	simm.s32 @p2 $0x1082  }
0x22: {  	[simem:s7], [sflag:s8] =	dma.local @!p0 [hbm:s6], $0xF7A  }
0x23: {  	s9 =	sor.u32 $0xD0000000, s2;
	s6 =	simm.s32 $0x108;
	_ =	swait.ge @!p0 [sflag:s8], $0x0  }
0x24: {  	s3 =	sadd.s32 $0x88, s3;
	s6 =	simm.s32 @!p1 $0x1082;
	[sflag:s4] =	ssyncset.s32 $0xFFFFF086  }
0x25: {  	[simem:s6], [sflag:s4] =	dma.local [hbm:s3], $0xF7A  }
0x26: {  	[smem:$0x3F9B] =	sst s1;
	(tag) =	ssettag s2;
	_ =	strace s9  }
0x27: {  	s1 =	sld [smem:$0x3FAB]  }
0x28: {  	s2 =	sld [smem:$0x3FAC]  }
0x29: {  	s4 =	sld [smem:$0x3FAE]  }
0x2a: {  	p0 =	seq.s32 s5, $0x0;
	s5 =	sld [smem:$0x3FAF]  }
0x2b: {  	s6 =	sld [smem:$0x3FB0]  }
0x2c: {  	s7 =	sld [smem:$0x3FB1]  }
0x2d: {  	s3 =	simm.s32 $0x108;
	s8 =	sld [smem:$0x3FB2]  }
0x2e: {  	s3 =	simm.s32 @!p0 $0x1082;
	s9 =	sld [smem:$0x3FB3]  }
0x2f: {  	lr =	sadd.s32 s0, s3;
	s0 =	sld [smem:$0x3FAA]  }
0x30: {  	s3 =	sld [smem:$0x3FAD]  }
0x31: {  	[smem:$0x3FB6] =	sst s10  }
0x32: {  	s10 =	sld [smem:$0x3FB4];
	_ =	sdelay $0x3  }
0x33: {  	p0 =	seq.s32 s10, $0x1;
	s10 =	sld [smem:$0x3FB6];
	_ =	sdelay $0x3  }
0x34: {  	[smem:$0x3FB6] =	sst s10  }
0x35: {  	s10 =	sld [smem:$0x3FB5];
	_ =	sdelay $0x3  }
0x36: {  	p1 =	seq.s32 s10, $0x1;
	s10 =	sld [smem:$0x3FB6];
	_ =	sdelay $0x3  }
0x37: {  	[smem:$0x3FB6] =	sst s10  }
0x38: {  	s10 =	sld [smem:$0x3FB7]  }
0x39: {  	_ = 	snop;
	(pc) =	sbr.ind lr, $3  }
0x3a: {  	_ = 	snop  }
0x3b: {  	_ = 	snop  }
0x3c: {  	p2 =	seq.s32 s10, $0x1;
	s10 =	sld [smem:$0x3FB6]  }
0x3d: {  	_ =	shalt  }
0x3e: {  	_ =	shalt  }
0x3f: {  	_ =	shalt  }
0x40: {  	_ =	shalt  }
0x41: {  	_ =	shalt  }
0x42: {  	_ =	shalt  }
0x43: {  	_ =	shalt  }
0x44: {  	_ =	shalt  }
0x45: {  	_ =	shalt  }
0x46: {  	_ =	shalt  }
0x47: {  	_ =	shalt  }
0x48: {  	_ =	shalt  }
0x49: {  	_ =	shalt  }
0x4a: {  	_ =	shalt  }
0x4b: {  	_ =	shalt  }
0x4c: {  	_ =	shalt  }
0x4d: {  	_ =	shalt  }
0x4e: {  	_ =	shalt  }
0x4f: {  	_ =	shalt  }
0x50: {  	_ =	shalt  }
0x51: {  	_ =	shalt  }
0x52: {  	_ =	shalt  }
0x53: {  	_ =	shalt  }
0x54: {  	_ =	shalt  }
0x55: {  	_ =	shalt  }
0x56: {  	_ =	shalt  }
0x57: {  	_ =	shalt  }
0x58: {  	_ =	shalt  }
0x59: {  	_ =	shalt  }
0x5a: {  	_ =	shalt  }
0x5b: {  	_ =	shalt  }
0x5c: {  	_ =	shalt  }
0x5d: {  	_ =	shalt  }
0x5e: {  	_ =	shalt  }
0x5f: {  	_ =	shalt  }
0x60: {  	_ =	shalt  }
0x61: {  	_ =	shalt  }
0x62: {  	_ =	shalt  }
0x63: {  	_ =	shalt  }
0x64: {  	_ =	shalt  }
0x65: {  	_ =	shalt  }
0x66: {  	_ =	shalt  }
0x67: {  	_ =	shalt  }
0x68: {  	_ =	shalt  }
0x69: {  	_ =	shalt  }
0x6a: {  	_ =	shalt  }
0x6b: {  	_ =	shalt  }
0x6c: {  	_ =	shalt  }
0x6d: {  	_ =	shalt  }
0x6e: {  	_ =	shalt  }
0x6f: {  	_ =	shalt  }
0x70: {  	_ =	shalt  }
0x71: {  	_ =	shalt  }
0x72: {  	_ =	shalt  }
0x73: {  	_ =	shalt  }
0x74: {  	_ =	shalt  }
0x75: {  	_ =	shalt  }
0x76: {  	_ =	shalt  }
0x77: {  	_ =	shalt  }
0x78: {  	_ =	shalt  }
0x79: {  	_ =	shalt  }
0x7a: {  	_ =	shalt  }
0x7b: {  	_ =	shalt  }
0x7c: {  	_ =	shalt  }
0x7d: {  	_ =	shalt  }
0x7e: {  	_ =	shalt  }
0x7f: {  	_ =	shalt  }
0x80: {  	_ =	shalt  }
0x81: {  	_ =	shalt  }
0x82: {  	_ =	shalt  }
0x83: {  	_ =	shalt  }
0x84: {  	_ =	shalt  }
0x85: {  	_ =	shalt  }
0x86: {  	_ =	shalt  }
0x87: {  	_ =	shalt  }
.Lfunc_end0:
.L_simem_size_0:
called_computation_lowered:
.L_overlay_start_0:
0x88: {  	s2 =	sld [smem:$0x3FD9]  }
0x89: {  	s3 =	sld [smem:$0x3FFE];
	_ =	sdelay $0x1  }
0x8a: {  	s1 =	srdreg.scid  }
0x8b: {  	s0 =	sand.u32 $0x1, s1  }
0x8c: {  	s17 =	sshll.u32 s0, $0xA;
	s2 =	sadd.s32 s3, s2  }
0x8d: {  	s2 =	sadd.s32 s2, s17  }
0x8e: {  	[smem:$0x3FC2] =	sst s2  }
0x8f: {  	_ = 	snop  }
0x90: {  	s2 =	sld [smem:$0x3FD0];
	(tm) =	ssettm $0x1  }
0x91: {  	s18 =	sld [smem:$0x3FFB];
	_ =	sdelay $0x3  }
0x92: {  	_ =	strace s18  }
0x93: {  	s3 =	sld [smem:$0x3FFC];
	_ =	sdelay $0x3  }
0x94: {  	_ =	strace s3  }
0x95: {  	s3 =	sld [smem:$0x3FFD];
	_ =	sdelay $0x3  }
0x96: {  	_ =	strace s3  }
0x97: {  	_ =	strace $0x8FFFFFFF  }
0x98: {  	s19 =	sld [smem:$0x3FDB];
	_ =	sdelay $0x1  }
0x99: {  	s4 =	simm.s32 $_scs_section_size  }
0x9a: {  	s5 =	simm.s32 $_size__tile_overlayer_lowered;
	s6 =	simm.s32 $_tile_overlayer_lowered  }
0x9b: {  	s22 =	simm.s32 $0x1BFF;
	s21 =	sshll.u32 s6, $0x1;
	s3 =	sadd.s32 s4, s19  }
0x9c: {  	s7 =	simm.s32 $0x0;
	s20 =	sshll.u32 s5, $0x1;
	s5 =	sadd.s32 s21, s3  }
0x9d: {  	[timem:s7], [sflag:s22] =	dma.local [hbm:s5], s20  }
0x9e: {  	_ =	swait.ge [sflag:s22], s20  }
0x9f: {  	s4 =	ssub.s32 $0x0, s20;
	[sflag:s22] =	ssyncset.done $0x0  }
0xa0: {  	[sflag:s22] =	ssyncadd.s32 s4;
	_ =	sdelay $0x1  }
0xa1: {  	s23 =	simm.s32 $0x1B8B  }
0xa2: {  	_ =	swait.ge [sflag:s23], $0x1  }
0xa3: {  	[sflag:s23] =	ssyncset.done $0x0  }
0xa4: {  	s25 =	simm.s32 $0x1B8E;
	s24 =	sld [smem:$0x3FFE];
	[sflag:s23] =	ssyncadd.s32 $0xFFFFFFFF  }
0xa5: {  	s26 =	simm.s32 $execute0_lowered;
	[smem:$0x3FD2] =	sst s25  }
0xa6: {  	s5 =	sshll.u32 s26, $0x1;
	_ =	strace $0x80000046;
	[dreg:$0x1] =	wrdreg $0xFFFFFFFF  }
0xa7: {  	s28 =	simm.s32 $_size_execute0_lowered;
	s3 =	sadd.s32 s3, s5;
	[dreg:$0x0] =	wrdreg $0x0  }
0xa8: {  	s5 =	sshll.u32 s28, $0x1;
	[dreg:$0x2] =	wrdreg s3  }
0xa9: {  	[dreg:$0x3] =	wrdreg s5  }
0xaa: {  	[dreg:$0x4] =	wrdreg $0xC0  }
0xab: {  	_ =	task [dreg:s7], $0x5FFFF  }
0xac: {  	[dreg:$0x1] =	wrdreg $0xFFFFFFFF  }
0xad: {  	[dreg:$0x0] =	wrdreg $0x60  }
0xae: {  	[dreg:$0x2] =	wrdreg s2  }
0xaf: {  	[dreg:$0x3] =	wrdreg s24  }
0xb0: {  	[dreg:$0x4] =	wrdreg $0x2B000  }
0xb1: {  	[dreg:$0x5] =	wrdreg $0x9  }
0xb2: {  	_ =	task.clear_ibuf [dreg:s7], $0x6FFFF;
	_ =	strace $0x90000046  }
0xb3: {  	s29 =	simm.s32 $0x9;
	_ =	strace $0x80000048  }
0xb4: {  	_ =	swait.ge [sflag:s29], $0x1  }
0xb5: {  	[sflag:s29] =	ssyncadd.s32 $0xFFFFFFFF  }
0xb6: {  	_ =	strace $0x90000048  }
0xb7: {  	_ =	sfence  }
0xb8: {  	s30 =	sld [smem:$0x0];
	_ =	sdelay $0x2  }
0xb9: {  	s31 =	sshll.u32 s1, $0xD;
	s1 =	sshrl.u32 s1, $0x2  }
0xba: {  	s3 =	sand.u32 $0x4000, s31;
	s1 =	sadd.s32 s1, s30  }
0xbb: {  	s0 =	sor.u32 s3, s0;
	s1 =	sshll.u32 s1, $0x11  }
0xbc: {  	s0 =	sor.u32 s1, s0  }
0xbd: {  	s0 =	sadd.s32 $0x8F2B, s0  }
0xbe: {  	[sflag:s0] =	ssyncadd.remote.s32 $0x1  }
0xbf: {  	_ =	sfence.sel $0xFFFF  }
0xc0: {  	[dreg:$0x0] =	wrdreg $0xFFFFFFFF;
	(pc) =	sbr.abs _section_cstart, $3  }
0xc1: {  	[dreg:$0x1] =	wrdreg $0xFFFFFFFF  }
0xc2: {  	_ =	task.clear_ibuf [dreg:s7], $0x2FFFF;
	_ =	strace $0x9FFFFFFF  }
0xc3: {  	(tm) =	ssettm $0x7FFFFFFF  }
tec
execute0_lowered:
.L_overlay_start_1:
0x0: {  	(tag) =	ssettag $0x1  }
0x1: {  	s7 =	rddreg [dreg:$0x0]  }
0x2: {  	s6 =	rddreg [dreg:$0x1]  }
0x3: {  	s2 =	rddreg [dreg:$0x2]  }
0x4: {  	s0 =	rddreg [dreg:$0x3]  }
0x5: {  	s3 =	simm.s32 $0x0;
	s4 =	srdreg.scid;
	s1 =	stileid.u32  }
0x6: {  	s13 =	simm.s32 $0x2800;
	s14 =	simm.s32 $0x80;
	s17 =	simm.s32 $0x20  }
0x7: {  	s18 =	simm.s32 $0x10;
	s19 =	simm.s32 $0x0;
	[smem:$0x7FF] =	sst s3  }
0x8: {  	s8 =	sand.u32 $0x1, s4;
	s5 =	smul.u32 $0x500, s1;
	s4 =	sadd.s32 $0xCC00, s6  }
0x9: {  	s10 =	smul.u32 $0xA00, s1;
	s15 =	sshll.u32 s1, $0x6;
	_ =	strace $0x80000047  }
0xa: {  	s9 =	sshll.u32 s8, $0x7;
	s11 =	sshll.u32 s8, $0x4;
	s8 =	ssub.s32 $0x2, s8  }
0xb: {  	s15 =	sor.u32 $0x1C01, s15;
	s9 =	sor.u32 s9, s5;
	s5 =	sadd.s32 $0xCE00, s6  }
0xc: {  	s11 =	sor.u32 s1, s11;
	s10 =	sshrl.u32 s10, $0x2;
	s12 =	sshrl.u32 s8, $0x1  }
0xd: {  	s9 =	sshrl.u32 s9, $0x3;
	s11 =	smul.u32 $0x500, s11;
	s31 =	ssub.s32 s8, s12  }
0xe: {  	s12 =	simm.s32 $0x1;
	s9 =	sadd.s32 s9, s6;
	s6 =	sadd.s32 s10, s2  }
0xf: {  	s10 =	smax.u32 s31, $0x1;
	s7 =	sadd.s32 s7, s11;
	s8 =	sadd.s32 $0x200, s6  }
0x10: {  	s9 =	sadd.s32 $0xD000, s9;
	s11 =	simm.s32 $0x2880;
	s16 =	sshrl.u32 s6, $0x3  }
.LBB2_1:
0x11: {  	[tilespmem:s11], [sflag:$0x1] =	stream.linear.gather [hbm4b:s5+s3], $0x280, $0x38;
	[tilespmem:$0x2D80] =	vst v63  }
0x12: {  	_ =	swait.ge [sflag:s12], $0x280  }
0x13: {  	[sflag:s12] =	ssyncset.done $0x0  }
0x14: {  	[sflag:s12] =	ssyncadd.s32 $0xFFFFFD80  }
0x15: {  	[spmem:s6] =	stream.linear.scatter [tilespmem:s11], [sflag:$0x1], $0x280, $0x38;
	[tilespmem:$0x2D80] =	vst v63  }
0x16: {  	_ =	swait.ge [sflag:s12], $0x280  }
0x17: {  	[sflag:s12] =	ssyncset.done $0x0  }
0x18: {  	[sflag:s12] =	ssyncadd.s32 $0xFFFFFD80  }
0x19: {  	[tilespmem:s13], [sflag:$0x1] =	stream.linear.gather [hbm4b:s4+s3], $0x80, $0x38;
	[tilespmem:$0x2D80] =	vst v63  }
0x1a: {  	_ =	swait.ge [sflag:s12], $0x80  }
0x1b: {  	[sflag:s12] =	ssyncset.done $0x0  }
0x1c: {  	[sflag:s12] =	ssyncadd.s32 $0xFFFFFF80  }
0x1d: {  	[tilespmem:s3], [sflag:$0x1] =	stream.linear.gather [hbm4b:s7+s3], $0x2800, $0x38;
	[tilespmem:$0x2D80] =	vst v63  }
0x1e: {  	_ =	swait.ge [sflag:s12], $0x2800  }
0x1f: {  	[sflag:s12] =	ssyncset.done $0x0  }
0x20: {  	[sflag:s12] =	ssyncadd.s32 $0xFFFFD800  }
0x21: {  	[tilespmem:s13], [sflag:$0x1] =	stream.linear.gather [spmem:s8], $0x80, $0x38;
	[tilespmem:$0x2D80] =	vst v63  }
0x22: {  	_ =	swait.ge [sflag:s12], $0x80  }
0x23: {  	[sflag:s12] =	ssyncset.done $0x0  }
0x24: {  	[sflag:s12] =	ssyncadd.s32 $0xFFFFFF80  }
0x25: {  	[tilespmem:s13], [sflag:$0x1] =	stream.linear.gather [hbm4b:s4+s3], $0x80, $0x38;
	[tilespmem:$0x2D80] =	vst v63  }
0x26: {  	_ =	swait.ge [sflag:s12], $0x80  }
0x27: {  	[sflag:s12] =	ssyncset.done $0x0  }
0x28: {  	[sflag:s12] =	ssyncadd.s32 $0xFFFFFF80  }
0x29: {  	s20 =	simm.s32 $0x0;
	[bflag:$0x0] =	sbarrier.arrive $0xFFFF  }
0x2a: {  	[spmem:s2] =	stream.indirect.scatter.add.f32 [tilespmem:s13], [sflag:$0x1], $0x1, s20, s14, $0xb8;
	[tilespmem:$0x2D80] =	vst v63  }
0x2b: {  	_ =	swait.ge [sflag:s12], $0x80  }
0x2c: {  	s20 =	simm.s32 $0x200;
	[sflag:s12] =	ssyncset.done $0x0  }
.LBB2_2:
0x2d: {  	s21 =	sshra.s32 s20, $0x2;
	[sflag:s12] =	ssyncadd.s32 $0xFFFFFF80;
	p0 =	sne.s32 s20, $0x9E00  }
0x2e: {  	[spmem:s2] =	stream.indirect.scatter.add.f32 [tilespmem:s13], [sflag:$0x1], $0x1, s21, s14, $0xb8;
	[tilespmem:$0x2D80] =	vst v63  }
.Ltmp0:
0x2f: {  	_ = 	snop;
	(pc) =	sbr.rel @p0 .LBB2_2-.Ltmp0, $4  }
0x30: {  	_ = 	snop  }
0x31: {  	s20 =	sadd.s32 $0x200, s20  }
0x32: {  	_ =	swait.ge [sflag:s12], $0x80  }
0x33: {  	[sflag:s12] =	ssyncset.done $0x0  }
0x34: {  	[sflag:s12] =	ssyncadd.s32 $0xFFFFFF80  }
0x35: {  	[bflag:$0x0] =	sbarrier.arrive $0xFFFF  }
0x36: {  	[tilespmem:s3], [sflag:$0x1] =	stream.linear.gather [hbm4b:s7+s3], $0x400, $0x38;
	[tilespmem:$0x2D80] =	vst v63  }
0x37: {  	_ =	swait.ge [sflag:s12], $0x400  }
0x38: {  	s19 =	sadd.s32 $0x1, s19;
	[sflag:s12] =	ssyncset.done $0x0  }
0x39: {  	p0 =	sne.s32 s19, s10;
	[sflag:s12] =	ssyncadd.s32 $0xFFFFFC00  }
.Ltmp1:
0x3a: {  	[bflag:$0x0] =	sbarrier.arrive $0xFFFF;
	(pc) =	sbr.rel @p0 .LBB2_1-.Ltmp1, $4  }
0x3b: {  	[hbm:s9@s17], [sflag:s15] =	dma.strided [spmem:s16@s18], $0x50, s12, $0x10   }
0x3c: {  	_ =	swait.ge [sflag:s12], $0x50  }
0x3d: {  	[sflag:s12] =	ssyncset.done $0x0  }
0x3e: {  	[sflag:s12] =	ssyncadd.s32 $0xFFFFFFB0  }
0x3f: {  	_ =	sfence.sel $0x180000  }
0x40: {  	[bflag:$0x0] =	sbarrier.arrive $0xFFFF  }
0x41: {  	p0 =	sne.s32 s1, $0x0;
	_ =	strace $0x90000047  }
0x42: {  	s0 =	sadd.s32 @!p0 $0x100000, s0;
	[bflag:$0x2] =	sbarrier.arrive $0xFFFF  }
0x43: {  	[sflag:s0] =	ssyncadd.tile.s32 @!p0 $0x1;
	_ =	shalt  }
.Lfunc_end2:
_tile_overlayer_lowered:
.L_overlay_start_2:
0x44: {  	(tag) =	ssettag $0x2  }
0x45: {  	s0 =	rddreg [dreg:$0x0];
	s2 =	stileid.u32  }
0x46: {  	s1 =	rddreg [dreg:$0x1];
	p0 =	sne.s32 s2, $0x0  }
0x47: {  	s3 =	rddreg [dreg:$0x2];
	[bflag:$0x3] =	sbarrier.arrive $0xFFFF;
	s2 =	simm.s32 @!p0 $0x1C01  }
0x48: {  	[timem:s3], [sflag:s2] =	dma.local @!p0 [hbm:s0], s1  }
0x49: {  	s0 =	simm.s32 @!p0 $0x1  }
0x4a: {  	_ =	swait.ge @!p0 [sflag:s0], s1  }
0x4b: {  	s1 =	ssub.s32 @!p0 $0x0, s1;
	[sflag:s0] =	ssyncset.done @!p0 $0x0  }
0x4c: {  	[sflag:s0] =	ssyncadd.s32 @!p0 s1  }
0x4d: {  	[bflag:$0x3] =	sbarrier.arrive $0xFFFF  }
0x4e: {  	_ =	shalt  }

</sc_bundles>
